<compile_context>
chip_gen: v7x
topology: tpu7x:2x2x1
jax: 0.10.2.dev20260603
libtpu: 0.0.44.dev20260713+nightly
codegen_flags: <defaults>
</compile_context>

<pallas_src>
import jax
import jax.numpy as jnp
from jax import lax
from jax.experimental import pallas as pl
from jax.experimental.pallas import tpu as pltpu
from jax.experimental.pallas import tpu_sc as plsc

_ROWS = 128
_COLS = 32768
_CH = 8192
_NW = 32
_RPW = _ROWS // _NW


def _sc_body(x_hbm, o_hbm, inbuf, outbuf):
    wid = lax.axis_index("s") * 2 + lax.axis_index("c")

    lane = lax.iota(jnp.int32, 16)
    idxs = [jnp.maximum(lane - sh, 0) for sh in (1, 2, 4, 8)]
    masks = [lane >= sh for sh in (1, 2, 4, 8)]
    last = lane * 0 + 15

    def vscan(v):
        s = v
        for idx, mk in zip(idxs, masks):
            shifted = s.at[idx].get(mode="promise_in_bounds")
            s = s + jnp.where(mk, shifted, 0.0)
        return s

    carries = tuple(jnp.zeros((16,), jnp.float32) for _ in range(_RPW))
    for ch in range(_COLS // _CH):
        for r in range(_RPW):
            base = (wid * _RPW + r) * _COLS + ch * _CH
            pltpu.sync_copy(x_hbm.at[pl.ds(base, _CH)], inbuf.at[r])

        def body(i, cs):
            out = []
            for r in range(_RPW):
                s = vscan(inbuf[r, pl.ds(i * 16, 16)]) + cs[r]
                outbuf[r, pl.ds(i * 16, 16)] = s
                out.append(s.at[last].get(mode="promise_in_bounds"))
            return tuple(out)

        carries = lax.fori_loop(0, _CH // 16, body, carries)

        for r in range(_RPW):
            base = (wid * _RPW + r) * _COLS + ch * _CH
            pltpu.sync_copy(outbuf.at[r], o_hbm.at[pl.ds(base, _CH)])


def kernel(x):
    m, n = x.shape
    flat = x.reshape(m * n)
    out = pl.kernel(
        _sc_body,
        mesh=plsc.VectorSubcoreMesh(core_axis_name="c", subcore_axis_name="s"),
        out_type=jax.ShapeDtypeStruct((m * n,), jnp.float32),
        scratch_types=[
            pltpu.VMEM((_RPW, _CH), jnp.float32),
            pltpu.VMEM((_RPW, _CH), jnp.float32),
        ],
    )(flat)
    return out.reshape(m, n)

# --- scband reference (transcript-rebuilt; emitter-appended) ---
"""Pipeline reference for scband-model-new-23656679867013 (READ-ONLY COPY).

The authoritative reference and input builder live on the scoring server;
editing this copy changes nothing except your own understanding.
"""

import jax, jax.numpy as jnp
import numpy as np

def setup_inputs(seed: int = 0) -> dict:
    key = jax.random.key(seed)
    x = jax.random.normal(key, (128, 32768), dtype=jnp.float32)
    return {"x": x}

def reference(x):
    # Inclusive cumulative sum along dim=1, matching torch.cumsum(x, dim=1)
    return jnp.cumsum(x, axis=1)

if __name__ == "__main__":
    import jax
    _d = setup_inputs()
    print(jax.jit(kernel)(*tuple(_d.values())))

</pallas_src>

<mosaic_0001>
#map = affine_map<(d0, d1) -> (0)>
module attributes {stable_mosaic.version = 14 : i64} {
  func.func @_sc_body(%arg0: i32, %arg1: i32, %arg2: memref<4194304xf32, #tpu.memory_space<hbm>>, %arg3: memref<4194304xf32, #tpu.memory_space<hbm>>, %arg4: memref<4x8192xf32, #tpu.memory_space<vmem>>, %arg5: memref<4x8192xf32, #tpu.memory_space<vmem>>) attributes {dimension_semantics = [#tpu.dimension_semantics<core_parallel>, #tpu.dimension_semantics<subcore_parallel>], iteration_bounds = array<i64: 2, 16>, scalar_prefetch = 0 : i64, scratch_operands = 2 : i64, tpu.core_type = #tpu.core_type<sc_vector_subcore>, window_params = [{transform_indices = #map}, {transform_indices = #map}]} {
    %mul3A = arith.constant 2 : i32
    %mul3A_0 = arith.muli %arg1, %mul3A : i32
    %add3A = arith.addi %mul3A_0, %arg0 : i32
    %iota3A = tpu.iota {dimensions = array<i32: 0>} : vector<16xi32>
    %sub3A = arith.constant 1 : i32
    %sub3A_1 = vector.broadcast %sub3A : i32 to vector<16xi32>
    %sub3A_2 = arith.subi %iota3A, %sub3A_1 : vector<16xi32>
    %max3A = arith.constant 0 : i32
    %max3A_3 = vector.broadcast %max3A : i32 to vector<16xi32>
    %max3A_4 = arith.maxsi %sub3A_2, %max3A_3 : vector<16xi32>
    %sub3A_5 = arith.constant 2 : i32
    %sub3A_6 = vector.broadcast %sub3A_5 : i32 to vector<16xi32>
    %sub3A_7 = arith.subi %iota3A, %sub3A_6 : vector<16xi32>
    %max3A_8 = arith.constant 0 : i32
    %max3A_9 = vector.broadcast %max3A_8 : i32 to vector<16xi32>
    %max3A_10 = arith.maxsi %sub3A_7, %max3A_9 : vector<16xi32>
    %sub3A_11 = arith.constant 4 : i32
    %sub3A_12 = vector.broadcast %sub3A_11 : i32 to vector<16xi32>
    %sub3A_13 = arith.subi %iota3A, %sub3A_12 : vector<16xi32>
    %max3A_14 = arith.constant 0 : i32
    %max3A_15 = vector.broadcast %max3A_14 : i32 to vector<16xi32>
    %max3A_16 = arith.maxsi %sub3A_13, %max3A_15 : vector<16xi32>
    %sub3A_17 = arith.constant 8 : i32
    %sub3A_18 = vector.broadcast %sub3A_17 : i32 to vector<16xi32>
    %sub3A_19 = arith.subi %iota3A, %sub3A_18 : vector<16xi32>
    %max3A_20 = arith.constant 0 : i32
    %max3A_21 = vector.broadcast %max3A_20 : i32 to vector<16xi32>
    %max3A_22 = arith.maxsi %sub3A_19, %max3A_21 : vector<16xi32>
    %ge3A = arith.constant 1 : i32
    %ge3A_23 = vector.broadcast %ge3A : i32 to vector<16xi32>
    %ge3A_24 = arith.cmpi sge, %iota3A, %ge3A_23 : vector<16xi32>
    %ge3A_25 = arith.constant 2 : i32
    %ge3A_26 = vector.broadcast %ge3A_25 : i32 to vector<16xi32>
    %ge3A_27 = arith.cmpi sge, %iota3A, %ge3A_26 : vector<16xi32>
    %ge3A_28 = arith.constant 4 : i32
    %ge3A_29 = vector.broadcast %ge3A_28 : i32 to vector<16xi32>
    %ge3A_30 = arith.cmpi sge, %iota3A, %ge3A_29 : vector<16xi32>
    %ge3A_31 = arith.constant 8 : i32
    %ge3A_32 = vector.broadcast %ge3A_31 : i32 to vector<16xi32>
    %ge3A_33 = arith.cmpi sge, %iota3A, %ge3A_32 : vector<16xi32>
    %mul3A_34 = arith.constant 0 : i32
    %mul3A_35 = vector.broadcast %mul3A_34 : i32 to vector<16xi32>
    %mul3A_36 = arith.muli %iota3A, %mul3A_35 : vector<16xi32>
    %add3A_37 = arith.constant 15 : i32
    %add3A_38 = vector.broadcast %add3A_37 : i32 to vector<16xi32>
    %add3A_39 = arith.addi %mul3A_36, %add3A_38 : vector<16xi32>
    %broadcast_in_dim3A = arith.constant 0.000000e+00 : f32
    %broadcast_in_dim3A_40 = vector.broadcast %broadcast_in_dim3A : f32 to vector<16xf32>
    %broadcast_in_dim3A_41 = arith.constant 0.000000e+00 : f32
    %broadcast_in_dim3A_42 = vector.broadcast %broadcast_in_dim3A_41 : f32 to vector<16xf32>
    %broadcast_in_dim3A_43 = arith.constant 0.000000e+00 : f32
    %broadcast_in_dim3A_44 = vector.broadcast %broadcast_in_dim3A_43 : f32 to vector<16xf32>
    %broadcast_in_dim3A_45 = arith.constant 0.000000e+00 : f32
    %broadcast_in_dim3A_46 = vector.broadcast %broadcast_in_dim3A_45 : f32 to vector<16xf32>
    %mul3A_47 = arith.constant 4 : i32
    %mul3A_48 = arith.muli %add3A, %mul3A_47 : i32
    %add3A_49 = arith.constant 0 : i32
    %add3A_50 = arith.addi %mul3A_48, %add3A_49 : i32
    %mul3A_51 = arith.constant 32768 : i32
    %mul3A_52 = arith.muli %add3A_50, %mul3A_51 : i32
    %add3A_53 = arith.constant 0 : i32
    %add3A_54 = arith.addi %mul3A_52, %add3A_53 : i32
    %run_scoped3A = arith.constant 0 : i32
    "tpu.region"() ({
      %run_scoped3A_357 = tpu.sem_alloc : memref<!tpu.dma_semaphore, #tpu.memory_space<semaphore_mem>>
      %dma_start3A = arith.constant 0 : i32
      %dma_start3A_358 = tpu.memref_slice %arg4[%run_scoped3A, %dma_start3A] : memref<4x8192xf32, #tpu.memory_space<vmem>> -> memref<1x8192xf32, #tpu.memory_space<vmem>>
      %dma_start3A_359 = tpu.memref_squeeze %dma_start3A_358 : memref<1x8192xf32, #tpu.memory_space<vmem>> -> memref<8192xf32, #tpu.memory_space<vmem>>
      %dma_start3A_360 = tpu.memref_slice %arg2[%add3A_54] : memref<4194304xf32, #tpu.memory_space<hbm>> -> memref<8192xf32, #tpu.memory_space<hbm>>
      %dma_start3A_361 = arith.constant 0 : i32
      %dma_start3A_362 = tpu.memref_slice %arg4[%run_scoped3A, %dma_start3A_361] : memref<4x8192xf32, #tpu.memory_space<vmem>> -> memref<1x8192xf32, #tpu.memory_space<vmem>>
      %dma_start3A_363 = tpu.memref_squeeze %dma_start3A_362 : memref<1x8192xf32, #tpu.memory_space<vmem>> -> memref<8192xf32, #tpu.memory_space<vmem>>
      %dma_start3A_364 = tpu.memref_slice %arg2[%add3A_54] : memref<4194304xf32, #tpu.memory_space<hbm>> -> memref<8192xf32, #tpu.memory_space<hbm>>
      tpu.enqueue_dma source(%dma_start3A_364 : memref<8192xf32, #tpu.memory_space<hbm>>) target(%dma_start3A_363 : memref<8192xf32, #tpu.memory_space<vmem>>) target_semaphore(%run_scoped3A_357 : memref<!tpu.dma_semaphore, #tpu.memory_space<semaphore_mem>>)
      %dma_wait3A = arith.constant 0 : i32
      %dma_wait3A_365 = tpu.memref_slice %arg4[%run_scoped3A, %dma_wait3A] : memref<4x8192xf32, #tpu.memory_space<vmem>> -> memref<1x8192xf32, #tpu.memory_space<vmem>>
      %dma_wait3A_366 = tpu.memref_squeeze %dma_wait3A_365 : memref<1x8192xf32, #tpu.memory_space<vmem>> -> memref<8192xf32, #tpu.memory_space<vmem>>
      %dma_wait3A_367 = tpu.memref_slice %arg2[%add3A_54] : memref<4194304xf32, #tpu.memory_space<hbm>> -> memref<8192xf32, #tpu.memory_space<hbm>>
      %dma_wait3A_368 = arith.constant 0 : i32
      %dma_wait3A_369 = tpu.memref_slice %arg4[%run_scoped3A, %dma_wait3A_368] : memref<4x8192xf32, #tpu.memory_space<vmem>> -> memref<1x8192xf32, #tpu.memory_space<vmem>>
      %dma_wait3A_370 = tpu.memref_squeeze %dma_wait3A_369 : memref<1x8192xf32, #tpu.memory_space<vmem>> -> memref<8192xf32, #tpu.memory_space<vmem>>
      %dma_wait3A_371 = tpu.memref_slice %arg2[%add3A_54] : memref<4194304xf32, #tpu.memory_space<hbm>> -> memref<8192xf32, #tpu.memory_space<hbm>>
      tpu.wait_dma2 semaphore(%run_scoped3A_357 : memref<!tpu.dma_semaphore, #tpu.memory_space<semaphore_mem>>) src(%dma_wait3A_371 : memref<8192xf32, #tpu.memory_space<hbm>>) dst(%dma_wait3A_370 : memref<8192xf32, #tpu.memory_space<vmem>>)
      tpu.yield
    }) : () -> ()
    %mul3A_55 = arith.constant 4 : i32
    %mul3A_56 = arith.muli %add3A, %mul3A_55 : i32
    %add3A_57 = arith.constant 1 : i32
    %add3A_58 = arith.addi %mul3A_56, %add3A_57 : i32
    %mul3A_59 = arith.constant 32768 : i32
    %mul3A_60 = arith.muli %add3A_58, %mul3A_59 : i32
    %add3A_61 = arith.constant 0 : i32
    %add3A_62 = arith.addi %mul3A_60, %add3A_61 : i32
    %run_scoped3A_63 = arith.constant 1 : i32
    "tpu.region"() ({
      %run_scoped3A_357 = tpu.sem_alloc : memref<!tpu.dma_semaphore, #tpu.memory_space<semaphore_mem>>
      %dma_start3A = arith.constant 0 : i32
      %dma_start3A_358 = tpu.memref_slice %arg4[%run_scoped3A_63, %dma_start3A] : memref<4x8192xf32, #tpu.memory_space<vmem>> -> memref<1x8192xf32, #tpu.memory_space<vmem>>
      %dma_start3A_359 = tpu.memref_squeeze %dma_start3A_358 : memref<1x8192xf32, #tpu.memory_space<vmem>> -> memref<8192xf32, #tpu.memory_space<vmem>>
      %dma_start3A_360 = tpu.memref_slice %arg2[%add3A_62] : memref<4194304xf32, #tpu.memory_space<hbm>> -> memref<8192xf32, #tpu.memory_space<hbm>>
      %dma_start3A_361 = arith.constant 0 : i32
      %dma_start3A_362 = tpu.memref_slice %arg4[%run_scoped3A_63, %dma_start3A_361] : memref<4x8192xf32, #tpu.memory_space<vmem>> -> memref<1x8192xf32, #tpu.memory_space<vmem>>
      %dma_start3A_363 = tpu.memref_squeeze %dma_start3A_362 : memref<1x8192xf32, #tpu.memory_space<vmem>> -> memref<8192xf32, #tpu.memory_space<vmem>>
      %dma_start3A_364 = tpu.memref_slice %arg2[%add3A_62] : memref<4194304xf32, #tpu.memory_space<hbm>> -> memref<8192xf32, #tpu.memory_space<hbm>>
      tpu.enqueue_dma source(%dma_start3A_364 : memref<8192xf32, #tpu.memory_space<hbm>>) target(%dma_start3A_363 : memref<8192xf32, #tpu.memory_space<vmem>>) target_semaphore(%run_scoped3A_357 : memref<!tpu.dma_semaphore, #tpu.memory_space<semaphore_mem>>)
      %dma_wait3A = arith.constant 0 : i32
      %dma_wait3A_365 = tpu.memref_slice %arg4[%run_scoped3A_63, %dma_wait3A] : memref<4x8192xf32, #tpu.memory_space<vmem>> -> memref<1x8192xf32, #tpu.memory_space<vmem>>
      %dma_wait3A_366 = tpu.memref_squeeze %dma_wait3A_365 : memref<1x8192xf32, #tpu.memory_space<vmem>> -> memref<8192xf32, #tpu.memory_space<vmem>>
      %dma_wait3A_367 = tpu.memref_slice %arg2[%add3A_62] : memref<4194304xf32, #tpu.memory_space<hbm>> -> memref<8192xf32, #tpu.memory_space<hbm>>
      %dma_wait3A_368 = arith.constant 0 : i32
      %dma_wait3A_369 = tpu.memref_slice %arg4[%run_scoped3A_63, %dma_wait3A_368] : memref<4x8192xf32, #tpu.memory_space<vmem>> -> memref<1x8192xf32, #tpu.memory_space<vmem>>
      %dma_wait3A_370 = tpu.memref_squeeze %dma_wait3A_369 : memref<1x8192xf32, #tpu.memory_space<vmem>> -> memref<8192xf32, #tpu.memory_space<vmem>>
      %dma_wait3A_371 = tpu.memref_slice %arg2[%add3A_62] : memref<4194304xf32, #tpu.memory_space<hbm>> -> memref<8192xf32, #tpu.memory_space<hbm>>
      tpu.wait_dma2 semaphore(%run_scoped3A_357 : memref<!tpu.dma_semaphore, #tpu.memory_space<semaphore_mem>>) src(%dma_wait3A_371 : memref<8192xf32, #tpu.memory_space<hbm>>) dst(%dma_wait3A_370 : memref<8192xf32, #tpu.memory_space<vmem>>)
      tpu.yield
    }) : () -> ()
    %mul3A_64 = arith.constant 4 : i32
    %mul3A_65 = arith.muli %add3A, %mul3A_64 : i32
    %add3A_66 = arith.constant 2 : i32
    %add3A_67 = arith.addi %mul3A_65, %add3A_66 : i32
    %mul3A_68 = arith.constant 32768 : i32
    %mul3A_69 = arith.muli %add3A_67, %mul3A_68 : i32
    %add3A_70 = arith.constant 0 : i32
    %add3A_71 = arith.addi %mul3A_69, %add3A_70 : i32
    %run_scoped3A_72 = arith.constant 2 : i32
    "tpu.region"() ({
      %run_scoped3A_357 = tpu.sem_alloc : memref<!tpu.dma_semaphore, #tpu.memory_space<semaphore_mem>>
      %dma_start3A = arith.constant 0 : i32
      %dma_start3A_358 = tpu.memref_slice %arg4[%run_scoped3A_72, %dma_start3A] : memref<4x8192xf32, #tpu.memory_space<vmem>> -> memref<1x8192xf32, #tpu.memory_space<vmem>>
      %dma_start3A_359 = tpu.memref_squeeze %dma_start3A_358 : memref<1x8192xf32, #tpu.memory_space<vmem>> -> memref<8192xf32, #tpu.memory_space<vmem>>
      %dma_start3A_360 = tpu.memref_slice %arg2[%add3A_71] : memref<4194304xf32, #tpu.memory_space<hbm>> -> memref<8192xf32, #tpu.memory_space<hbm>>
      %dma_start3A_361 = arith.constant 0 : i32
      %dma_start3A_362 = tpu.memref_slice %arg4[%run_scoped3A_72, %dma_start3A_361] : memref<4x8192xf32, #tpu.memory_space<vmem>> -> memref<1x8192xf32, #tpu.memory_space<vmem>>
      %dma_start3A_363 = tpu.memref_squeeze %dma_start3A_362 : memref<1x8192xf32, #tpu.memory_space<vmem>> -> memref<8192xf32, #tpu.memory_space<vmem>>
      %dma_start3A_364 = tpu.memref_slice %arg2[%add3A_71] : memref<4194304xf32, #tpu.memory_space<hbm>> -> memref<8192xf32, #tpu.memory_space<hbm>>
      tpu.enqueue_dma source(%dma_start3A_364 : memref<8192xf32, #tpu.memory_space<hbm>>) target(%dma_start3A_363 : memref<8192xf32, #tpu.memory_space<vmem>>) target_semaphore(%run_scoped3A_357 : memref<!tpu.dma_semaphore, #tpu.memory_space<semaphore_mem>>)
      %dma_wait3A = arith.constant 0 : i32
      %dma_wait3A_365 = tpu.memref_slice %arg4[%run_scoped3A_72, %dma_wait3A] : memref<4x8192xf32, #tpu.memory_space<vmem>> -> memref<1x8192xf32, #tpu.memory_space<vmem>>
      %dma_wait3A_366 = tpu.memref_squeeze %dma_wait3A_365 : memref<1x8192xf32, #tpu.memory_space<vmem>> -> memref<8192xf32, #tpu.memory_space<vmem>>
      %dma_wait3A_367 = tpu.memref_slice %arg2[%add3A_71] : memref<4194304xf32, #tpu.memory_space<hbm>> -> memref<8192xf32, #tpu.memory_space<hbm>>
      %dma_wait3A_368 = arith.constant 0 : i32
      %dma_wait3A_369 = tpu.memref_slice %arg4[%run_scoped3A_72, %dma_wait3A_368] : memref<4x8192xf32, #tpu.memory_space<vmem>> -> memref<1x8192xf32, #tpu.memory_space<vmem>>
      %dma_wait3A_370 = tpu.memref_squeeze %dma_wait3A_369 : memref<1x8192xf32, #tpu.memory_space<vmem>> -> memref<8192xf32, #tpu.memory_space<vmem>>
      %dma_wait3A_371 = tpu.memref_slice %arg2[%add3A_71] : memref<4194304xf32, #tpu.memory_space<hbm>> -> memref<8192xf32, #tpu.memory_space<hbm>>
      tpu.wait_dma2 semaphore(%run_scoped3A_357 : memref<!tpu.dma_semaphore, #tpu.memory_space<semaphore_mem>>) src(%dma_wait3A_371 : memref<8192xf32, #tpu.memory_space<hbm>>) dst(%dma_wait3A_370 : memref<8192xf32, #tpu.memory_space<vmem>>)
      tpu.yield
    }) : () -> ()
    %mul3A_73 = arith.constant 4 : i32
    %mul3A_74 = arith.muli %add3A, %mul3A_73 : i32
    %add3A_75 = arith.constant 3 : i32
    %add3A_76 = arith.addi %mul3A_74, %add3A_75 : i32
    %mul3A_77 = arith.constant 32768 : i32
    %mul3A_78 = arith.muli %add3A_76, %mul3A_77 : i32
    %add3A_79 = arith.constant 0 : i32
    %add3A_80 = arith.addi %mul3A_78, %add3A_79 : i32
    %run_scoped3A_81 = arith.constant 3 : i32
    "tpu.region"() ({
      %run_scoped3A_357 = tpu.sem_alloc : memref<!tpu.dma_semaphore, #tpu.memory_space<semaphore_mem>>
      %dma_start3A = arith.constant 0 : i32
      %dma_start3A_358 = tpu.memref_slice %arg4[%run_scoped3A_81, %dma_start3A] : memref<4x8192xf32, #tpu.memory_space<vmem>> -> memref<1x8192xf32, #tpu.memory_space<vmem>>
      %dma_start3A_359 = tpu.memref_squeeze %dma_start3A_358 : memref<1x8192xf32, #tpu.memory_space<vmem>> -> memref<8192xf32, #tpu.memory_space<vmem>>
      %dma_start3A_360 = tpu.memref_slice %arg2[%add3A_80] : memref<4194304xf32, #tpu.memory_space<hbm>> -> memref<8192xf32, #tpu.memory_space<hbm>>
      %dma_start3A_361 = arith.constant 0 : i32
      %dma_start3A_362 = tpu.memref_slice %arg4[%run_scoped3A_81, %dma_start3A_361] : memref<4x8192xf32, #tpu.memory_space<vmem>> -> memref<1x8192xf32, #tpu.memory_space<vmem>>
      %dma_start3A_363 = tpu.memref_squeeze %dma_start3A_362 : memref<1x8192xf32, #tpu.memory_space<vmem>> -> memref<8192xf32, #tpu.memory_space<vmem>>
      %dma_start3A_364 = tpu.memref_slice %arg2[%add3A_80] : memref<4194304xf32, #tpu.memory_space<hbm>> -> memref<8192xf32, #tpu.memory_space<hbm>>
      tpu.enqueue_dma source(%dma_start3A_364 : memref<8192xf32, #tpu.memory_space<hbm>>) target(%dma_start3A_363 : memref<8192xf32, #tpu.memory_space<vmem>>) target_semaphore(%run_scoped3A_357 : memref<!tpu.dma_semaphore, #tpu.memory_space<semaphore_mem>>)
      %dma_wait3A = arith.constant 0 : i32
      %dma_wait3A_365 = tpu.memref_slice %arg4[%run_scoped3A_81, %dma_wait3A] : memref<4x8192xf32, #tpu.memory_space<vmem>> -> memref<1x8192xf32, #tpu.memory_space<vmem>>
      %dma_wait3A_366 = tpu.memref_squeeze %dma_wait3A_365 : memref<1x8192xf32, #tpu.memory_space<vmem>> -> memref<8192xf32, #tpu.memory_space<vmem>>
      %dma_wait3A_367 = tpu.memref_slice %arg2[%add3A_80] : memref<4194304xf32, #tpu.memory_space<hbm>> -> memref<8192xf32, #tpu.memory_space<hbm>>
      %dma_wait3A_368 = arith.constant 0 : i32
      %dma_wait3A_369 = tpu.memref_slice %arg4[%run_scoped3A_81, %dma_wait3A_368] : memref<4x8192xf32, #tpu.memory_space<vmem>> -> memref<1x8192xf32, #tpu.memory_space<vmem>>
      %dma_wait3A_370 = tpu.memref_squeeze %dma_wait3A_369 : memref<1x8192xf32, #tpu.memory_space<vmem>> -> memref<8192xf32, #tpu.memory_space<vmem>>
      %dma_wait3A_371 = tpu.memref_slice %arg2[%add3A_80] : memref<4194304xf32, #tpu.memory_space<hbm>> -> memref<8192xf32, #tpu.memory_space<hbm>>
      tpu.wait_dma2 semaphore(%run_scoped3A_357 : memref<!tpu.dma_semaphore, #tpu.memory_space<semaphore_mem>>) src(%dma_wait3A_371 : memref<8192xf32, #tpu.memory_space<hbm>>) dst(%dma_wait3A_370 : memref<8192xf32, #tpu.memory_space<vmem>>)
      tpu.yield
    }) : () -> ()
    %scan3A = arith.constant 0 : i32
    %scan3A_82 = arith.constant 512 : i32
    %scan3A_83 = arith.addi %scan3A, %scan3A_82 : i32
    %scan3A_84 = arith.constant 1 : i32
    %scan3A_85:4 = scf.for %scan3A_357 = %scan3A to %scan3A_83 step %scan3A_84 iter_args(%scan3A_358 = %broadcast_in_dim3A_40, %scan3A_359 = %broadcast_in_dim3A_42, %scan3A_360 = %broadcast_in_dim3A_44, %scan3A_361 = %broadcast_in_dim3A_46) -> (vector<16xf32>, vector<16xf32>, vector<16xf32>, vector<16xf32>)  : i32 {
      %mul3A_362 = arith.constant 16 : i32
      %mul3A_363 = arith.muli %scan3A_357, %mul3A_362 : i32
      %get3A = arith.constant 0 : i32
      %get3A_364 = arith.index_cast %get3A : i32 to index
      %get3A_365 = arith.index_cast %mul3A_363 : i32 to index
      %get3A_366 = tpu.vector_load %arg4[%get3A_364, %get3A_365] {strides = array<i32>} : memref<4x8192xf32, #tpu.memory_space<vmem>>, vector<1x16xf32>,
      %get3A_367 = vector.shape_cast %get3A_366 : vector<1x16xf32> to vector<16xf32>
      %lt3A = arith.constant 0 : i32
      %lt3A_368 = vector.broadcast %lt3A : i32 to vector<16xi32>
      %lt3A_369 = arith.cmpi slt, %max3A_4, %lt3A_368 : vector<16xi32>
      %add3A_370 = arith.constant 16 : i32
      %add3A_371 = vector.broadcast %add3A_370 : i32 to vector<16xi32>
      %add3A_372 = arith.addi %max3A_4, %add3A_371 : vector<16xi32>
      %select_n3A = arith.select %lt3A_369, %add3A_372, %max3A_4 : vector<16xi1>, vector<16xi32>
      %broadcast_in_dim3A_373 = vector.shape_cast %select_n3A : vector<16xi32> to vector<16x1xi32>
      %gather3A = vector.shape_cast %broadcast_in_dim3A_373 : vector<16x1xi32> to vector<16xi32>
      %gather3A_374 = tpu.dynamic_gather %get3A_367[%gather3A] in [0] : vector<16xf32>, vector<16xi32> -> vector<16xf32>
      %jit3A = arith.constant 0.000000e+00 : f32
      %broadcast_in_dim3A_375 = vector.broadcast %jit3A : f32 to vector<16xf32>
      %select_n3A_376 = arith.select %ge3A_24, %gather3A_374, %broadcast_in_dim3A_375 : vector<16xi1>, vector<16xf32>
      %add3A_377 = arith.addf %get3A_367, %select_n3A_376 : vector<16xf32>
      %lt3A_378 = arith.constant 0 : i32
      %lt3A_379 = vector.broadcast %lt3A_378 : i32 to vector<16xi32>
      %lt3A_380 = arith.cmpi slt, %max3A_10, %lt3A_379 : vector<16xi32>
      %add3A_381 = arith.constant 16 : i32
      %add3A_382 = vector.broadcast %add3A_381 : i32 to vector<16xi32>
      %add3A_383 = arith.addi %max3A_10, %add3A_382 : vector<16xi32>
      %select_n3A_384 = arith.select %lt3A_380, %add3A_383, %max3A_10 : vector<16xi1>, vector<16xi32>
      %broadcast_in_dim3A_385 = vector.shape_cast %select_n3A_384 : vector<16xi32> to vector<16x1xi32>
      %gather3A_386 = vector.shape_cast %broadcast_in_dim3A_385 : vector<16x1xi32> to vector<16xi32>
      %gather3A_387 = tpu.dynamic_gather %add3A_377[%gather3A_386] in [0] : vector<16xf32>, vector<16xi32> -> vector<16xf32>
      %jit3A_388 = arith.constant 0.000000e+00 : f32
      %broadcast_in_dim3A_389 = vector.broadcast %jit3A_388 : f32 to vector<16xf32>
      %select_n3A_390 = arith.select %ge3A_27, %gather3A_387, %broadcast_in_dim3A_389 : vector<16xi1>, vector<16xf32>
      %add3A_391 = arith.addf %add3A_377, %select_n3A_390 : vector<16xf32>
      %lt3A_392 = arith.constant 0 : i32
      %lt3A_393 = vector.broadcast %lt3A_392 : i32 to vector<16xi32>
      %lt3A_394 = arith.cmpi slt, %max3A_16, %lt3A_393 : vector<16xi32>
      %add3A_395 = arith.constant 16 : i32
      %add3A_396 = vector.broadcast %add3A_395 : i32 to vector<16xi32>
      %add3A_397 = arith.addi %max3A_16, %add3A_396 : vector<16xi32>
      %select_n3A_398 = arith.select %lt3A_394, %add3A_397, %max3A_16 : vector<16xi1>, vector<16xi32>
      %broadcast_in_dim3A_399 = vector.shape_cast %select_n3A_398 : vector<16xi32> to vector<16x1xi32>
      %gather3A_400 = vector.shape_cast %broadcast_in_dim3A_399 : vector<16x1xi32> to vector<16xi32>
      %gather3A_401 = tpu.dynamic_gather %add3A_391[%gather3A_400] in [0] : vector<16xf32>, vector<16xi32> -> vector<16xf32>
      %jit3A_402 = arith.constant 0.000000e+00 : f32
      %broadcast_in_dim3A_403 = vector.broadcast %jit3A_402 : f32 to vector<16xf32>
      %select_n3A_404 = arith.select %ge3A_30, %gather3A_401, %broadcast_in_dim3A_403 : vector<16xi1>, vector<16xf32>
      %add3A_405 = arith.addf %add3A_391, %select_n3A_404 : vector<16xf32>
      %lt3A_406 = arith.constant 0 : i32
      %lt3A_407 = vector.broadcast %lt3A_406 : i32 to vector<16xi32>
      %lt3A_408 = arith.cmpi slt, %max3A_22, %lt3A_407 : vector<16xi32>
      %add3A_409 = arith.constant 16 : i32
      %add3A_410 = vector.broadcast %add3A_409 : i32 to vector<16xi32>
      %add3A_411 = arith.addi %max3A_22, %add3A_410 : vector<16xi32>
      %select_n3A_412 = arith.select %lt3A_408, %add3A_411, %max3A_22 : vector<16xi1>, vector<16xi32>
      %broadcast_in_dim3A_413 = vector.shape_cast %select_n3A_412 : vector<16xi32> to vector<16x1xi32>
      %gather3A_414 = vector.shape_cast %broadcast_in_dim3A_413 : vector<16x1xi32> to vector<16xi32>
      %gather3A_415 = tpu.dynamic_gather %add3A_405[%gather3A_414] in [0] : vector<16xf32>, vector<16xi32> -> vector<16xf32>
      %jit3A_416 = arith.constant 0.000000e+00 : f32
      %broadcast_in_dim3A_417 = vector.broadcast %jit3A_416 : f32 to vector<16xf32>
      %select_n3A_418 = arith.select %ge3A_33, %gather3A_415, %broadcast_in_dim3A_417 : vector<16xi1>, vector<16xf32>
      %add3A_419 = arith.addf %add3A_405, %select_n3A_418 : vector<16xf32>
      %add3A_420 = arith.addf %add3A_419, %scan3A_358 : vector<16xf32>
      %mul3A_421 = arith.constant 16 : i32
      %mul3A_422 = arith.muli %scan3A_357, %mul3A_421 : i32
      %swap3A = arith.constant 0 : i32
      %swap3A_423 = arith.index_cast %swap3A : i32 to index
      %swap3A_424 = arith.index_cast %mul3A_422 : i32 to index
      %swap3A_425 = tpu.vector_load %arg5[%swap3A_423, %swap3A_424] {strides = array<i32>} : memref<4x8192xf32, #tpu.memory_space<vmem>>, vector<1x16xf32>,
      %swap3A_426 = vector.shape_cast %swap3A_425 : vector<1x16xf32> to vector<16xf32>
      %swap3A_427 = vector.shape_cast %add3A_420 : vector<16xf32> to vector<1x16xf32>
      tpu.vector_store %arg5[%swap3A_423, %swap3A_424], %swap3A_427 {strides = array<i32>} : memref<4x8192xf32, #tpu.memory_space<vmem>>, vector<1x16xf32>,
      %lt3A_428 = arith.constant 0 : i32
      %lt3A_429 = vector.broadcast %lt3A_428 : i32 to vector<16xi32>
      %lt3A_430 = arith.cmpi slt, %add3A_39, %lt3A_429 : vector<16xi32>
      %add3A_431 = arith.constant 16 : i32
      %add3A_432 = vector.broadcast %add3A_431 : i32 to vector<16xi32>
      %add3A_433 = arith.addi %add3A_39, %add3A_432 : vector<16xi32>
      %select_n3A_434 = arith.select %lt3A_430, %add3A_433, %add3A_39 : vector<16xi1>, vector<16xi32>
      %broadcast_in_dim3A_435 = vector.shape_cast %select_n3A_434 : vector<16xi32> to vector<16x1xi32>
      %gather3A_436 = vector.shape_cast %broadcast_in_dim3A_435 : vector<16x1xi32> to vector<16xi32>
      %gather3A_437 = tpu.dynamic_gather %add3A_420[%gather3A_436] in [0] : vector<16xf32>, vector<16xi32> -> vector<16xf32>
      %mul3A_438 = arith.constant 16 : i32
      %mul3A_439 = arith.muli %scan3A_357, %mul3A_438 : i32
      %get3A_440 = arith.constant 1 : i32
      %get3A_441 = arith.index_cast %get3A_440 : i32 to index
      %get3A_442 = arith.index_cast %mul3A_439 : i32 to index
      %get3A_443 = tpu.vector_load %arg4[%get3A_441, %get3A_442] {strides = array<i32>} : memref<4x8192xf32, #tpu.memory_space<vmem>>, vector<1x16xf32>,
      %get3A_444 = vector.shape_cast %get3A_443 : vector<1x16xf32> to vector<16xf32>
      %lt3A_445 = arith.constant 0 : i32
      %lt3A_446 = vector.broadcast %lt3A_445 : i32 to vector<16xi32>
      %lt3A_447 = arith.cmpi slt, %max3A_4, %lt3A_446 : vector<16xi32>
      %add3A_448 = arith.constant 16 : i32
      %add3A_449 = vector.broadcast %add3A_448 : i32 to vector<16xi32>
      %add3A_450 = arith.addi %max3A_4, %add3A_449 : vector<16xi32>
      %select_n3A_451 = arith.select %lt3A_447, %add3A_450, %max3A_4 : vector<16xi1>, vector<16xi32>
      %broadcast_in_dim3A_452 = vector.shape_cast %select_n3A_451 : vector<16xi32> to vector<16x1xi32>
      %gather3A_453 = vector.shape_cast %broadcast_in_dim3A_452 : vector<16x1xi32> to vector<16xi32>
      %gather3A_454 = tpu.dynamic_gather %get3A_444[%gather3A_453] in [0] : vector<16xf32>, vector<16xi32> -> vector<16xf32>
      %jit3A_455 = arith.constant 0.000000e+00 : f32
      %broadcast_in_dim3A_456 = vector.broadcast %jit3A_455 : f32 to vector<16xf32>
      %select_n3A_457 = arith.select %ge3A_24, %gather3A_454, %broadcast_in_dim3A_456 : vector<16xi1>, vector<16xf32>
      %add3A_458 = arith.addf %get3A_444, %select_n3A_457 : vector<16xf32>
      %lt3A_459 = arith.constant 0 : i32
      %lt3A_460 = vector.broadcast %lt3A_459 : i32 to vector<16xi32>
      %lt3A_461 = arith.cmpi slt, %max3A_10, %lt3A_460 : vector<16xi32>
      %add3A_462 = arith.constant 16 : i32
      %add3A_463 = vector.broadcast %add3A_462 : i32 to vector<16xi32>
      %add3A_464 = arith.addi %max3A_10, %add3A_463 : vector<16xi32>
      %select_n3A_465 = arith.select %lt3A_461, %add3A_464, %max3A_10 : vector<16xi1>, vector<16xi32>
      %broadcast_in_dim3A_466 = vector.shape_cast %select_n3A_465 : vector<16xi32> to vector<16x1xi32>
      %gather3A_467 = vector.shape_cast %broadcast_in_dim3A_466 : vector<16x1xi32> to vector<16xi32>
      %gather3A_468 = tpu.dynamic_gather %add3A_458[%gather3A_467] in [0] : vector<16xf32>, vector<16xi32> -> vector<16xf32>
      %jit3A_469 = arith.constant 0.000000e+00 : f32
      %broadcast_in_dim3A_470 = vector.broadcast %jit3A_469 : f32 to vector<16xf32>
      %select_n3A_471 = arith.select %ge3A_27, %gather3A_468, %broadcast_in_dim3A_470 : vector<16xi1>, vector<16xf32>
      %add3A_472 = arith.addf %add3A_458, %select_n3A_471 : vector<16xf32>
      %lt3A_473 = arith.constant 0 : i32
      %lt3A_474 = vector.broadcast %lt3A_473 : i32 to vector<16xi32>
      %lt3A_475 = arith.cmpi slt, %max3A_16, %lt3A_474 : vector<16xi32>
      %add3A_476 = arith.constant 16 : i32
      %add3A_477 = vector.broadcast %add3A_476 : i32 to vector<16xi32>
      %add3A_478 = arith.addi %max3A_16, %add3A_477 : vector<16xi32>
      %select_n3A_479 = arith.select %lt3A_475, %add3A_478, %max3A_16 : vector<16xi1>, vector<16xi32>
      %broadcast_in_dim3A_480 = vector.shape_cast %select_n3A_479 : vector<16xi32> to vector<16x1xi32>
      %gather3A_481 = vector.shape_cast %broadcast_in_dim3A_480 : vector<16x1xi32> to vector<16xi32>
      %gather3A_482 = tpu.dynamic_gather %add3A_472[%gather3A_481] in [0] : vector<16xf32>, vector<16xi32> -> vector<16xf32>
      %jit3A_483 = arith.constant 0.000000e+00 : f32
      %broadcast_in_dim3A_484 = vector.broadcast %jit3A_483 : f32 to vector<16xf32>
      %select_n3A_485 = arith.select %ge3A_30, %gather3A_482, %broadcast_in_dim3A_484 : vector<16xi1>, vector<16xf32>
      %add3A_486 = arith.addf %add3A_472, %select_n3A_485 : vector<16xf32>
      %lt3A_487 = arith.constant 0 : i32
      %lt3A_488 = vector.broadcast %lt3A_487 : i32 to vector<16xi32>
      %lt3A_489 = arith.cmpi slt, %max3A_22, %lt3A_488 : vector<16xi32>
      %add3A_490 = arith.constant 16 : i32
      %add3A_491 = vector.broadcast %add3A_490 : i32 to vector<16xi32>
      %add3A_492 = arith.addi %max3A_22, %add3A_491 : vector<16xi32>
      %select_n3A_493 = arith.select %lt3A_489, %add3A_492, %max3A_22 : vector<16xi1>, vector<16xi32>
      %broadcast_in_dim3A_494 = vector.shape_cast %select_n3A_493 : vector<16xi32> to vector<16x1xi32>
      %gather3A_495 = vector.shape_cast %broadcast_in_dim3A_494 : vector<16x1xi32> to vector<16xi32>
      %gather3A_496 = tpu.dynamic_gather %add3A_486[%gather3A_495] in [0] : vector<16xf32>, vector<16xi32> -> vector<16xf32>
      %jit3A_497 = arith.constant 0.000000e+00 : f32
      %broadcast_in_dim3A_498 = vector.broadcast %jit3A_497 : f32 to vector<16xf32>
      %select_n3A_499 = arith.select %ge3A_33, %gather3A_496, %broadcast_in_dim3A_498 : vector<16xi1>, vector<16xf32>
      %add3A_500 = arith.addf %add3A_486, %select_n3A_499 : vector<16xf32>
      %add3A_501 = arith.addf %add3A_500, %scan3A_359 : vector<16xf32>
      %mul3A_502 = arith.constant 16 : i32
      %mul3A_503 = arith.muli %scan3A_357, %mul3A_502 : i32
      %swap3A_504 = arith.constant 1 : i32
      %swap3A_505 = arith.index_cast %swap3A_504 : i32 to index
      %swap3A_506 = arith.index_cast %mul3A_503 : i32 to index
      %swap3A_507 = tpu.vector_load %arg5[%swap3A_505, %swap3A_506] {strides = array<i32>} : memref<4x8192xf32, #tpu.memory_space<vmem>>, vector<1x16xf32>,
      %swap3A_508 = vector.shape_cast %swap3A_507 : vector<1x16xf32> to vector<16xf32>
      %swap3A_509 = vector.shape_cast %add3A_501 : vector<16xf32> to vector<1x16xf32>
      tpu.vector_store %arg5[%swap3A_505, %swap3A_506], %swap3A_509 {strides = array<i32>} : memref<4x8192xf32, #tpu.memory_space<vmem>>, vector<1x16xf32>,
      %lt3A_510 = arith.constant 0 : i32
      %lt3A_511 = vector.broadcast %lt3A_510 : i32 to vector<16xi32>
      %lt3A_512 = arith.cmpi slt, %add3A_39, %lt3A_511 : vector<16xi32>
      %add3A_513 = arith.constant 16 : i32
      %add3A_514 = vector.broadcast %add3A_513 : i32 to vector<16xi32>
      %add3A_515 = arith.addi %add3A_39, %add3A_514 : vector<16xi32>
      %select_n3A_516 = arith.select %lt3A_512, %add3A_515, %add3A_39 : vector<16xi1>, vector<16xi32>
      %broadcast_in_dim3A_517 = vector.shape_cast %select_n3A_516 : vector<16xi32> to vector<16x1xi32>
      %gather3A_518 = vector.shape_cast %broadcast_in_dim3A_517 : vector<16x1xi32> to vector<16xi32>
      %gather3A_519 = tpu.dynamic_gather %add3A_501[%gather3A_518] in [0] : vector<16xf32>, vector<16xi32> -> vector<16xf32>
      %mul3A_520 = arith.constant 16 : i32
      %mul3A_521 = arith.muli %scan3A_357, %mul3A_520 : i32
      %get3A_522 = arith.constant 2 : i32
      %get3A_523 = arith.index_cast %get3A_522 : i32 to index
      %get3A_524 = arith.index_cast %mul3A_521 : i32 to index
      %get3A_525 = tpu.vector_load %arg4[%get3A_523, %get3A_524] {strides = array<i32>} : memref<4x8192xf32, #tpu.memory_space<vmem>>, vector<1x16xf32>,
      %get3A_526 = vector.shape_cast %get3A_525 : vector<1x16xf32> to vector<16xf32>
      %lt3A_527 = arith.constant 0 : i32
      %lt3A_528 = vector.broadcast %lt3A_527 : i32 to vector<16xi32>
      %lt3A_529 = arith.cmpi slt, %max3A_4, %lt3A_528 : vector<16xi32>
      %add3A_530 = arith.constant 16 : i32
      %add3A_531 = vector.broadcast %add3A_530 : i32 to vector<16xi32>
      %add3A_532 = arith.addi %max3A_4, %add3A_531 : vector<16xi32>
      %select_n3A_533 = arith.select %lt3A_529, %add3A_532, %max3A_4 : vector<16xi1>, vector<16xi32>
      %broadcast_in_dim3A_534 = vector.shape_cast %select_n3A_533 : vector<16xi32> to vector<16x1xi32>
      %gather3A_535 = vector.shape_cast %broadcast_in_dim3A_534 : vector<16x1xi32> to vector<16xi32>
      %gather3A_536 = tpu.dynamic_gather %get3A_526[%gather3A_535] in [0] : vector<16xf32>, vector<16xi32> -> vector<16xf32>
      %jit3A_537 = arith.constant 0.000000e+00 : f32
      %broadcast_in_dim3A_538 = vector.broadcast %jit3A_537 : f32 to vector<16xf32>
      %select_n3A_539 = arith.select %ge3A_24, %gather3A_536, %broadcast_in_dim3A_538 : vector<16xi1>, vector<16xf32>
      %add3A_540 = arith.addf %get3A_526, %select_n3A_539 : vector<16xf32>
      %lt3A_541 = arith.constant 0 : i32
      %lt3A_542 = vector.broadcast %lt3A_541 : i32 to vector<16xi32>
      %lt3A_543 = arith.cmpi slt, %max3A_10, %lt3A_542 : vector<16xi32>
      %add3A_544 = arith.constant 16 : i32
      %add3A_545 = vector.broadcast %add3A_544 : i32 to vector<16xi32>
      %add3A_546 = arith.addi %max3A_10, %add3A_545 : vector<16xi32>
      %select_n3A_547 = arith.select %lt3A_543, %add3A_546, %max3A_10 : vector<16xi1>, vector<16xi32>
      %broadcast_in_dim3A_548 = vector.shape_cast %select_n3A_547 : vector<16xi32> to vector<16x1xi32>
      %gather3A_549 = vector.shape_cast %broadcast_in_dim3A_548 : vector<16x1xi32> to vector<16xi32>
      %gather3A_550 = tpu.dynamic_gather %add3A_540[%gather3A_549] in [0] : vector<16xf32>, vector<16xi32> -> vector<16xf32>
      %jit3A_551 = arith.constant 0.000000e+00 : f32
      %broadcast_in_dim3A_552 = vector.broadcast %jit3A_551 : f32 to vector<16xf32>
      %select_n3A_553 = arith.select %ge3A_27, %gather3A_550, %broadcast_in_dim3A_552 : vector<16xi1>, vector<16xf32>
      %add3A_554 = arith.addf %add3A_540, %select_n3A_553 : vector<16xf32>
      %lt3A_555 = arith.constant 0 : i32
      %lt3A_556 = vector.broadcast %lt3A_555 : i32 to vector<16xi32>
      %lt3A_557 = arith.cmpi slt, %max3A_16, %lt3A_556 : vector<16xi32>
      %add3A_558 = arith.constant 16 : i32
      %add3A_559 = vector.broadcast %add3A_558 : i32 to vector<16xi32>
      %add3A_560 = arith.addi %max3A_16, %add3A_559 : vector<16xi32>
      %select_n3A_561 = arith.select %lt3A_557, %add3A_560, %max3A_16 : vector<16xi1>, vector<16xi32>
      %broadcast_in_dim3A_562 = vector.shape_cast %select_n3A_561 : vector<16xi32> to vector<16x1xi32>
      %gather3A_563 = vector.shape_cast %broadcast_in_dim3A_562 : vector<16x1xi32> to vector<16xi32>
      %gather3A_564 = tpu.dynamic_gather %add3A_554[%gather3A_563] in [0] : vector<16xf32>, vector<16xi32> -> vector<16xf32>
      %jit3A_565 = arith.constant 0.000000e+00 : f32
      %broadcast_in_dim3A_566 = vector.broadcast %jit3A_565 : f32 to vector<16xf32>
      %select_n3A_567 = arith.select %ge3A_30, %gather3A_564, %broadcast_in_dim3A_566 : vector<16xi1>, vector<16xf32>
      %add3A_568 = arith.addf %add3A_554, %select_n3A_567 : vector<16xf32>
      %lt3A_569 = arith.constant 0 : i32
      %lt3A_570 = vector.broadcast %lt3A_569 : i32 to vector<16xi32>
      %lt3A_571 = arith.cmpi slt, %max3A_22, %lt3A_570 : vector<16xi32>
      %add3A_572 = arith.constant 16 : i32
      %add3A_573 = vector.broadcast %add3A_572 : i32 to vector<16xi32>
      %add3A_574 = arith.addi %max3A_22, %add3A_573 : vector<16xi32>
      %select_n3A_575 = arith.select %lt3A_571, %add3A_574, %max3A_22 : vector<16xi1>, vector<16xi32>
      %broadcast_in_dim3A_576 = vector.shape_cast %select_n3A_575 : vector<16xi32> to vector<16x1xi32>
      %gather3A_577 = vector.shape_cast %broadcast_in_dim3A_576 : vector<16x1xi32> to vector<16xi32>
      %gather3A_578 = tpu.dynamic_gather %add3A_568[%gather3A_577] in [0] : vector<16xf32>, vector<16xi32> -> vector<16xf32>
      %jit3A_579 = arith.constant 0.000000e+00 : f32
      %broadcast_in_dim3A_580 = vector.broadcast %jit3A_579 : f32 to vector<16xf32>
      %select_n3A_581 = arith.select %ge3A_33, %gather3A_578, %broadcast_in_dim3A_580 : vector<16xi1>, vector<16xf32>
      %add3A_582 = arith.addf %add3A_568, %select_n3A_581 : vector<16xf32>
      %add3A_583 = arith.addf %add3A_582, %scan3A_360 : vector<16xf32>
      %mul3A_584 = arith.constant 16 : i32
      %mul3A_585 = arith.muli %scan3A_357, %mul3A_584 : i32
      %swap3A_586 = arith.constant 2 : i32
      %swap3A_587 = arith.index_cast %swap3A_586 : i32 to index
      %swap3A_588 = arith.index_cast %mul3A_585 : i32 to index
      %swap3A_589 = tpu.vector_load %arg5[%swap3A_587, %swap3A_588] {strides = array<i32>} : memref<4x8192xf32, #tpu.memory_space<vmem>>, vector<1x16xf32>,
      %swap3A_590 = vector.shape_cast %swap3A_589 : vector<1x16xf32> to vector<16xf32>
      %swap3A_591 = vector.shape_cast %add3A_583 : vector<16xf32> to vector<1x16xf32>
      tpu.vector_store %arg5[%swap3A_587, %swap3A_588], %swap3A_591 {strides = array<i32>} : memref<4x8192xf32, #tpu.memory_space<vmem>>, vector<1x16xf32>,
      %lt3A_592 = arith.constant 0 : i32
      %lt3A_593 = vector.broadcast %lt3A_592 : i32 to vector<16xi32>
      %lt3A_594 = arith.cmpi slt, %add3A_39, %lt3A_593 : vector<16xi32>
      %add3A_595 = arith.constant 16 : i32
      %add3A_596 = vector.broadcast %add3A_595 : i32 to vector<16xi32>
      %add3A_597 = arith.addi %add3A_39, %add3A_596 : vector<16xi32>
      %select_n3A_598 = arith.select %lt3A_594, %add3A_597, %add3A_39 : vector<16xi1>, vector<16xi32>
      %broadcast_in_dim3A_599 = vector.shape_cast %select_n3A_598 : vector<16xi32> to vector<16x1xi32>
      %gather3A_600 = vector.shape_cast %broadcast_in_dim3A_599 : vector<16x1xi32> to vector<16xi32>
      %gather3A_601 = tpu.dynamic_gather %add3A_583[%gather3A_600] in [0] : vector<16xf32>, vector<16xi32> -> vector<16xf32>
      %mul3A_602 = arith.constant 16 : i32
      %mul3A_603 = arith.muli %scan3A_357, %mul3A_602 : i32
      %get3A_604 = arith.constant 3 : i32
      %get3A_605 = arith.index_cast %get3A_604 : i32 to index
      %get3A_606 = arith.index_cast %mul3A_603 : i32 to index
      %get3A_607 = tpu.vector_load %arg4[%get3A_605, %get3A_606] {strides = array<i32>} : memref<4x8192xf32, #tpu.memory_space<vmem>>, vector<1x16xf32>,
      %get3A_608 = vector.shape_cast %get3A_607 : vector<1x16xf32> to vector<16xf32>
      %lt3A_609 = arith.constant 0 : i32
      %lt3A_610 = vector.broadcast %lt3A_609 : i32 to vector<16xi32>
      %lt3A_611 = arith.cmpi slt, %max3A_4, %lt3A_610 : vector<16xi32>
      %add3A_612 = arith.constant 16 : i32
      %add3A_613 = vector.broadcast %add3A_612 : i32 to vector<16xi32>
      %add3A_614 = arith.addi %max3A_4, %add3A_613 : vector<16xi32>
      %select_n3A_615 = arith.select %lt3A_611, %add3A_614, %max3A_4 : vector<16xi1>, vector<16xi32>
      %broadcast_in_dim3A_616 = vector.shape_cast %select_n3A_615 : vector<16xi32> to vector<16x1xi32>
      %gather3A_617 = vector.shape_cast %broadcast_in_dim3A_616 : vector<16x1xi32> to vector<16xi32>
      %gather3A_618 = tpu.dynamic_gather %get3A_608[%gather3A_617] in [0] : vector<16xf32>, vector<16xi32> -> vector<16xf32>
      %jit3A_619 = arith.constant 0.000000e+00 : f32
      %broadcast_in_dim3A_620 = vector.broadcast %jit3A_619 : f32 to vector<16xf32>
      %select_n3A_621 = arith.select %ge3A_24, %gather3A_618, %broadcast_in_dim3A_620 : vector<16xi1>, vector<16xf32>
      %add3A_622 = arith.addf %get3A_608, %select_n3A_621 : vector<16xf32>
      %lt3A_623 = arith.constant 0 : i32
      %lt3A_624 = vector.broadcast %lt3A_623 : i32 to vector<16xi32>
      %lt3A_625 = arith.cmpi slt, %max3A_10, %lt3A_624 : vector<16xi32>
      %add3A_626 = arith.constant 16 : i32
      %add3A_627 = vector.broadcast %add3A_626 : i32 to vector<16xi32>
      %add3A_628 = arith.addi %max3A_10, %add3A_627 : vector<16xi32>
      %select_n3A_629 = arith.select %lt3A_625, %add3A_628, %max3A_10 : vector<16xi1>, vector<16xi32>
      %broadcast_in_dim3A_630 = vector.shape_cast %select_n3A_629 : vector<16xi32> to vector<16x1xi32>
      %gather3A_631 = vector.shape_cast %broadcast_in_dim3A_630 : vector<16x1xi32> to vector<16xi32>
      %gather3A_632 = tpu.dynamic_gather %add3A_622[%gather3A_631] in [0] : vector<16xf32>, vector<16xi32> -> vector<16xf32>
      %jit3A_633 = arith.constant 0.000000e+00 : f32
      %broadcast_in_dim3A_634 = vector.broadcast %jit3A_633 : f32 to vector<16xf32>
      %select_n3A_635 = arith.select %ge3A_27, %gather3A_632, %broadcast_in_dim3A_634 : vector<16xi1>, vector<16xf32>
      %add3A_636 = arith.addf %add3A_622, %select_n3A_635 : vector<16xf32>
      %lt3A_637 = arith.constant 0 : i32
      %lt3A_638 = vector.broadcast %lt3A_637 : i32 to vector<16xi32>
      %lt3A_639 = arith.cmpi slt, %max3A_16, %lt3A_638 : vector<16xi32>
      %add3A_640 = arith.constant 16 : i32
      %add3A_641 = vector.broadcast %add3A_640 : i32 to vector<16xi32>
      %add3A_642 = arith.addi %max3A_16, %add3A_641 : vector<16xi32>
      %select_n3A_643 = arith.select %lt3A_639, %add3A_642, %max3A_16 : vector<16xi1>, vector<16xi32>
      %broadcast_in_dim3A_644 = vector.shape_cast %select_n3A_643 : vector<16xi32> to vector<16x1xi32>
      %gather3A_645 = vector.shape_cast %broadcast_in_dim3A_644 : vector<16x1xi32> to vector<16xi32>
      %gather3A_646 = tpu.dynamic_gather %add3A_636[%gather3A_645] in [0] : vector<16xf32>, vector<16xi32> -> vector<16xf32>
      %jit3A_647 = arith.constant 0.000000e+00 : f32
      %broadcast_in_dim3A_648 = vector.broadcast %jit3A_647 : f32 to vector<16xf32>
      %select_n3A_649 = arith.select %ge3A_30, %gather3A_646, %broadcast_in_dim3A_648 : vector<16xi1>, vector<16xf32>
      %add3A_650 = arith.addf %add3A_636, %select_n3A_649 : vector<16xf32>
      %lt3A_651 = arith.constant 0 : i32
      %lt3A_652 = vector.broadcast %lt3A_651 : i32 to vector<16xi32>
      %lt3A_653 = arith.cmpi slt, %max3A_22, %lt3A_652 : vector<16xi32>
      %add3A_654 = arith.constant 16 : i32
      %add3A_655 = vector.broadcast %add3A_654 : i32 to vector<16xi32>
      %add3A_656 = arith.addi %max3A_22, %add3A_655 : vector<16xi32>
      %select_n3A_657 = arith.select %lt3A_653, %add3A_656, %max3A_22 : vector<16xi1>, vector<16xi32>
      %broadcast_in_dim3A_658 = vector.shape_cast %select_n3A_657 : vector<16xi32> to vector<16x1xi32>
      %gather3A_659 = vector.shape_cast %broadcast_in_dim3A_658 : vector<16x1xi32> to vector<16xi32>
      %gather3A_660 = tpu.dynamic_gather %add3A_650[%gather3A_659] in [0] : vector<16xf32>, vector<16xi32> -> vector<16xf32>
      %jit3A_661 = arith.constant 0.000000e+00 : f32
      %broadcast_in_dim3A_662 = vector.broadcast %jit3A_661 : f32 to vector<16xf32>
      %select_n3A_663 = arith.select %ge3A_33, %gather3A_660, %broadcast_in_dim3A_662 : vector<16xi1>, vector<16xf32>
      %add3A_664 = arith.addf %add3A_650, %select_n3A_663 : vector<16xf32>
      %add3A_665 = arith.addf %add3A_664, %scan3A_361 : vector<16xf32>
      %mul3A_666 = arith.constant 16 : i32
      %mul3A_667 = arith.muli %scan3A_357, %mul3A_666 : i32
      %swap3A_668 = arith.constant 3 : i32
      %swap3A_669 = arith.index_cast %swap3A_668 : i32 to index
      %swap3A_670 = arith.index_cast %mul3A_667 : i32 to index
      %swap3A_671 = tpu.vector_load %arg5[%swap3A_669, %swap3A_670] {strides = array<i32>} : memref<4x8192xf32, #tpu.memory_space<vmem>>, vector<1x16xf32>,
      %swap3A_672 = vector.shape_cast %swap3A_671 : vector<1x16xf32> to vector<16xf32>
      %swap3A_673 = vector.shape_cast %add3A_665 : vector<16xf32> to vector<1x16xf32>
      tpu.vector_store %arg5[%swap3A_669, %swap3A_670], %swap3A_673 {strides = array<i32>} : memref<4x8192xf32, #tpu.memory_space<vmem>>, vector<1x16xf32>,
      %lt3A_674 = arith.constant 0 : i32
      %lt3A_675 = vector.broadcast %lt3A_674 : i32 to vector<16xi32>
      %lt3A_676 = arith.cmpi slt, %add3A_39, %lt3A_675 : vector<16xi32>
      %add3A_677 = arith.constant 16 : i32
      %add3A_678 = vector.broadcast %add3A_677 : i32 to vector<16xi32>
      %add3A_679 = arith.addi %add3A_39, %add3A_678 : vector<16xi32>
      %select_n3A_680 = arith.select %lt3A_676, %add3A_679, %add3A_39 : vector<16xi1>, vector<16xi32>
      %broadcast_in_dim3A_681 = vector.shape_cast %select_n3A_680 : vector<16xi32> to vector<16x1xi32>
      %gather3A_682 = vector.shape_cast %broadcast_in_dim3A_681 : vector<16x1xi32> to vector<16xi32>
      %gather3A_683 = tpu.dynamic_gather %add3A_665[%gather3A_682] in [0] : vector<16xf32>, vector<16xi32> -> vector<16xf32>
      scf.yield %gather3A_437, %gather3A_519, %gather3A_601, %gather3A_683 : vector<16xf32>, vector<16xf32>, vector<16xf32>, vector<16xf32>
    }
    %scan3A_86 = arith.constant 512 : i32
    %mul3A_87 = arith.constant 4 : i32
    %mul3A_88 = arith.muli %add3A, %mul3A_87 : i32
    %add3A_89 = arith.constant 0 : i32
    %add3A_90 = arith.addi %mul3A_88, %add3A_89 : i32
    %mul3A_91 = arith.constant 32768 : i32
    %mul3A_92 = arith.muli %add3A_90, %mul3A_91 : i32
    %add3A_93 = arith.constant 0 : i32
    %add3A_94 = arith.addi %mul3A_92, %add3A_93 : i32
    %run_scoped3A_95 = arith.constant 0 : i32
    "tpu.region"() ({
      %run_scoped3A_357 = tpu.sem_alloc : memref<!tpu.dma_semaphore, #tpu.memory_space<semaphore_mem>>
      %dma_start3A = arith.constant 0 : i32
      %dma_start3A_358 = tpu.memref_slice %arg5[%run_scoped3A_95, %dma_start3A] : memref<4x8192xf32, #tpu.memory_space<vmem>> -> memref<1x8192xf32, #tpu.memory_space<vmem>>
      %dma_start3A_359 = tpu.memref_squeeze %dma_start3A_358 : memref<1x8192xf32, #tpu.memory_space<vmem>> -> memref<8192xf32, #tpu.memory_space<vmem>>
      %dma_start3A_360 = tpu.memref_slice %arg3[%add3A_94] : memref<4194304xf32, #tpu.memory_space<hbm>> -> memref<8192xf32, #tpu.memory_space<hbm>>
      %dma_start3A_361 = tpu.memref_slice %arg3[%add3A_94] : memref<4194304xf32, #tpu.memory_space<hbm>> -> memref<8192xf32, #tpu.memory_space<hbm>>
      %dma_start3A_362 = arith.constant 0 : i32
      %dma_start3A_363 = tpu.memref_slice %arg5[%run_scoped3A_95, %dma_start3A_362] : memref<4x8192xf32, #tpu.memory_space<vmem>> -> memref<1x8192xf32, #tpu.memory_space<vmem>>
      %dma_start3A_364 = tpu.memref_squeeze %dma_start3A_363 : memref<1x8192xf32, #tpu.memory_space<vmem>> -> memref<8192xf32, #tpu.memory_space<vmem>>
      tpu.enqueue_dma source(%dma_start3A_364 : memref<8192xf32, #tpu.memory_space<vmem>>) target(%dma_start3A_361 : memref<8192xf32, #tpu.memory_space<hbm>>) target_semaphore(%run_scoped3A_357 : memref<!tpu.dma_semaphore, #tpu.memory_space<semaphore_mem>>)
      %dma_wait3A = arith.constant 0 : i32
      %dma_wait3A_365 = tpu.memref_slice %arg5[%run_scoped3A_95, %dma_wait3A] : memref<4x8192xf32, #tpu.memory_space<vmem>> -> memref<1x8192xf32, #tpu.memory_space<vmem>>
      %dma_wait3A_366 = tpu.memref_squeeze %dma_wait3A_365 : memref<1x8192xf32, #tpu.memory_space<vmem>> -> memref<8192xf32, #tpu.memory_space<vmem>>
      %dma_wait3A_367 = tpu.memref_slice %arg3[%add3A_94] : memref<4194304xf32, #tpu.memory_space<hbm>> -> memref<8192xf32, #tpu.memory_space<hbm>>
      %dma_wait3A_368 = tpu.memref_slice %arg3[%add3A_94] : memref<4194304xf32, #tpu.memory_space<hbm>> -> memref<8192xf32, #tpu.memory_space<hbm>>
      %dma_wait3A_369 = arith.constant 0 : i32
      %dma_wait3A_370 = tpu.memref_slice %arg5[%run_scoped3A_95, %dma_wait3A_369] : memref<4x8192xf32, #tpu.memory_space<vmem>> -> memref<1x8192xf32, #tpu.memory_space<vmem>>
      %dma_wait3A_371 = tpu.memref_squeeze %dma_wait3A_370 : memref<1x8192xf32, #tpu.memory_space<vmem>> -> memref<8192xf32, #tpu.memory_space<vmem>>
      tpu.wait_dma2 semaphore(%run_scoped3A_357 : memref<!tpu.dma_semaphore, #tpu.memory_space<semaphore_mem>>) src(%dma_wait3A_371 : memref<8192xf32, #tpu.memory_space<vmem>>) dst(%dma_wait3A_368 : memref<8192xf32, #tpu.memory_space<hbm>>)
      tpu.yield
    }) : () -> ()
    %mul3A_96 = arith.constant 4 : i32
    %mul3A_97 = arith.muli %add3A, %mul3A_96 : i32
    %add3A_98 = arith.constant 1 : i32
    %add3A_99 = arith.addi %mul3A_97, %add3A_98 : i32
    %mul3A_100 = arith.constant 32768 : i32
    %mul3A_101 = arith.muli %add3A_99, %mul3A_100 : i32
    %add3A_102 = arith.constant 0 : i32
    %add3A_103 = arith.addi %mul3A_101, %add3A_102 : i32
    %run_scoped3A_104 = arith.constant 1 : i32
    "tpu.region"() ({
      %run_scoped3A_357 = tpu.sem_alloc : memref<!tpu.dma_semaphore, #tpu.memory_space<semaphore_mem>>
      %dma_start3A = arith.constant 0 : i32
      %dma_start3A_358 = tpu.memref_slice %arg5[%run_scoped3A_104, %dma_start3A] : memref<4x8192xf32, #tpu.memory_space<vmem>> -> memref<1x8192xf32, #tpu.memory_space<vmem>>
      %dma_start3A_359 = tpu.memref_squeeze %dma_start3A_358 : memref<1x8192xf32, #tpu.memory_space<vmem>> -> memref<8192xf32, #tpu.memory_space<vmem>>
      %dma_start3A_360 = tpu.memref_slice %arg3[%add3A_103] : memref<4194304xf32, #tpu.memory_space<hbm>> -> memref<8192xf32, #tpu.memory_space<hbm>>
      %dma_start3A_361 = tpu.memref_slice %arg3[%add3A_103] : memref<4194304xf32, #tpu.memory_space<hbm>> -> memref<8192xf32, #tpu.memory_space<hbm>>
      %dma_start3A_362 = arith.constant 0 : i32
      %dma_start3A_363 = tpu.memref_slice %arg5[%run_scoped3A_104, %dma_start3A_362] : memref<4x8192xf32, #tpu.memory_space<vmem>> -> memref<1x8192xf32, #tpu.memory_space<vmem>>
      %dma_start3A_364 = tpu.memref_squeeze %dma_start3A_363 : memref<1x8192xf32, #tpu.memory_space<vmem>> -> memref<8192xf32, #tpu.memory_space<vmem>>
      tpu.enqueue_dma source(%dma_start3A_364 : memref<8192xf32, #tpu.memory_space<vmem>>) target(%dma_start3A_361 : memref<8192xf32, #tpu.memory_space<hbm>>) target_semaphore(%run_scoped3A_357 : memref<!tpu.dma_semaphore, #tpu.memory_space<semaphore_mem>>)
      %dma_wait3A = arith.constant 0 : i32
      %dma_wait3A_365 = tpu.memref_slice %arg5[%run_scoped3A_104, %dma_wait3A] : memref<4x8192xf32, #tpu.memory_space<vmem>> -> memref<1x8192xf32, #tpu.memory_space<vmem>>
      %dma_wait3A_366 = tpu.memref_squeeze %dma_wait3A_365 : memref<1x8192xf32, #tpu.memory_space<vmem>> -> memref<8192xf32, #tpu.memory_space<vmem>>
      %dma_wait3A_367 = tpu.memref_slice %arg3[%add3A_103] : memref<4194304xf32, #tpu.memory_space<hbm>> -> memref<8192xf32, #tpu.memory_space<hbm>>
      %dma_wait3A_368 = tpu.memref_slice %arg3[%add3A_103] : memref<4194304xf32, #tpu.memory_space<hbm>> -> memref<8192xf32, #tpu.memory_space<hbm>>
      %dma_wait3A_369 = arith.constant 0 : i32
      %dma_wait3A_370 = tpu.memref_slice %arg5[%run_scoped3A_104, %dma_wait3A_369] : memref<4x8192xf32, #tpu.memory_space<vmem>> -> memref<1x8192xf32, #tpu.memory_space<vmem>>
      %dma_wait3A_371 = tpu.memref_squeeze %dma_wait3A_370 : memref<1x8192xf32, #tpu.memory_space<vmem>> -> memref<8192xf32, #tpu.memory_space<vmem>>
      tpu.wait_dma2 semaphore(%run_scoped3A_357 : memref<!tpu.dma_semaphore, #tpu.memory_space<semaphore_mem>>) src(%dma_wait3A_371 : memref<8192xf32, #tpu.memory_space<vmem>>) dst(%dma_wait3A_368 : memref<8192xf32, #tpu.memory_space<hbm>>)
      tpu.yield
    }) : () -> ()
    %mul3A_105 = arith.constant 4 : i32
    %mul3A_106 = arith.muli %add3A, %mul3A_105 : i32
    %add3A_107 = arith.constant 2 : i32
    %add3A_108 = arith.addi %mul3A_106, %add3A_107 : i32
    %mul3A_109 = arith.constant 32768 : i32
    %mul3A_110 = arith.muli %add3A_108, %mul3A_109 : i32
    %add3A_111 = arith.constant 0 : i32
    %add3A_112 = arith.addi %mul3A_110, %add3A_111 : i32
    %run_scoped3A_113 = arith.constant 2 : i32
    "tpu.region"() ({
      %run_scoped3A_357 = tpu.sem_alloc : memref<!tpu.dma_semaphore, #tpu.memory_space<semaphore_mem>>
      %dma_start3A = arith.constant 0 : i32
      %dma_start3A_358 = tpu.memref_slice %arg5[%run_scoped3A_113, %dma_start3A] : memref<4x8192xf32, #tpu.memory_space<vmem>> -> memref<1x8192xf32, #tpu.memory_space<vmem>>
      %dma_start3A_359 = tpu.memref_squeeze %dma_start3A_358 : memref<1x8192xf32, #tpu.memory_space<vmem>> -> memref<8192xf32, #tpu.memory_space<vmem>>
      %dma_start3A_360 = tpu.memref_slice %arg3[%add3A_112] : memref<4194304xf32, #tpu.memory_space<hbm>> -> memref<8192xf32, #tpu.memory_space<hbm>>
      %dma_start3A_361 = tpu.memref_slice %arg3[%add3A_112] : memref<4194304xf32, #tpu.memory_space<hbm>> -> memref<8192xf32, #tpu.memory_space<hbm>>
      %dma_start3A_362 = arith.constant 0 : i32
      %dma_start3A_363 = tpu.memref_slice %arg5[%run_scoped3A_113, %dma_start3A_362] : memref<4x8192xf32, #tpu.memory_space<vmem>> -> memref<1x8192xf32, #tpu.memory_space<vmem>>
      %dma_start3A_364 = tpu.memref_squeeze %dma_start3A_363 : memref<1x8192xf32, #tpu.memory_space<vmem>> -> memref<8192xf32, #tpu.memory_space<vmem>>
      tpu.enqueue_dma source(%dma_start3A_364 : memref<8192xf32, #tpu.memory_space<vmem>>) target(%dma_start3A_361 : memref<8192xf32, #tpu.memory_space<hbm>>) target_semaphore(%run_scoped3A_357 : memref<!tpu.dma_semaphore, #tpu.memory_space<semaphore_mem>>)
      %dma_wait3A = arith.constant 0 : i32
      %dma_wait3A_365 = tpu.memref_slice %arg5[%run_scoped3A_113, %dma_wait3A] : memref<4x8192xf32, #tpu.memory_space<vmem>> -> memref<1x8192xf32, #tpu.memory_space<vmem>>
      %dma_wait3A_366 = tpu.memref_squeeze %dma_wait3A_365 : memref<1x8192xf32, #tpu.memory_space<vmem>> -> memref<8192xf32, #tpu.memory_space<vmem>>
      %dma_wait3A_367 = tpu.memref_slice %arg3[%add3A_112] : memref<4194304xf32, #tpu.memory_space<hbm>> -> memref<8192xf32, #tpu.memory_space<hbm>>
      %dma_wait3A_368 = tpu.memref_slice %arg3[%add3A_112] : memref<4194304xf32, #tpu.memory_space<hbm>> -> memref<8192xf32, #tpu.memory_space<hbm>>
      %dma_wait3A_369 = arith.constant 0 : i32
      %dma_wait3A_370 = tpu.memref_slice %arg5[%run_scoped3A_113, %dma_wait3A_369] : memref<4x8192xf32, #tpu.memory_space<vmem>> -> memref<1x8192xf32, #tpu.memory_space<vmem>>
      %dma_wait3A_371 = tpu.memref_squeeze %dma_wait3A_370 : memref<1x8192xf32, #tpu.memory_space<vmem>> -> memref<8192xf32, #tpu.memory_space<vmem>>
      tpu.wait_dma2 semaphore(%run_scoped3A_357 : memref<!tpu.dma_semaphore, #tpu.memory_space<semaphore_mem>>) src(%dma_wait3A_371 : memref<8192xf32, #tpu.memory_space<vmem>>) dst(%dma_wait3A_368 : memref<8192xf32, #tpu.memory_space<hbm>>)
      tpu.yield
    }) : () -> ()
    %mul3A_114 = arith.constant 4 : i32
    %mul3A_115 = arith.muli %add3A, %mul3A_114 : i32
    %add3A_116 = arith.constant 3 : i32
    %add3A_117 = arith.addi %mul3A_115, %add3A_116 : i32
    %mul3A_118 = arith.constant 32768 : i32
    %mul3A_119 = arith.muli %add3A_117, %mul3A_118 : i32
    %add3A_120 = arith.constant 0 : i32
    %add3A_121 = arith.addi %mul3A_119, %add3A_120 : i32
    %run_scoped3A_122 = arith.constant 3 : i32
    "tpu.region"() ({
      %run_scoped3A_357 = tpu.sem_alloc : memref<!tpu.dma_semaphore, #tpu.memory_space<semaphore_mem>>
      %dma_start3A = arith.constant 0 : i32
      %dma_start3A_358 = tpu.memref_slice %arg5[%run_scoped3A_122, %dma_start3A] : memref<4x8192xf32, #tpu.memory_space<vmem>> -> memref<1x8192xf32, #tpu.memory_space<vmem>>
      %dma_start3A_359 = tpu.memref_squeeze %dma_start3A_358 : memref<1x8192xf32, #tpu.memory_space<vmem>> -> memref<8192xf32, #tpu.memory_space<vmem>>
      %dma_start3A_360 = tpu.memref_slice %arg3[%add3A_121] : memref<4194304xf32, #tpu.memory_space<hbm>> -> memref<8192xf32, #tpu.memory_space<hbm>>
      %dma_start3A_361 = tpu.memref_slice %arg3[%add3A_121] : memref<4194304xf32, #tpu.memory_space<hbm>> -> memref<8192xf32, #tpu.memory_space<hbm>>
      %dma_start3A_362 = arith.constant 0 : i32
      %dma_start3A_363 = tpu.memref_slice %arg5[%run_scoped3A_122, %dma_start3A_362] : memref<4x8192xf32, #tpu.memory_space<vmem>> -> memref<1x8192xf32, #tpu.memory_space<vmem>>
      %dma_start3A_364 = tpu.memref_squeeze %dma_start3A_363 : memref<1x8192xf32, #tpu.memory_space<vmem>> -> memref<8192xf32, #tpu.memory_space<vmem>>
      tpu.enqueue_dma source(%dma_start3A_364 : memref<8192xf32, #tpu.memory_space<vmem>>) target(%dma_start3A_361 : memref<8192xf32, #tpu.memory_space<hbm>>) target_semaphore(%run_scoped3A_357 : memref<!tpu.dma_semaphore, #tpu.memory_space<semaphore_mem>>)
      %dma_wait3A = arith.constant 0 : i32
      %dma_wait3A_365 = tpu.memref_slice %arg5[%run_scoped3A_122, %dma_wait3A] : memref<4x8192xf32, #tpu.memory_space<vmem>> -> memref<1x8192xf32, #tpu.memory_space<vmem>>
      %dma_wait3A_366 = tpu.memref_squeeze %dma_wait3A_365 : memref<1x8192xf32, #tpu.memory_space<vmem>> -> memref<8192xf32, #tpu.memory_space<vmem>>
      %dma_wait3A_367 = tpu.memref_slice %arg3[%add3A_121] : memref<4194304xf32, #tpu.memory_space<hbm>> -> memref<8192xf32, #tpu.memory_space<hbm>>
      %dma_wait3A_368 = tpu.memref_slice %arg3[%add3A_121] : memref<4194304xf32, #tpu.memory_space<hbm>> -> memref<8192xf32, #tpu.memory_space<hbm>>
      %dma_wait3A_369 = arith.constant 0 : i32
      %dma_wait3A_370 = tpu.memref_slice %arg5[%run_scoped3A_122, %dma_wait3A_369] : memref<4x8192xf32, #tpu.memory_space<vmem>> -> memref<1x8192xf32, #tpu.memory_space<vmem>>
      %dma_wait3A_371 = tpu.memref_squeeze %dma_wait3A_370 : memref<1x8192xf32, #tpu.memory_space<vmem>> -> memref<8192xf32, #tpu.memory_space<vmem>>
      tpu.wait_dma2 semaphore(%run_scoped3A_357 : memref<!tpu.dma_semaphore, #tpu.memory_space<semaphore_mem>>) src(%dma_wait3A_371 : memref<8192xf32, #tpu.memory_space<vmem>>) dst(%dma_wait3A_368 : memref<8192xf32, #tpu.memory_space<hbm>>)
      tpu.yield
    }) : () -> ()
    %mul3A_123 = arith.constant 4 : i32
    %mul3A_124 = arith.muli %add3A, %mul3A_123 : i32
    %add3A_125 = arith.constant 0 : i32
    %add3A_126 = arith.addi %mul3A_124, %add3A_125 : i32
    %mul3A_127 = arith.constant 32768 : i32
    %mul3A_128 = arith.muli %add3A_126, %mul3A_127 : i32
    %add3A_129 = arith.constant 8192 : i32
    %add3A_130 = arith.addi %mul3A_128, %add3A_129 : i32
    %run_scoped3A_131 = arith.constant 0 : i32
    "tpu.region"() ({
      %run_scoped3A_357 = tpu.sem_alloc : memref<!tpu.dma_semaphore, #tpu.memory_space<semaphore_mem>>
      %dma_start3A = arith.constant 0 : i32
      %dma_start3A_358 = tpu.memref_slice %arg4[%run_scoped3A_131, %dma_start3A] : memref<4x8192xf32, #tpu.memory_space<vmem>> -> memref<1x8192xf32, #tpu.memory_space<vmem>>
      %dma_start3A_359 = tpu.memref_squeeze %dma_start3A_358 : memref<1x8192xf32, #tpu.memory_space<vmem>> -> memref<8192xf32, #tpu.memory_space<vmem>>
      %dma_start3A_360 = tpu.memref_slice %arg2[%add3A_130] : memref<4194304xf32, #tpu.memory_space<hbm>> -> memref<8192xf32, #tpu.memory_space<hbm>>
      %dma_start3A_361 = arith.constant 0 : i32
      %dma_start3A_362 = tpu.memref_slice %arg4[%run_scoped3A_131, %dma_start3A_361] : memref<4x8192xf32, #tpu.memory_space<vmem>> -> memref<1x8192xf32, #tpu.memory_space<vmem>>
      %dma_start3A_363 = tpu.memref_squeeze %dma_start3A_362 : memref<1x8192xf32, #tpu.memory_space<vmem>> -> memref<8192xf32, #tpu.memory_space<vmem>>
      %dma_start3A_364 = tpu.memref_slice %arg2[%add3A_130] : memref<4194304xf32, #tpu.memory_space<hbm>> -> memref<8192xf32, #tpu.memory_space<hbm>>
      tpu.enqueue_dma source(%dma_start3A_364 : memref<8192xf32, #tpu.memory_space<hbm>>) target(%dma_start3A_363 : memref<8192xf32, #tpu.memory_space<vmem>>) target_semaphore(%run_scoped3A_357 : memref<!tpu.dma_semaphore, #tpu.memory_space<semaphore_mem>>)
      %dma_wait3A = arith.constant 0 : i32
      %dma_wait3A_365 = tpu.memref_slice %arg4[%run_scoped3A_131, %dma_wait3A] : memref<4x8192xf32, #tpu.memory_space<vmem>> -> memref<1x8192xf32, #tpu.memory_space<vmem>>
      %dma_wait3A_366 = tpu.memref_squeeze %dma_wait3A_365 : memref<1x8192xf32, #tpu.memory_space<vmem>> -> memref<8192xf32, #tpu.memory_space<vmem>>
      %dma_wait3A_367 = tpu.memref_slice %arg2[%add3A_130] : memref<4194304xf32, #tpu.memory_space<hbm>> -> memref<8192xf32, #tpu.memory_space<hbm>>
      %dma_wait3A_368 = arith.constant 0 : i32
      %dma_wait3A_369 = tpu.memref_slice %arg4[%run_scoped3A_131, %dma_wait3A_368] : memref<4x8192xf32, #tpu.memory_space<vmem>> -> memref<1x8192xf32, #tpu.memory_space<vmem>>
      %dma_wait3A_370 = tpu.memref_squeeze %dma_wait3A_369 : memref<1x8192xf32, #tpu.memory_space<vmem>> -> memref<8192xf32, #tpu.memory_space<vmem>>
      %dma_wait3A_371 = tpu.memref_slice %arg2[%add3A_130] : memref<4194304xf32, #tpu.memory_space<hbm>> -> memref<8192xf32, #tpu.memory_space<hbm>>
      tpu.wait_dma2 semaphore(%run_scoped3A_357 : memref<!tpu.dma_semaphore, #tpu.memory_space<semaphore_mem>>) src(%dma_wait3A_371 : memref<8192xf32, #tpu.memory_space<hbm>>) dst(%dma_wait3A_370 : memref<8192xf32, #tpu.memory_space<vmem>>)
      tpu.yield
    }) : () -> ()
    %mul3A_132 = arith.constant 4 : i32
    %mul3A_133 = arith.muli %add3A, %mul3A_132 : i32
    %add3A_134 = arith.constant 1 : i32
    %add3A_135 = arith.addi %mul3A_133, %add3A_134 : i32
    %mul3A_136 = arith.constant 32768 : i32
    %mul3A_137 = arith.muli %add3A_135, %mul3A_136 : i32
    %add3A_138 = arith.constant 8192 : i32
    %add3A_139 = arith.addi %mul3A_137, %add3A_138 : i32
    %run_scoped3A_140 = arith.constant 1 : i32
    "tpu.region"() ({
      %run_scoped3A_357 = tpu.sem_alloc : memref<!tpu.dma_semaphore, #tpu.memory_space<semaphore_mem>>
      %dma_start3A = arith.constant 0 : i32
      %dma_start3A_358 = tpu.memref_slice %arg4[%run_scoped3A_140, %dma_start3A] : memref<4x8192xf32, #tpu.memory_space<vmem>> -> memref<1x8192xf32, #tpu.memory_space<vmem>>
      %dma_start3A_359 = tpu.memref_squeeze %dma_start3A_358 : memref<1x8192xf32, #tpu.memory_space<vmem>> -> memref<8192xf32, #tpu.memory_space<vmem>>
      %dma_start3A_360 = tpu.memref_slice %arg2[%add3A_139] : memref<4194304xf32, #tpu.memory_space<hbm>> -> memref<8192xf32, #tpu.memory_space<hbm>>
      %dma_start3A_361 = arith.constant 0 : i32
      %dma_start3A_362 = tpu.memref_slice %arg4[%run_scoped3A_140, %dma_start3A_361] : memref<4x8192xf32, #tpu.memory_space<vmem>> -> memref<1x8192xf32, #tpu.memory_space<vmem>>
      %dma_start3A_363 = tpu.memref_squeeze %dma_start3A_362 : memref<1x8192xf32, #tpu.memory_space<vmem>> -> memref<8192xf32, #tpu.memory_space<vmem>>
      %dma_start3A_364 = tpu.memref_slice %arg2[%add3A_139] : memref<4194304xf32, #tpu.memory_space<hbm>> -> memref<8192xf32, #tpu.memory_space<hbm>>
      tpu.enqueue_dma source(%dma_start3A_364 : memref<8192xf32, #tpu.memory_space<hbm>>) target(%dma_start3A_363 : memref<8192xf32, #tpu.memory_space<vmem>>) target_semaphore(%run_scoped3A_357 : memref<!tpu.dma_semaphore, #tpu.memory_space<semaphore_mem>>)
      %dma_wait3A = arith.constant 0 : i32
      %dma_wait3A_365 = tpu.memref_slice %arg4[%run_scoped3A_140, %dma_wait3A] : memref<4x8192xf32, #tpu.memory_space<vmem>> -> memref<1x8192xf32, #tpu.memory_space<vmem>>
      %dma_wait3A_366 = tpu.memref_squeeze %dma_wait3A_365 : memref<1x8192xf32, #tpu.memory_space<vmem>> -> memref<8192xf32, #tpu.memory_space<vmem>>
      %dma_wait3A_367 = tpu.memref_slice %arg2[%add3A_139] : memref<4194304xf32, #tpu.memory_space<hbm>> -> memref<8192xf32, #tpu.memory_space<hbm>>
      %dma_wait3A_368 = arith.constant 0 : i32
      %dma_wait3A_369 = tpu.memref_slice %arg4[%run_scoped3A_140, %dma_wait3A_368] : memref<4x8192xf32, #tpu.memory_space<vmem>> -> memref<1x8192xf32, #tpu.memory_space<vmem>>
      %dma_wait3A_370 = tpu.memref_squeeze %dma_wait3A_369 : memref<1x8192xf32, #tpu.memory_space<vmem>> -> memref<8192xf32, #tpu.memory_space<vmem>>
      %dma_wait3A_371 = tpu.memref_slice %arg2[%add3A_139] : memref<4194304xf32, #tpu.memory_space<hbm>> -> memref<8192xf32, #tpu.memory_space<hbm>>
      tpu.wait_dma2 semaphore(%run_scoped3A_357 : memref<!tpu.dma_semaphore, #tpu.memory_space<semaphore_mem>>) src(%dma_wait3A_371 : memref<8192xf32, #tpu.memory_space<hbm>>) dst(%dma_wait3A_370 : memref<8192xf32, #tpu.memory_space<vmem>>)
      tpu.yield
    }) : () -> ()
    %mul3A_141 = arith.constant 4 : i32
    %mul3A_142 = arith.muli %add3A, %mul3A_141 : i32
    %add3A_143 = arith.constant 2 : i32
    %add3A_144 = arith.addi %mul3A_142, %add3A_143 : i32
    %mul3A_145 = arith.constant 32768 : i32
    %mul3A_146 = arith.muli %add3A_144, %mul3A_145 : i32
    %add3A_147 = arith.constant 8192 : i32
    %add3A_148 = arith.addi %mul3A_146, %add3A_147 : i32
    %run_scoped3A_149 = arith.constant 2 : i32
    "tpu.region"() ({
      %run_scoped3A_357 = tpu.sem_alloc : memref<!tpu.dma_semaphore, #tpu.memory_space<semaphore_mem>>
      %dma_start3A = arith.constant 0 : i32
      %dma_start3A_358 = tpu.memref_slice %arg4[%run_scoped3A_149, %dma_start3A] : memref<4x8192xf32, #tpu.memory_space<vmem>> -> memref<1x8192xf32, #tpu.memory_space<vmem>>
      %dma_start3A_359 = tpu.memref_squeeze %dma_start3A_358 : memref<1x8192xf32, #tpu.memory_space<vmem>> -> memref<8192xf32, #tpu.memory_space<vmem>>
      %dma_start3A_360 = tpu.memref_slice %arg2[%add3A_148] : memref<4194304xf32, #tpu.memory_space<hbm>> -> memref<8192xf32, #tpu.memory_space<hbm>>
      %dma_start3A_361 = arith.constant 0 : i32
      %dma_start3A_362 = tpu.memref_slice %arg4[%run_scoped3A_149, %dma_start3A_361] : memref<4x8192xf32, #tpu.memory_space<vmem>> -> memref<1x8192xf32, #tpu.memory_space<vmem>>
      %dma_start3A_363 = tpu.memref_squeeze %dma_start3A_362 : memref<1x8192xf32, #tpu.memory_space<vmem>> -> memref<8192xf32, #tpu.memory_space<vmem>>
      %dma_start3A_364 = tpu.memref_slice %arg2[%add3A_148] : memref<4194304xf32, #tpu.memory_space<hbm>> -> memref<8192xf32, #tpu.memory_space<hbm>>
      tpu.enqueue_dma source(%dma_start3A_364 : memref<8192xf32, #tpu.memory_space<hbm>>) target(%dma_start3A_363 : memref<8192xf32, #tpu.memory_space<vmem>>) target_semaphore(%run_scoped3A_357 : memref<!tpu.dma_semaphore, #tpu.memory_space<semaphore_mem>>)
      %dma_wait3A = arith.constant 0 : i32
      %dma_wait3A_365 = tpu.memref_slice %arg4[%run_scoped3A_149, %dma_wait3A] : memref<4x8192xf32, #tpu.memory_space<vmem>> -> memref<1x8192xf32, #tpu.memory_space<vmem>>
      %dma_wait3A_366 = tpu.memref_squeeze %dma_wait3A_365 : memref<1x8192xf32, #tpu.memory_space<vmem>> -> memref<8192xf32, #tpu.memory_space<vmem>>
      %dma_wait3A_367 = tpu.memref_slice %arg2[%add3A_148] : memref<4194304xf32, #tpu.memory_space<hbm>> -> memref<8192xf32, #tpu.memory_space<hbm>>
      %dma_wait3A_368 = arith.constant 0 : i32
      %dma_wait3A_369 = tpu.memref_slice %arg4[%run_scoped3A_149, %dma_wait3A_368] : memref<4x8192xf32, #tpu.memory_space<vmem>> -> memref<1x8192xf32, #tpu.memory_space<vmem>>
      %dma_wait3A_370 = tpu.memref_squeeze %dma_wait3A_369 : memref<1x8192xf32, #tpu.memory_space<vmem>> -> memref<8192xf32, #tpu.memory_space<vmem>>
      %dma_wait3A_371 = tpu.memref_slice %arg2[%add3A_148] : memref<4194304xf32, #tpu.memory_space<hbm>> -> memref<8192xf32, #tpu.memory_space<hbm>>
      tpu.wait_dma2 semaphore(%run_scoped3A_357 : memref<!tpu.dma_semaphore, #tpu.memory_space<semaphore_mem>>) src(%dma_wait3A_371 : memref<8192xf32, #tpu.memory_space<hbm>>) dst(%dma_wait3A_370 : memref<8192xf32, #tpu.memory_space<vmem>>)
      tpu.yield
    }) : () -> ()
    %mul3A_150 = arith.constant 4 : i32
    %mul3A_151 = arith.muli %add3A, %mul3A_150 : i32
    %add3A_152 = arith.constant 3 : i32
    %add3A_153 = arith.addi %mul3A_151, %add3A_152 : i32
    %mul3A_154 = arith.constant 32768 : i32
    %mul3A_155 = arith.muli %add3A_153, %mul3A_154 : i32
    %add3A_156 = arith.constant 8192 : i32
    %add3A_157 = arith.addi %mul3A_155, %add3A_156 : i32
    %run_scoped3A_158 = arith.constant 3 : i32
    "tpu.region"() ({
      %run_scoped3A_357 = tpu.sem_alloc : memref<!tpu.dma_semaphore, #tpu.memory_space<semaphore_mem>>
      %dma_start3A = arith.constant 0 : i32
      %dma_start3A_358 = tpu.memref_slice %arg4[%run_scoped3A_158, %dma_start3A] : memref<4x8192xf32, #tpu.memory_space<vmem>> -> memref<1x8192xf32, #tpu.memory_space<vmem>>
      %dma_start3A_359 = tpu.memref_squeeze %dma_start3A_358 : memref<1x8192xf32, #tpu.memory_space<vmem>> -> memref<8192xf32, #tpu.memory_space<vmem>>
      %dma_start3A_360 = tpu.memref_slice %arg2[%add3A_157] : memref<4194304xf32, #tpu.memory_space<hbm>> -> memref<8192xf32, #tpu.memory_space<hbm>>
      %dma_start3A_361 = arith.constant 0 : i32
      %dma_start3A_362 = tpu.memref_slice %arg4[%run_scoped3A_158, %dma_start3A_361] : memref<4x8192xf32, #tpu.memory_space<vmem>> -> memref<1x8192xf32, #tpu.memory_space<vmem>>
      %dma_start3A_363 = tpu.memref_squeeze %dma_start3A_362 : memref<1x8192xf32, #tpu.memory_space<vmem>> -> memref<8192xf32, #tpu.memory_space<vmem>>
      %dma_start3A_364 = tpu.memref_slice %arg2[%add3A_157] : memref<4194304xf32, #tpu.memory_space<hbm>> -> memref<8192xf32, #tpu.memory_space<hbm>>
      tpu.enqueue_dma source(%dma_start3A_364 : memref<8192xf32, #tpu.memory_space<hbm>>) target(%dma_start3A_363 : memref<8192xf32, #tpu.memory_space<vmem>>) target_semaphore(%run_scoped3A_357 : memref<!tpu.dma_semaphore, #tpu.memory_space<semaphore_mem>>)
      %dma_wait3A = arith.constant 0 : i32
      %dma_wait3A_365 = tpu.memref_slice %arg4[%run_scoped3A_158, %dma_wait3A] : memref<4x8192xf32, #tpu.memory_space<vmem>> -> memref<1x8192xf32, #tpu.memory_space<vmem>>
      %dma_wait3A_366 = tpu.memref_squeeze %dma_wait3A_365 : memref<1x8192xf32, #tpu.memory_space<vmem>> -> memref<8192xf32, #tpu.memory_space<vmem>>
      %dma_wait3A_367 = tpu.memref_slice %arg2[%add3A_157] : memref<4194304xf32, #tpu.memory_space<hbm>> -> memref<8192xf32, #tpu.memory_space<hbm>>
      %dma_wait3A_368 = arith.constant 0 : i32
      %dma_wait3A_369 = tpu.memref_slice %arg4[%run_scoped3A_158, %dma_wait3A_368] : memref<4x8192xf32, #tpu.memory_space<vmem>> -> memref<1x8192xf32, #tpu.memory_space<vmem>>
      %dma_wait3A_370 = tpu.memref_squeeze %dma_wait3A_369 : memref<1x8192xf32, #tpu.memory_space<vmem>> -> memref<8192xf32, #tpu.memory_space<vmem>>
      %dma_wait3A_371 = tpu.memref_slice %arg2[%add3A_157] : memref<4194304xf32, #tpu.memory_space<hbm>> -> memref<8192xf32, #tpu.memory_space<hbm>>
      tpu.wait_dma2 semaphore(%run_scoped3A_357 : memref<!tpu.dma_semaphore, #tpu.memory_space<semaphore_mem>>) src(%dma_wait3A_371 : memref<8192xf32, #tpu.memory_space<hbm>>) dst(%dma_wait3A_370 : memref<8192xf32, #tpu.memory_space<vmem>>)
      tpu.yield
    }) : () -> ()
    %scan3A_159 = arith.constant 0 : i32
    %scan3A_160 = arith.constant 512 : i32
    %scan3A_161 = arith.addi %scan3A_159, %scan3A_160 : i32
    %scan3A_162 = arith.constant 1 : i32
    %scan3A_163:4 = scf.for %scan3A_357 = %scan3A_159 to %scan3A_161 step %scan3A_162 iter_args(%scan3A_358 = %scan3A_85#0, %scan3A_359 = %scan3A_85#1, %scan3A_360 = %scan3A_85#2, %scan3A_361 = %scan3A_85#3) -> (vector<16xf32>, vector<16xf32>, vector<16xf32>, vector<16xf32>)  : i32 {
      %mul3A_362 = arith.constant 16 : i32
      %mul3A_363 = arith.muli %scan3A_357, %mul3A_362 : i32
      %get3A = arith.constant 0 : i32
      %get3A_364 = arith.index_cast %get3A : i32 to index
      %get3A_365 = arith.index_cast %mul3A_363 : i32 to index
      %get3A_366 = tpu.vector_load %arg4[%get3A_364, %get3A_365] {strides = array<i32>} : memref<4x8192xf32, #tpu.memory_space<vmem>>, vector<1x16xf32>,
      %get3A_367 = vector.shape_cast %get3A_366 : vector<1x16xf32> to vector<16xf32>
      %lt3A = arith.constant 0 : i32
      %lt3A_368 = vector.broadcast %lt3A : i32 to vector<16xi32>
      %lt3A_369 = arith.cmpi slt, %max3A_4, %lt3A_368 : vector<16xi32>
      %add3A_370 = arith.constant 16 : i32
      %add3A_371 = vector.broadcast %add3A_370 : i32 to vector<16xi32>
      %add3A_372 = arith.addi %max3A_4, %add3A_371 : vector<16xi32>
      %select_n3A = arith.select %lt3A_369, %add3A_372, %max3A_4 : vector<16xi1>, vector<16xi32>
      %broadcast_in_dim3A_373 = vector.shape_cast %select_n3A : vector<16xi32> to vector<16x1xi32>
      %gather3A = vector.shape_cast %broadcast_in_dim3A_373 : vector<16x1xi32> to vector<16xi32>
      %gather3A_374 = tpu.dynamic_gather %get3A_367[%gather3A] in [0] : vector<16xf32>, vector<16xi32> -> vector<16xf32>
      %jit3A = arith.constant 0.000000e+00 : f32
      %broadcast_in_dim3A_375 = vector.broadcast %jit3A : f32 to vector<16xf32>
      %select_n3A_376 = arith.select %ge3A_24, %gather3A_374, %broadcast_in_dim3A_375 : vector<16xi1>, vector<16xf32>
      %add3A_377 = arith.addf %get3A_367, %select_n3A_376 : vector<16xf32>
      %lt3A_378 = arith.constant 0 : i32
      %lt3A_379 = vector.broadcast %lt3A_378 : i32 to vector<16xi32>
      %lt3A_380 = arith.cmpi slt, %max3A_10, %lt3A_379 : vector<16xi32>
      %add3A_381 = arith.constant 16 : i32
      %add3A_382 = vector.broadcast %add3A_381 : i32 to vector<16xi32>
      %add3A_383 = arith.addi %max3A_10, %add3A_382 : vector<16xi32>
      %select_n3A_384 = arith.select %lt3A_380, %add3A_383, %max3A_10 : vector<16xi1>, vector<16xi32>
      %broadcast_in_dim3A_385 = vector.shape_cast %select_n3A_384 : vector<16xi32> to vector<16x1xi32>
      %gather3A_386 = vector.shape_cast %broadcast_in_dim3A_385 : vector<16x1xi32> to vector<16xi32>
      %gather3A_387 = tpu.dynamic_gather %add3A_377[%gather3A_386] in [0] : vector<16xf32>, vector<16xi32> -> vector<16xf32>
      %jit3A_388 = arith.constant 0.000000e+00 : f32
      %broadcast_in_dim3A_389 = vector.broadcast %jit3A_388 : f32 to vector<16xf32>
      %select_n3A_390 = arith.select %ge3A_27, %gather3A_387, %broadcast_in_dim3A_389 : vector<16xi1>, vector<16xf32>
      %add3A_391 = arith.addf %add3A_377, %select_n3A_390 : vector<16xf32>
      %lt3A_392 = arith.constant 0 : i32
      %lt3A_393 = vector.broadcast %lt3A_392 : i32 to vector<16xi32>
      %lt3A_394 = arith.cmpi slt, %max3A_16, %lt3A_393 : vector<16xi32>
      %add3A_395 = arith.constant 16 : i32
      %add3A_396 = vector.broadcast %add3A_395 : i32 to vector<16xi32>
      %add3A_397 = arith.addi %max3A_16, %add3A_396 : vector<16xi32>
      %select_n3A_398 = arith.select %lt3A_394, %add3A_397, %max3A_16 : vector<16xi1>, vector<16xi32>
      %broadcast_in_dim3A_399 = vector.shape_cast %select_n3A_398 : vector<16xi32> to vector<16x1xi32>
      %gather3A_400 = vector.shape_cast %broadcast_in_dim3A_399 : vector<16x1xi32> to vector<16xi32>
      %gather3A_401 = tpu.dynamic_gather %add3A_391[%gather3A_400] in [0] : vector<16xf32>, vector<16xi32> -> vector<16xf32>
      %jit3A_402 = arith.constant 0.000000e+00 : f32
      %broadcast_in_dim3A_403 = vector.broadcast %jit3A_402 : f32 to vector<16xf32>
      %select_n3A_404 = arith.select %ge3A_30, %gather3A_401, %broadcast_in_dim3A_403 : vector<16xi1>, vector<16xf32>
      %add3A_405 = arith.addf %add3A_391, %select_n3A_404 : vector<16xf32>
      %lt3A_406 = arith.constant 0 : i32
      %lt3A_407 = vector.broadcast %lt3A_406 : i32 to vector<16xi32>
      %lt3A_408 = arith.cmpi slt, %max3A_22, %lt3A_407 : vector<16xi32>
      %add3A_409 = arith.constant 16 : i32
      %add3A_410 = vector.broadcast %add3A_409 : i32 to vector<16xi32>
      %add3A_411 = arith.addi %max3A_22, %add3A_410 : vector<16xi32>
      %select_n3A_412 = arith.select %lt3A_408, %add3A_411, %max3A_22 : vector<16xi1>, vector<16xi32>
      %broadcast_in_dim3A_413 = vector.shape_cast %select_n3A_412 : vector<16xi32> to vector<16x1xi32>
      %gather3A_414 = vector.shape_cast %broadcast_in_dim3A_413 : vector<16x1xi32> to vector<16xi32>
      %gather3A_415 = tpu.dynamic_gather %add3A_405[%gather3A_414] in [0] : vector<16xf32>, vector<16xi32> -> vector<16xf32>
      %jit3A_416 = arith.constant 0.000000e+00 : f32
      %broadcast_in_dim3A_417 = vector.broadcast %jit3A_416 : f32 to vector<16xf32>
      %select_n3A_418 = arith.select %ge3A_33, %gather3A_415, %broadcast_in_dim3A_417 : vector<16xi1>, vector<16xf32>
      %add3A_419 = arith.addf %add3A_405, %select_n3A_418 : vector<16xf32>
      %add3A_420 = arith.addf %add3A_419, %scan3A_358 : vector<16xf32>
      %mul3A_421 = arith.constant 16 : i32
      %mul3A_422 = arith.muli %scan3A_357, %mul3A_421 : i32
      %swap3A = arith.constant 0 : i32
      %swap3A_423 = arith.index_cast %swap3A : i32 to index
      %swap3A_424 = arith.index_cast %mul3A_422 : i32 to index
      %swap3A_425 = tpu.vector_load %arg5[%swap3A_423, %swap3A_424] {strides = array<i32>} : memref<4x8192xf32, #tpu.memory_space<vmem>>, vector<1x16xf32>,
      %swap3A_426 = vector.shape_cast %swap3A_425 : vector<1x16xf32> to vector<16xf32>
      %swap3A_427 = vector.shape_cast %add3A_420 : vector<16xf32> to vector<1x16xf32>
      tpu.vector_store %arg5[%swap3A_423, %swap3A_424], %swap3A_427 {strides = array<i32>} : memref<4x8192xf32, #tpu.memory_space<vmem>>, vector<1x16xf32>,
      %lt3A_428 = arith.constant 0 : i32
      %lt3A_429 = vector.broadcast %lt3A_428 : i32 to vector<16xi32>
      %lt3A_430 = arith.cmpi slt, %add3A_39, %lt3A_429 : vector<16xi32>
      %add3A_431 = arith.constant 16 : i32
      %add3A_432 = vector.broadcast %add3A_431 : i32 to vector<16xi32>
      %add3A_433 = arith.addi %add3A_39, %add3A_432 : vector<16xi32>
      %select_n3A_434 = arith.select %lt3A_430, %add3A_433, %add3A_39 : vector<16xi1>, vector<16xi32>
      %broadcast_in_dim3A_435 = vector.shape_cast %select_n3A_434 : vector<16xi32> to vector<16x1xi32>
      %gather3A_436 = vector.shape_cast %broadcast_in_dim3A_435 : vector<16x1xi32> to vector<16xi32>
      %gather3A_437 = tpu.dynamic_gather %add3A_420[%gather3A_436] in [0] : vector<16xf32>, vector<16xi32> -> vector<16xf32>
      %mul3A_438 = arith.constant 16 : i32
      %mul3A_439 = arith.muli %scan3A_357, %mul3A_438 : i32
      %get3A_440 = arith.constant 1 : i32
      %get3A_441 = arith.index_cast %get3A_440 : i32 to index
      %get3A_442 = arith.index_cast %mul3A_439 : i32 to index
      %get3A_443 = tpu.vector_load %arg4[%get3A_441, %get3A_442] {strides = array<i32>} : memref<4x8192xf32, #tpu.memory_space<vmem>>, vector<1x16xf32>,
      %get3A_444 = vector.shape_cast %get3A_443 : vector<1x16xf32> to vector<16xf32>
      %lt3A_445 = arith.constant 0 : i32
      %lt3A_446 = vector.broadcast %lt3A_445 : i32 to vector<16xi32>
      %lt3A_447 = arith.cmpi slt, %max3A_4, %lt3A_446 : vector<16xi32>
      %add3A_448 = arith.constant 16 : i32
      %add3A_449 = vector.broadcast %add3A_448 : i32 to vector<16xi32>
      %add3A_450 = arith.addi %max3A_4, %add3A_449 : vector<16xi32>
      %select_n3A_451 = arith.select %lt3A_447, %add3A_450, %max3A_4 : vector<16xi1>, vector<16xi32>
      %broadcast_in_dim3A_452 = vector.shape_cast %select_n3A_451 : vector<16xi32> to vector<16x1xi32>
      %gather3A_453 = vector.shape_cast %broadcast_in_dim3A_452 : vector<16x1xi32> to vector<16xi32>
      %gather3A_454 = tpu.dynamic_gather %get3A_444[%gather3A_453] in [0] : vector<16xf32>, vector<16xi32> -> vector<16xf32>
      %jit3A_455 = arith.constant 0.000000e+00 : f32
      %broadcast_in_dim3A_456 = vector.broadcast %jit3A_455 : f32 to vector<16xf32>
      %select_n3A_457 = arith.select %ge3A_24, %gather3A_454, %broadcast_in_dim3A_456 : vector<16xi1>, vector<16xf32>
      %add3A_458 = arith.addf %get3A_444, %select_n3A_457 : vector<16xf32>
      %lt3A_459 = arith.constant 0 : i32
      %lt3A_460 = vector.broadcast %lt3A_459 : i32 to vector<16xi32>
      %lt3A_461 = arith.cmpi slt, %max3A_10, %lt3A_460 : vector<16xi32>
      %add3A_462 = arith.constant 16 : i32
      %add3A_463 = vector.broadcast %add3A_462 : i32 to vector<16xi32>
      %add3A_464 = arith.addi %max3A_10, %add3A_463 : vector<16xi32>
      %select_n3A_465 = arith.select %lt3A_461, %add3A_464, %max3A_10 : vector<16xi1>, vector<16xi32>
      %broadcast_in_dim3A_466 = vector.shape_cast %select_n3A_465 : vector<16xi32> to vector<16x1xi32>
      %gather3A_467 = vector.shape_cast %broadcast_in_dim3A_466 : vector<16x1xi32> to vector<16xi32>
      %gather3A_468 = tpu.dynamic_gather %add3A_458[%gather3A_467] in [0] : vector<16xf32>, vector<16xi32> -> vector<16xf32>
      %jit3A_469 = arith.constant 0.000000e+00 : f32
      %broadcast_in_dim3A_470 = vector.broadcast %jit3A_469 : f32 to vector<16xf32>
      %select_n3A_471 = arith.select %ge3A_27, %gather3A_468, %broadcast_in_dim3A_470 : vector<16xi1>, vector<16xf32>
      %add3A_472 = arith.addf %add3A_458, %select_n3A_471 : vector<16xf32>
      %lt3A_473 = arith.constant 0 : i32
      %lt3A_474 = vector.broadcast %lt3A_473 : i32 to vector<16xi32>
      %lt3A_475 = arith.cmpi slt, %max3A_16, %lt3A_474 : vector<16xi32>
      %add3A_476 = arith.constant 16 : i32
      %add3A_477 = vector.broadcast %add3A_476 : i32 to vector<16xi32>
      %add3A_478 = arith.addi %max3A_16, %add3A_477 : vector<16xi32>
      %select_n3A_479 = arith.select %lt3A_475, %add3A_478, %max3A_16 : vector<16xi1>, vector<16xi32>
      %broadcast_in_dim3A_480 = vector.shape_cast %select_n3A_479 : vector<16xi32> to vector<16x1xi32>
      %gather3A_481 = vector.shape_cast %broadcast_in_dim3A_480 : vector<16x1xi32> to vector<16xi32>
      %gather3A_482 = tpu.dynamic_gather %add3A_472[%gather3A_481] in [0] : vector<16xf32>, vector<16xi32> -> vector<16xf32>
      %jit3A_483 = arith.constant 0.000000e+00 : f32
      %broadcast_in_dim3A_484 = vector.broadcast %jit3A_483 : f32 to vector<16xf32>
      %select_n3A_485 = arith.select %ge3A_30, %gather3A_482, %broadcast_in_dim3A_484 : vector<16xi1>, vector<16xf32>
      %add3A_486 = arith.addf %add3A_472, %select_n3A_485 : vector<16xf32>
      %lt3A_487 = arith.constant 0 : i32
      %lt3A_488 = vector.broadcast %lt3A_487 : i32 to vector<16xi32>
      %lt3A_489 = arith.cmpi slt, %max3A_22, %lt3A_488 : vector<16xi32>
      %add3A_490 = arith.constant 16 : i32
      %add3A_491 = vector.broadcast %add3A_490 : i32 to vector<16xi32>
      %add3A_492 = arith.addi %max3A_22, %add3A_491 : vector<16xi32>
      %select_n3A_493 = arith.select %lt3A_489, %add3A_492, %max3A_22 : vector<16xi1>, vector<16xi32>
      %broadcast_in_dim3A_494 = vector.shape_cast %select_n3A_493 : vector<16xi32> to vector<16x1xi32>
      %gather3A_495 = vector.shape_cast %broadcast_in_dim3A_494 : vector<16x1xi32> to vector<16xi32>
      %gather3A_496 = tpu.dynamic_gather %add3A_486[%gather3A_495] in [0] : vector<16xf32>, vector<16xi32> -> vector<16xf32>
      %jit3A_497 = arith.constant 0.000000e+00 : f32
      %broadcast_in_dim3A_498 = vector.broadcast %jit3A_497 : f32 to vector<16xf32>
      %select_n3A_499 = arith.select %ge3A_33, %gather3A_496, %broadcast_in_dim3A_498 : vector<16xi1>, vector<16xf32>
      %add3A_500 = arith.addf %add3A_486, %select_n3A_499 : vector<16xf32>
      %add3A_501 = arith.addf %add3A_500, %scan3A_359 : vector<16xf32>
      %mul3A_502 = arith.constant 16 : i32
      %mul3A_503 = arith.muli %scan3A_357, %mul3A_502 : i32
      %swap3A_504 = arith.constant 1 : i32
      %swap3A_505 = arith.index_cast %swap3A_504 : i32 to index
      %swap3A_506 = arith.index_cast %mul3A_503 : i32 to index
      %swap3A_507 = tpu.vector_load %arg5[%swap3A_505, %swap3A_506] {strides = array<i32>} : memref<4x8192xf32, #tpu.memory_space<vmem>>, vector<1x16xf32>,
      %swap3A_508 = vector.shape_cast %swap3A_507 : vector<1x16xf32> to vector<16xf32>
      %swap3A_509 = vector.shape_cast %add3A_501 : vector<16xf32> to vector<1x16xf32>
      tpu.vector_store %arg5[%swap3A_505, %swap3A_506], %swap3A_509 {strides = array<i32>} : memref<4x8192xf32, #tpu.memory_space<vmem>>, vector<1x16xf32>,
      %lt3A_510 = arith.constant 0 : i32
      %lt3A_511 = vector.broadcast %lt3A_510 : i32 to vector<16xi32>
      %lt3A_512 = arith.cmpi slt, %add3A_39, %lt3A_511 : vector<16xi32>
      %add3A_513 = arith.constant 16 : i32
      %add3A_514 = vector.broadcast %add3A_513 : i32 to vector<16xi32>
      %add3A_515 = arith.addi %add3A_39, %add3A_514 : vector<16xi32>
      %select_n3A_516 = arith.select %lt3A_512, %add3A_515, %add3A_39 : vector<16xi1>, vector<16xi32>
      %broadcast_in_dim3A_517 = vector.shape_cast %select_n3A_516 : vector<16xi32> to vector<16x1xi32>
      %gather3A_518 = vector.shape_cast %broadcast_in_dim3A_517 : vector<16x1xi32> to vector<16xi32>
      %gather3A_519 = tpu.dynamic_gather %add3A_501[%gather3A_518] in [0] : vector<16xf32>, vector<16xi32> -> vector<16xf32>
      %mul3A_520 = arith.constant 16 : i32
      %mul3A_521 = arith.muli %scan3A_357, %mul3A_520 : i32
      %get3A_522 = arith.constant 2 : i32
      %get3A_523 = arith.index_cast %get3A_522 : i32 to index
      %get3A_524 = arith.index_cast %mul3A_521 : i32 to index
      %get3A_525 = tpu.vector_load %arg4[%get3A_523, %get3A_524] {strides = array<i32>} : memref<4x8192xf32, #tpu.memory_space<vmem>>, vector<1x16xf32>,
      %get3A_526 = vector.shape_cast %get3A_525 : vector<1x16xf32> to vector<16xf32>
      %lt3A_527 = arith.constant 0 : i32
      %lt3A_528 = vector.broadcast %lt3A_527 : i32 to vector<16xi32>
      %lt3A_529 = arith.cmpi slt, %max3A_4, %lt3A_528 : vector<16xi32>
      %add3A_530 = arith.constant 16 : i32
      %add3A_531 = vector.broadcast %add3A_530 : i32 to vector<16xi32>
      %add3A_532 = arith.addi %max3A_4, %add3A_531 : vector<16xi32>
      %select_n3A_533 = arith.select %lt3A_529, %add3A_532, %max3A_4 : vector<16xi1>, vector<16xi32>
      %broadcast_in_dim3A_534 = vector.shape_cast %select_n3A_533 : vector<16xi32> to vector<16x1xi32>
      %gather3A_535 = vector.shape_cast %broadcast_in_dim3A_534 : vector<16x1xi32> to vector<16xi32>
      %gather3A_536 = tpu.dynamic_gather %get3A_526[%gather3A_535] in [0] : vector<16xf32>, vector<16xi32> -> vector<16xf32>
      %jit3A_537 = arith.constant 0.000000e+00 : f32
      %broadcast_in_dim3A_538 = vector.broadcast %jit3A_537 : f32 to vector<16xf32>
      %select_n3A_539 = arith.select %ge3A_24, %gather3A_536, %broadcast_in_dim3A_538 : vector<16xi1>, vector<16xf32>
      %add3A_540 = arith.addf %get3A_526, %select_n3A_539 : vector<16xf32>
      %lt3A_541 = arith.constant 0 : i32
      %lt3A_542 = vector.broadcast %lt3A_541 : i32 to vector<16xi32>
      %lt3A_543 = arith.cmpi slt, %max3A_10, %lt3A_542 : vector<16xi32>
      %add3A_544 = arith.constant 16 : i32
      %add3A_545 = vector.broadcast %add3A_544 : i32 to vector<16xi32>
      %add3A_546 = arith.addi %max3A_10, %add3A_545 : vector<16xi32>
      %select_n3A_547 = arith.select %lt3A_543, %add3A_546, %max3A_10 : vector<16xi1>, vector<16xi32>
      %broadcast_in_dim3A_548 = vector.shape_cast %select_n3A_547 : vector<16xi32> to vector<16x1xi32>
      %gather3A_549 = vector.shape_cast %broadcast_in_dim3A_548 : vector<16x1xi32> to vector<16xi32>
      %gather3A_550 = tpu.dynamic_gather %add3A_540[%gather3A_549] in [0] : vector<16xf32>, vector<16xi32> -> vector<16xf32>
      %jit3A_551 = arith.constant 0.000000e+00 : f32
      %broadcast_in_dim3A_552 = vector.broadcast %jit3A_551 : f32 to vector<16xf32>
      %select_n3A_553 = arith.select %ge3A_27, %gather3A_550, %broadcast_in_dim3A_552 : vector<16xi1>, vector<16xf32>
      %add3A_554 = arith.addf %add3A_540, %select_n3A_553 : vector<16xf32>
      %lt3A_555 = arith.constant 0 : i32
      %lt3A_556 = vector.broadcast %lt3A_555 : i32 to vector<16xi32>
      %lt3A_557 = arith.cmpi slt, %max3A_16, %lt3A_556 : vector<16xi32>
      %add3A_558 = arith.constant 16 : i32
      %add3A_559 = vector.broadcast %add3A_558 : i32 to vector<16xi32>
      %add3A_560 = arith.addi %max3A_16, %add3A_559 : vector<16xi32>
      %select_n3A_561 = arith.select %lt3A_557, %add3A_560, %max3A_16 : vector<16xi1>, vector<16xi32>
      %broadcast_in_dim3A_562 = vector.shape_cast %select_n3A_561 : vector<16xi32> to vector<16x1xi32>
      %gather3A_563 = vector.shape_cast %broadcast_in_dim3A_562 : vector<16x1xi32> to vector<16xi32>
      %gather3A_564 = tpu.dynamic_gather %add3A_554[%gather3A_563] in [0] : vector<16xf32>, vector<16xi32> -> vector<16xf32>
      %jit3A_565 = arith.constant 0.000000e+00 : f32
      %broadcast_in_dim3A_566 = vector.broadcast %jit3A_565 : f32 to vector<16xf32>
      %select_n3A_567 = arith.select %ge3A_30, %gather3A_564, %broadcast_in_dim3A_566 : vector<16xi1>, vector<16xf32>
      %add3A_568 = arith.addf %add3A_554, %select_n3A_567 : vector<16xf32>
      %lt3A_569 = arith.constant 0 : i32
      %lt3A_570 = vector.broadcast %lt3A_569 : i32 to vector<16xi32>
      %lt3A_571 = arith.cmpi slt, %max3A_22, %lt3A_570 : vector<16xi32>
      %add3A_572 = arith.constant 16 : i32
      %add3A_573 = vector.broadcast %add3A_572 : i32 to vector<16xi32>
      %add3A_574 = arith.addi %max3A_22, %add3A_573 : vector<16xi32>
      %select_n3A_575 = arith.select %lt3A_571, %add3A_574, %max3A_22 : vector<16xi1>, vector<16xi32>
      %broadcast_in_dim3A_576 = vector.shape_cast %select_n3A_575 : vector<16xi32> to vector<16x1xi32>
      %gather3A_577 = vector.shape_cast %broadcast_in_dim3A_576 : vector<16x1xi32> to vector<16xi32>
      %gather3A_578 = tpu.dynamic_gather %add3A_568[%gather3A_577] in [0] : vector<16xf32>, vector<16xi32> -> vector<16xf32>
      %jit3A_579 = arith.constant 0.000000e+00 : f32
      %broadcast_in_dim3A_580 = vector.broadcast %jit3A_579 : f32 to vector<16xf32>
      %select_n3A_581 = arith.select %ge3A_33, %gather3A_578, %broadcast_in_dim3A_580 : vector<16xi1>, vector<16xf32>
      %add3A_582 = arith.addf %add3A_568, %select_n3A_581 : vector<16xf32>
      %add3A_583 = arith.addf %add3A_582, %scan3A_360 : vector<16xf32>
      %mul3A_584 = arith.constant 16 : i32
      %mul3A_585 = arith.muli %scan3A_357, %mul3A_584 : i32
      %swap3A_586 = arith.constant 2 : i32
      %swap3A_587 = arith.index_cast %swap3A_586 : i32 to index
      %swap3A_588 = arith.index_cast %mul3A_585 : i32 to index
      %swap3A_589 = tpu.vector_load %arg5[%swap3A_587, %swap3A_588] {strides = array<i32>} : memref<4x8192xf32, #tpu.memory_space<vmem>>, vector<1x16xf32>,
      %swap3A_590 = vector.shape_cast %swap3A_589 : vector<1x16xf32> to vector<16xf32>
      %swap3A_591 = vector.shape_cast %add3A_583 : vector<16xf32> to vector<1x16xf32>
      tpu.vector_store %arg5[%swap3A_587, %swap3A_588], %swap3A_591 {strides = array<i32>} : memref<4x8192xf32, #tpu.memory_space<vmem>>, vector<1x16xf32>,
      %lt3A_592 = arith.constant 0 : i32
      %lt3A_593 = vector.broadcast %lt3A_592 : i32 to vector<16xi32>
      %lt3A_594 = arith.cmpi slt, %add3A_39, %lt3A_593 : vector<16xi32>
      %add3A_595 = arith.constant 16 : i32
      %add3A_596 = vector.broadcast %add3A_595 : i32 to vector<16xi32>
      %add3A_597 = arith.addi %add3A_39, %add3A_596 : vector<16xi32>
      %select_n3A_598 = arith.select %lt3A_594, %add3A_597, %add3A_39 : vector<16xi1>, vector<16xi32>
      %broadcast_in_dim3A_599 = vector.shape_cast %select_n3A_598 : vector<16xi32> to vector<16x1xi32>
      %gather3A_600 = vector.shape_cast %broadcast_in_dim3A_599 : vector<16x1xi32> to vector<16xi32>
      %gather3A_601 = tpu.dynamic_gather %add3A_583[%gather3A_600] in [0] : vector<16xf32>, vector<16xi32> -> vector<16xf32>
      %mul3A_602 = arith.constant 16 : i32
      %mul3A_603 = arith.muli %scan3A_357, %mul3A_602 : i32
      %get3A_604 = arith.constant 3 : i32
      %get3A_605 = arith.index_cast %get3A_604 : i32 to index
      %get3A_606 = arith.index_cast %mul3A_603 : i32 to index
      %get3A_607 = tpu.vector_load %arg4[%get3A_605, %get3A_606] {strides = array<i32>} : memref<4x8192xf32, #tpu.memory_space<vmem>>, vector<1x16xf32>,
      %get3A_608 = vector.shape_cast %get3A_607 : vector<1x16xf32> to vector<16xf32>
      %lt3A_609 = arith.constant 0 : i32
      %lt3A_610 = vector.broadcast %lt3A_609 : i32 to vector<16xi32>
      %lt3A_611 = arith.cmpi slt, %max3A_4, %lt3A_610 : vector<16xi32>
      %add3A_612 = arith.constant 16 : i32
      %add3A_613 = vector.broadcast %add3A_612 : i32 to vector<16xi32>
      %add3A_614 = arith.addi %max3A_4, %add3A_613 : vector<16xi32>
      %select_n3A_615 = arith.select %lt3A_611, %add3A_614, %max3A_4 : vector<16xi1>, vector<16xi32>
      %broadcast_in_dim3A_616 = vector.shape_cast %select_n3A_615 : vector<16xi32> to vector<16x1xi32>
      %gather3A_617 = vector.shape_cast %broadcast_in_dim3A_616 : vector<16x1xi32> to vector<16xi32>
      %gather3A_618 = tpu.dynamic_gather %get3A_608[%gather3A_617] in [0] : vector<16xf32>, vector<16xi32> -> vector<16xf32>
      %jit3A_619 = arith.constant 0.000000e+00 : f32
      %broadcast_in_dim3A_620 = vector.broadcast %jit3A_619 : f32 to vector<16xf32>
      %select_n3A_621 = arith.select %ge3A_24, %gather3A_618, %broadcast_in_dim3A_620 : vector<16xi1>, vector<16xf32>
      %add3A_622 = arith.addf %get3A_608, %select_n3A_621 : vector<16xf32>
      %lt3A_623 = arith.constant 0 : i32
      %lt3A_624 = vector.broadcast %lt3A_623 : i32 to vector<16xi32>
      %lt3A_625 = arith.cmpi slt, %max3A_10, %lt3A_624 : vector<16xi32>
      %add3A_626 = arith.constant 16 : i32
      %add3A_627 = vector.broadcast %add3A_626 : i32 to vector<16xi32>
      %add3A_628 = arith.addi %max3A_10, %add3A_627 : vector<16xi32>
      %select_n3A_629 = arith.select %lt3A_625, %add3A_628, %max3A_10 : vector<16xi1>, vector<16xi32>
      %broadcast_in_dim3A_630 = vector.shape_cast %select_n3A_629 : vector<16xi32> to vector<16x1xi32>
      %gather3A_631 = vector.shape_cast %broadcast_in_dim3A_630 : vector<16x1xi32> to vector<16xi32>
      %gather3A_632 = tpu.dynamic_gather %add3A_622[%gather3A_631] in [0] : vector<16xf32>, vector<16xi32> -> vector<16xf32>
      %jit3A_633 = arith.constant 0.000000e+00 : f32
      %broadcast_in_dim3A_634 = vector.broadcast %jit3A_633 : f32 to vector<16xf32>
      %select_n3A_635 = arith.select %ge3A_27, %gather3A_632, %broadcast_in_dim3A_634 : vector<16xi1>, vector<16xf32>
      %add3A_636 = arith.addf %add3A_622, %select_n3A_635 : vector<16xf32>
      %lt3A_637 = arith.constant 0 : i32
      %lt3A_638 = vector.broadcast %lt3A_637 : i32 to vector<16xi32>
      %lt3A_639 = arith.cmpi slt, %max3A_16, %lt3A_638 : vector<16xi32>
      %add3A_640 = arith.constant 16 : i32
      %add3A_641 = vector.broadcast %add3A_640 : i32 to vector<16xi32>
      %add3A_642 = arith.addi %max3A_16, %add3A_641 : vector<16xi32>
      %select_n3A_643 = arith.select %lt3A_639, %add3A_642, %max3A_16 : vector<16xi1>, vector<16xi32>
      %broadcast_in_dim3A_644 = vector.shape_cast %select_n3A_643 : vector<16xi32> to vector<16x1xi32>
      %gather3A_645 = vector.shape_cast %broadcast_in_dim3A_644 : vector<16x1xi32> to vector<16xi32>
      %gather3A_646 = tpu.dynamic_gather %add3A_636[%gather3A_645] in [0] : vector<16xf32>, vector<16xi32> -> vector<16xf32>
      %jit3A_647 = arith.constant 0.000000e+00 : f32
      %broadcast_in_dim3A_648 = vector.broadcast %jit3A_647 : f32 to vector<16xf32>
      %select_n3A_649 = arith.select %ge3A_30, %gather3A_646, %broadcast_in_dim3A_648 : vector<16xi1>, vector<16xf32>
      %add3A_650 = arith.addf %add3A_636, %select_n3A_649 : vector<16xf32>
      %lt3A_651 = arith.constant 0 : i32
      %lt3A_652 = vector.broadcast %lt3A_651 : i32 to vector<16xi32>
      %lt3A_653 = arith.cmpi slt, %max3A_22, %lt3A_652 : vector<16xi32>
      %add3A_654 = arith.constant 16 : i32
      %add3A_655 = vector.broadcast %add3A_654 : i32 to vector<16xi32>
      %add3A_656 = arith.addi %max3A_22, %add3A_655 : vector<16xi32>
      %select_n3A_657 = arith.select %lt3A_653, %add3A_656, %max3A_22 : vector<16xi1>, vector<16xi32>
      %broadcast_in_dim3A_658 = vector.shape_cast %select_n3A_657 : vector<16xi32> to vector<16x1xi32>
      %gather3A_659 = vector.shape_cast %broadcast_in_dim3A_658 : vector<16x1xi32> to vector<16xi32>
      %gather3A_660 = tpu.dynamic_gather %add3A_650[%gather3A_659] in [0] : vector<16xf32>, vector<16xi32> -> vector<16xf32>
      %jit3A_661 = arith.constant 0.000000e+00 : f32
      %broadcast_in_dim3A_662 = vector.broadcast %jit3A_661 : f32 to vector<16xf32>
      %select_n3A_663 = arith.select %ge3A_33, %gather3A_660, %broadcast_in_dim3A_662 : vector<16xi1>, vector<16xf32>
      %add3A_664 = arith.addf %add3A_650, %select_n3A_663 : vector<16xf32>
      %add3A_665 = arith.addf %add3A_664, %scan3A_361 : vector<16xf32>
      %mul3A_666 = arith.constant 16 : i32
      %mul3A_667 = arith.muli %scan3A_357, %mul3A_666 : i32
      %swap3A_668 = arith.constant 3 : i32
      %swap3A_669 = arith.index_cast %swap3A_668 : i32 to index
      %swap3A_670 = arith.index_cast %mul3A_667 : i32 to index
      %swap3A_671 = tpu.vector_load %arg5[%swap3A_669, %swap3A_670] {strides = array<i32>} : memref<4x8192xf32, #tpu.memory_space<vmem>>, vector<1x16xf32>,
      %swap3A_672 = vector.shape_cast %swap3A_671 : vector<1x16xf32> to vector<16xf32>
      %swap3A_673 = vector.shape_cast %add3A_665 : vector<16xf32> to vector<1x16xf32>
      tpu.vector_store %arg5[%swap3A_669, %swap3A_670], %swap3A_673 {strides = array<i32>} : memref<4x8192xf32, #tpu.memory_space<vmem>>, vector<1x16xf32>,
      %lt3A_674 = arith.constant 0 : i32
      %lt3A_675 = vector.broadcast %lt3A_674 : i32 to vector<16xi32>
      %lt3A_676 = arith.cmpi slt, %add3A_39, %lt3A_675 : vector<16xi32>
      %add3A_677 = arith.constant 16 : i32
      %add3A_678 = vector.broadcast %add3A_677 : i32 to vector<16xi32>
      %add3A_679 = arith.addi %add3A_39, %add3A_678 : vector<16xi32>
      %select_n3A_680 = arith.select %lt3A_676, %add3A_679, %add3A_39 : vector<16xi1>, vector<16xi32>
      %broadcast_in_dim3A_681 = vector.shape_cast %select_n3A_680 : vector<16xi32> to vector<16x1xi32>
      %gather3A_682 = vector.shape_cast %broadcast_in_dim3A_681 : vector<16x1xi32> to vector<16xi32>
      %gather3A_683 = tpu.dynamic_gather %add3A_665[%gather3A_682] in [0] : vector<16xf32>, vector<16xi32> -> vector<16xf32>
      scf.yield %gather3A_437, %gather3A_519, %gather3A_601, %gather3A_683 : vector<16xf32>, vector<16xf32>, vector<16xf32>, vector<16xf32>
    }
    %scan3A_164 = arith.constant 512 : i32
    %mul3A_165 = arith.constant 4 : i32
    %mul3A_166 = arith.muli %add3A, %mul3A_165 : i32
    %add3A_167 = arith.constant 0 : i32
    %add3A_168 = arith.addi %mul3A_166, %add3A_167 : i32
    %mul3A_169 = arith.constant 32768 : i32
    %mul3A_170 = arith.muli %add3A_168, %mul3A_169 : i32
    %add3A_171 = arith.constant 8192 : i32
    %add3A_172 = arith.addi %mul3A_170, %add3A_171 : i32
    %run_scoped3A_173 = arith.constant 0 : i32
    "tpu.region"() ({
      %run_scoped3A_357 = tpu.sem_alloc : memref<!tpu.dma_semaphore, #tpu.memory_space<semaphore_mem>>
      %dma_start3A = arith.constant 0 : i32
      %dma_start3A_358 = tpu.memref_slice %arg5[%run_scoped3A_173, %dma_start3A] : memref<4x8192xf32, #tpu.memory_space<vmem>> -> memref<1x8192xf32, #tpu.memory_space<vmem>>
      %dma_start3A_359 = tpu.memref_squeeze %dma_start3A_358 : memref<1x8192xf32, #tpu.memory_space<vmem>> -> memref<8192xf32, #tpu.memory_space<vmem>>
      %dma_start3A_360 = tpu.memref_slice %arg3[%add3A_172] : memref<4194304xf32, #tpu.memory_space<hbm>> -> memref<8192xf32, #tpu.memory_space<hbm>>
      %dma_start3A_361 = tpu.memref_slice %arg3[%add3A_172] : memref<4194304xf32, #tpu.memory_space<hbm>> -> memref<8192xf32, #tpu.memory_space<hbm>>
      %dma_start3A_362 = arith.constant 0 : i32
      %dma_start3A_363 = tpu.memref_slice %arg5[%run_scoped3A_173, %dma_start3A_362] : memref<4x8192xf32, #tpu.memory_space<vmem>> -> memref<1x8192xf32, #tpu.memory_space<vmem>>
      %dma_start3A_364 = tpu.memref_squeeze %dma_start3A_363 : memref<1x8192xf32, #tpu.memory_space<vmem>> -> memref<8192xf32, #tpu.memory_space<vmem>>
      tpu.enqueue_dma source(%dma_start3A_364 : memref<8192xf32, #tpu.memory_space<vmem>>) target(%dma_start3A_361 : memref<8192xf32, #tpu.memory_space<hbm>>) target_semaphore(%run_scoped3A_357 : memref<!tpu.dma_semaphore, #tpu.memory_space<semaphore_mem>>)
      %dma_wait3A = arith.constant 0 : i32
      %dma_wait3A_365 = tpu.memref_slice %arg5[%run_scoped3A_173, %dma_wait3A] : memref<4x8192xf32, #tpu.memory_space<vmem>> -> memref<1x8192xf32, #tpu.memory_space<vmem>>
      %dma_wait3A_366 = tpu.memref_squeeze %dma_wait3A_365 : memref<1x8192xf32, #tpu.memory_space<vmem>> -> memref<8192xf32, #tpu.memory_space<vmem>>
      %dma_wait3A_367 = tpu.memref_slice %arg3[%add3A_172] : memref<4194304xf32, #tpu.memory_space<hbm>> -> memref<8192xf32, #tpu.memory_space<hbm>>
      %dma_wait3A_368 = tpu.memref_slice %arg3[%add3A_172] : memref<4194304xf32, #tpu.memory_space<hbm>> -> memref<8192xf32, #tpu.memory_space<hbm>>
      %dma_wait3A_369 = arith.constant 0 : i32
      %dma_wait3A_370 = tpu.memref_slice %arg5[%run_scoped3A_173, %dma_wait3A_369] : memref<4x8192xf32, #tpu.memory_space<vmem>> -> memref<1x8192xf32, #tpu.memory_space<vmem>>
      %dma_wait3A_371 = tpu.memref_squeeze %dma_wait3A_370 : memref<1x8192xf32, #tpu.memory_space<vmem>> -> memref<8192xf32, #tpu.memory_space<vmem>>
      tpu.wait_dma2 semaphore(%run_scoped3A_357 : memref<!tpu.dma_semaphore, #tpu.memory_space<semaphore_mem>>) src(%dma_wait3A_371 : memref<8192xf32, #tpu.memory_space<vmem>>) dst(%dma_wait3A_368 : memref<8192xf32, #tpu.memory_space<hbm>>)
      tpu.yield
    }) : () -> ()
    %mul3A_174 = arith.constant 4 : i32
    %mul3A_175 = arith.muli %add3A, %mul3A_174 : i32
    %add3A_176 = arith.constant 1 : i32
    %add3A_177 = arith.addi %mul3A_175, %add3A_176 : i32
    %mul3A_178 = arith.constant 32768 : i32
    %mul3A_179 = arith.muli %add3A_177, %mul3A_178 : i32
    %add3A_180 = arith.constant 8192 : i32
    %add3A_181 = arith.addi %mul3A_179, %add3A_180 : i32
    %run_scoped3A_182 = arith.constant 1 : i32
    "tpu.region"() ({
      %run_scoped3A_357 = tpu.sem_alloc : memref<!tpu.dma_semaphore, #tpu.memory_space<semaphore_mem>>
      %dma_start3A = arith.constant 0 : i32
      %dma_start3A_358 = tpu.memref_slice %arg5[%run_scoped3A_182, %dma_start3A] : memref<4x8192xf32, #tpu.memory_space<vmem>> -> memref<1x8192xf32, #tpu.memory_space<vmem>>
      %dma_start3A_359 = tpu.memref_squeeze %dma_start3A_358 : memref<1x8192xf32, #tpu.memory_space<vmem>> -> memref<8192xf32, #tpu.memory_space<vmem>>
      %dma_start3A_360 = tpu.memref_slice %arg3[%add3A_181] : memref<4194304xf32, #tpu.memory_space<hbm>> -> memref<8192xf32, #tpu.memory_space<hbm>>
      %dma_start3A_361 = tpu.memref_slice %arg3[%add3A_181] : memref<4194304xf32, #tpu.memory_space<hbm>> -> memref<8192xf32, #tpu.memory_space<hbm>>
      %dma_start3A_362 = arith.constant 0 : i32
      %dma_start3A_363 = tpu.memref_slice %arg5[%run_scoped3A_182, %dma_start3A_362] : memref<4x8192xf32, #tpu.memory_space<vmem>> -> memref<1x8192xf32, #tpu.memory_space<vmem>>
      %dma_start3A_364 = tpu.memref_squeeze %dma_start3A_363 : memref<1x8192xf32, #tpu.memory_space<vmem>> -> memref<8192xf32, #tpu.memory_space<vmem>>
      tpu.enqueue_dma source(%dma_start3A_364 : memref<8192xf32, #tpu.memory_space<vmem>>) target(%dma_start3A_361 : memref<8192xf32, #tpu.memory_space<hbm>>) target_semaphore(%run_scoped3A_357 : memref<!tpu.dma_semaphore, #tpu.memory_space<semaphore_mem>>)
      %dma_wait3A = arith.constant 0 : i32
      %dma_wait3A_365 = tpu.memref_slice %arg5[%run_scoped3A_182, %dma_wait3A] : memref<4x8192xf32, #tpu.memory_space<vmem>> -> memref<1x8192xf32, #tpu.memory_space<vmem>>
      %dma_wait3A_366 = tpu.memref_squeeze %dma_wait3A_365 : memref<1x8192xf32, #tpu.memory_space<vmem>> -> memref<8192xf32, #tpu.memory_space<vmem>>
      %dma_wait3A_367 = tpu.memref_slice %arg3[%add3A_181] : memref<4194304xf32, #tpu.memory_space<hbm>> -> memref<8192xf32, #tpu.memory_space<hbm>>
      %dma_wait3A_368 = tpu.memref_slice %arg3[%add3A_181] : memref<4194304xf32, #tpu.memory_space<hbm>> -> memref<8192xf32, #tpu.memory_space<hbm>>
      %dma_wait3A_369 = arith.constant 0 : i32
      %dma_wait3A_370 = tpu.memref_slice %arg5[%run_scoped3A_182, %dma_wait3A_369] : memref<4x8192xf32, #tpu.memory_space<vmem>> -> memref<1x8192xf32, #tpu.memory_space<vmem>>
      %dma_wait3A_371 = tpu.memref_squeeze %dma_wait3A_370 : memref<1x8192xf32, #tpu.memory_space<vmem>> -> memref<8192xf32, #tpu.memory_space<vmem>>
      tpu.wait_dma2 semaphore(%run_scoped3A_357 : memref<!tpu.dma_semaphore, #tpu.memory_space<semaphore_mem>>) src(%dma_wait3A_371 : memref<8192xf32, #tpu.memory_space<vmem>>) dst(%dma_wait3A_368 : memref<8192xf32, #tpu.memory_space<hbm>>)
      tpu.yield
    }) : () -> ()
    %mul3A_183 = arith.constant 4 : i32
    %mul3A_184 = arith.muli %add3A, %mul3A_183 : i32
    %add3A_185 = arith.constant 2 : i32
    %add3A_186 = arith.addi %mul3A_184, %add3A_185 : i32
    %mul3A_187 = arith.constant 32768 : i32
    %mul3A_188 = arith.muli %add3A_186, %mul3A_187 : i32
    %add3A_189 = arith.constant 8192 : i32
    %add3A_190 = arith.addi %mul3A_188, %add3A_189 : i32
    %run_scoped3A_191 = arith.constant 2 : i32
    "tpu.region"() ({
      %run_scoped3A_357 = tpu.sem_alloc : memref<!tpu.dma_semaphore, #tpu.memory_space<semaphore_mem>>
      %dma_start3A = arith.constant 0 : i32
      %dma_start3A_358 = tpu.memref_slice %arg5[%run_scoped3A_191, %dma_start3A] : memref<4x8192xf32, #tpu.memory_space<vmem>> -> memref<1x8192xf32, #tpu.memory_space<vmem>>
      %dma_start3A_359 = tpu.memref_squeeze %dma_start3A_358 : memref<1x8192xf32, #tpu.memory_space<vmem>> -> memref<8192xf32, #tpu.memory_space<vmem>>
      %dma_start3A_360 = tpu.memref_slice %arg3[%add3A_190] : memref<4194304xf32, #tpu.memory_space<hbm>> -> memref<8192xf32, #tpu.memory_space<hbm>>
      %dma_start3A_361 = tpu.memref_slice %arg3[%add3A_190] : memref<4194304xf32, #tpu.memory_space<hbm>> -> memref<8192xf32, #tpu.memory_space<hbm>>
      %dma_start3A_362 = arith.constant 0 : i32
      %dma_start3A_363 = tpu.memref_slice %arg5[%run_scoped3A_191, %dma_start3A_362] : memref<4x8192xf32, #tpu.memory_space<vmem>> -> memref<1x8192xf32, #tpu.memory_space<vmem>>
      %dma_start3A_364 = tpu.memref_squeeze %dma_start3A_363 : memref<1x8192xf32, #tpu.memory_space<vmem>> -> memref<8192xf32, #tpu.memory_space<vmem>>
      tpu.enqueue_dma source(%dma_start3A_364 : memref<8192xf32, #tpu.memory_space<vmem>>) target(%dma_start3A_361 : memref<8192xf32, #tpu.memory_space<hbm>>) target_semaphore(%run_scoped3A_357 : memref<!tpu.dma_semaphore, #tpu.memory_space<semaphore_mem>>)
      %dma_wait3A = arith.constant 0 : i32
      %dma_wait3A_365 = tpu.memref_slice %arg5[%run_scoped3A_191, %dma_wait3A] : memref<4x8192xf32, #tpu.memory_space<vmem>> -> memref<1x8192xf32, #tpu.memory_space<vmem>>
      %dma_wait3A_366 = tpu.memref_squeeze %dma_wait3A_365 : memref<1x8192xf32, #tpu.memory_space<vmem>> -> memref<8192xf32, #tpu.memory_space<vmem>>
      %dma_wait3A_367 = tpu.memref_slice %arg3[%add3A_190] : memref<4194304xf32, #tpu.memory_space<hbm>> -> memref<8192xf32, #tpu.memory_space<hbm>>
      %dma_wait3A_368 = tpu.memref_slice %arg3[%add3A_190] : memref<4194304xf32, #tpu.memory_space<hbm>> -> memref<8192xf32, #tpu.memory_space<hbm>>
      %dma_wait3A_369 = arith.constant 0 : i32
      %dma_wait3A_370 = tpu.memref_slice %arg5[%run_scoped3A_191, %dma_wait3A_369] : memref<4x8192xf32, #tpu.memory_space<vmem>> -> memref<1x8192xf32, #tpu.memory_space<vmem>>
      %dma_wait3A_371 = tpu.memref_squeeze %dma_wait3A_370 : memref<1x8192xf32, #tpu.memory_space<vmem>> -> memref<8192xf32, #tpu.memory_space<vmem>>
      tpu.wait_dma2 semaphore(%run_scoped3A_357 : memref<!tpu.dma_semaphore, #tpu.memory_space<semaphore_mem>>) src(%dma_wait3A_371 : memref<8192xf32, #tpu.memory_space<vmem>>) dst(%dma_wait3A_368 : memref<8192xf32, #tpu.memory_space<hbm>>)
      tpu.yield
    }) : () -> ()
    %mul3A_192 = arith.constant 4 : i32
    %mul3A_193 = arith.muli %add3A, %mul3A_192 : i32
    %add3A_194 = arith.constant 3 : i32
    %add3A_195 = arith.addi %mul3A_193, %add3A_194 : i32
    %mul3A_196 = arith.constant 32768 : i32
    %mul3A_197 = arith.muli %add3A_195, %mul3A_196 : i32
    %add3A_198 = arith.constant 8192 : i32
    %add3A_199 = arith.addi %mul3A_197, %add3A_198 : i32
    %run_scoped3A_200 = arith.constant 3 : i32
    "tpu.region"() ({
      %run_scoped3A_357 = tpu.sem_alloc : memref<!tpu.dma_semaphore, #tpu.memory_space<semaphore_mem>>
      %dma_start3A = arith.constant 0 : i32
      %dma_start3A_358 = tpu.memref_slice %arg5[%run_scoped3A_200, %dma_start3A] : memref<4x8192xf32, #tpu.memory_space<vmem>> -> memref<1x8192xf32, #tpu.memory_space<vmem>>
      %dma_start3A_359 = tpu.memref_squeeze %dma_start3A_358 : memref<1x8192xf32, #tpu.memory_space<vmem>> -> memref<8192xf32, #tpu.memory_space<vmem>>
      %dma_start3A_360 = tpu.memref_slice %arg3[%add3A_199] : memref<4194304xf32, #tpu.memory_space<hbm>> -> memref<8192xf32, #tpu.memory_space<hbm>>
      %dma_start3A_361 = tpu.memref_slice %arg3[%add3A_199] : memref<4194304xf32, #tpu.memory_space<hbm>> -> memref<8192xf32, #tpu.memory_space<hbm>>
      %dma_start3A_362 = arith.constant 0 : i32
      %dma_start3A_363 = tpu.memref_slice %arg5[%run_scoped3A_200, %dma_start3A_362] : memref<4x8192xf32, #tpu.memory_space<vmem>> -> memref<1x8192xf32, #tpu.memory_space<vmem>>
      %dma_start3A_364 = tpu.memref_squeeze %dma_start3A_363 : memref<1x8192xf32, #tpu.memory_space<vmem>> -> memref<8192xf32, #tpu.memory_space<vmem>>
      tpu.enqueue_dma source(%dma_start3A_364 : memref<8192xf32, #tpu.memory_space<vmem>>) target(%dma_start3A_361 : memref<8192xf32, #tpu.memory_space<hbm>>) target_semaphore(%run_scoped3A_357 : memref<!tpu.dma_semaphore, #tpu.memory_space<semaphore_mem>>)
      %dma_wait3A = arith.constant 0 : i32
      %dma_wait3A_365 = tpu.memref_slice %arg5[%run_scoped3A_200, %dma_wait3A] : memref<4x8192xf32, #tpu.memory_space<vmem>> -> memref<1x8192xf32, #tpu.memory_space<vmem>>
      %dma_wait3A_366 = tpu.memref_squeeze %dma_wait3A_365 : memref<1x8192xf32, #tpu.memory_space<vmem>> -> memref<8192xf32, #tpu.memory_space<vmem>>
      %dma_wait3A_367 = tpu.memref_slice %arg3[%add3A_199] : memref<4194304xf32, #tpu.memory_space<hbm>> -> memref<8192xf32, #tpu.memory_space<hbm>>
      %dma_wait3A_368 = tpu.memref_slice %arg3[%add3A_199] : memref<4194304xf32, #tpu.memory_space<hbm>> -> memref<8192xf32, #tpu.memory_space<hbm>>
      %dma_wait3A_369 = arith.constant 0 : i32
      %dma_wait3A_370 = tpu.memref_slice %arg5[%run_scoped3A_200, %dma_wait3A_369] : memref<4x8192xf32, #tpu.memory_space<vmem>> -> memref<1x8192xf32, #tpu.memory_space<vmem>>
      %dma_wait3A_371 = tpu.memref_squeeze %dma_wait3A_370 : memref<1x8192xf32, #tpu.memory_space<vmem>> -> memref<8192xf32, #tpu.memory_space<vmem>>
      tpu.wait_dma2 semaphore(%run_scoped3A_357 : memref<!tpu.dma_semaphore, #tpu.memory_space<semaphore_mem>>) src(%dma_wait3A_371 : memref<8192xf32, #tpu.memory_space<vmem>>) dst(%dma_wait3A_368 : memref<8192xf32, #tpu.memory_space<hbm>>)
      tpu.yield
    }) : () -> ()
    %mul3A_201 = arith.constant 4 : i32
    %mul3A_202 = arith.muli %add3A, %mul3A_201 : i32
    %add3A_203 = arith.constant 0 : i32
    %add3A_204 = arith.addi %mul3A_202, %add3A_203 : i32
    %mul3A_205 = arith.constant 32768 : i32
    %mul3A_206 = arith.muli %add3A_204, %mul3A_205 : i32
    %add3A_207 = arith.constant 16384 : i32
    %add3A_208 = arith.addi %mul3A_206, %add3A_207 : i32
    %run_scoped3A_209 = arith.constant 0 : i32
    "tpu.region"() ({
      %run_scoped3A_357 = tpu.sem_alloc : memref<!tpu.dma_semaphore, #tpu.memory_space<semaphore_mem>>
      %dma_start3A = arith.constant 0 : i32
      %dma_start3A_358 = tpu.memref_slice %arg4[%run_scoped3A_209, %dma_start3A] : memref<4x8192xf32, #tpu.memory_space<vmem>> -> memref<1x8192xf32, #tpu.memory_space<vmem>>
      %dma_start3A_359 = tpu.memref_squeeze %dma_start3A_358 : memref<1x8192xf32, #tpu.memory_space<vmem>> -> memref<8192xf32, #tpu.memory_space<vmem>>
      %dma_start3A_360 = tpu.memref_slice %arg2[%add3A_208] : memref<4194304xf32, #tpu.memory_space<hbm>> -> memref<8192xf32, #tpu.memory_space<hbm>>
      %dma_start3A_361 = arith.constant 0 : i32
      %dma_start3A_362 = tpu.memref_slice %arg4[%run_scoped3A_209, %dma_start3A_361] : memref<4x8192xf32, #tpu.memory_space<vmem>> -> memref<1x8192xf32, #tpu.memory_space<vmem>>
      %dma_start3A_363 = tpu.memref_squeeze %dma_start3A_362 : memref<1x8192xf32, #tpu.memory_space<vmem>> -> memref<8192xf32, #tpu.memory_space<vmem>>
      %dma_start3A_364 = tpu.memref_slice %arg2[%add3A_208] : memref<4194304xf32, #tpu.memory_space<hbm>> -> memref<8192xf32, #tpu.memory_space<hbm>>
      tpu.enqueue_dma source(%dma_start3A_364 : memref<8192xf32, #tpu.memory_space<hbm>>) target(%dma_start3A_363 : memref<8192xf32, #tpu.memory_space<vmem>>) target_semaphore(%run_scoped3A_357 : memref<!tpu.dma_semaphore, #tpu.memory_space<semaphore_mem>>)
      %dma_wait3A = arith.constant 0 : i32
      %dma_wait3A_365 = tpu.memref_slice %arg4[%run_scoped3A_209, %dma_wait3A] : memref<4x8192xf32, #tpu.memory_space<vmem>> -> memref<1x8192xf32, #tpu.memory_space<vmem>>
      %dma_wait3A_366 = tpu.memref_squeeze %dma_wait3A_365 : memref<1x8192xf32, #tpu.memory_space<vmem>> -> memref<8192xf32, #tpu.memory_space<vmem>>
      %dma_wait3A_367 = tpu.memref_slice %arg2[%add3A_208] : memref<4194304xf32, #tpu.memory_space<hbm>> -> memref<8192xf32, #tpu.memory_space<hbm>>
      %dma_wait3A_368 = arith.constant 0 : i32
      %dma_wait3A_369 = tpu.memref_slice %arg4[%run_scoped3A_209, %dma_wait3A_368] : memref<4x8192xf32, #tpu.memory_space<vmem>> -> memref<1x8192xf32, #tpu.memory_space<vmem>>
      %dma_wait3A_370 = tpu.memref_squeeze %dma_wait3A_369 : memref<1x8192xf32, #tpu.memory_space<vmem>> -> memref<8192xf32, #tpu.memory_space<vmem>>
      %dma_wait3A_371 = tpu.memref_slice %arg2[%add3A_208] : memref<4194304xf32, #tpu.memory_space<hbm>> -> memref<8192xf32, #tpu.memory_space<hbm>>
      tpu.wait_dma2 semaphore(%run_scoped3A_357 : memref<!tpu.dma_semaphore, #tpu.memory_space<semaphore_mem>>) src(%dma_wait3A_371 : memref<8192xf32, #tpu.memory_space<hbm>>) dst(%dma_wait3A_370 : memref<8192xf32, #tpu.memory_space<vmem>>)
      tpu.yield
    }) : () -> ()
    %mul3A_210 = arith.constant 4 : i32
    %mul3A_211 = arith.muli %add3A, %mul3A_210 : i32
    %add3A_212 = arith.constant 1 : i32
    %add3A_213 = arith.addi %mul3A_211, %add3A_212 : i32
    %mul3A_214 = arith.constant 32768 : i32
    %mul3A_215 = arith.muli %add3A_213, %mul3A_214 : i32
    %add3A_216 = arith.constant 16384 : i32
    %add3A_217 = arith.addi %mul3A_215, %add3A_216 : i32
    %run_scoped3A_218 = arith.constant 1 : i32
    "tpu.region"() ({
      %run_scoped3A_357 = tpu.sem_alloc : memref<!tpu.dma_semaphore, #tpu.memory_space<semaphore_mem>>
      %dma_start3A = arith.constant 0 : i32
      %dma_start3A_358 = tpu.memref_slice %arg4[%run_scoped3A_218, %dma_start3A] : memref<4x8192xf32, #tpu.memory_space<vmem>> -> memref<1x8192xf32, #tpu.memory_space<vmem>>
      %dma_start3A_359 = tpu.memref_squeeze %dma_start3A_358 : memref<1x8192xf32, #tpu.memory_space<vmem>> -> memref<8192xf32, #tpu.memory_space<vmem>>
      %dma_start3A_360 = tpu.memref_slice %arg2[%add3A_217] : memref<4194304xf32, #tpu.memory_space<hbm>> -> memref<8192xf32, #tpu.memory_space<hbm>>
      %dma_start3A_361 = arith.constant 0 : i32
      %dma_start3A_362 = tpu.memref_slice %arg4[%run_scoped3A_218, %dma_start3A_361] : memref<4x8192xf32, #tpu.memory_space<vmem>> -> memref<1x8192xf32, #tpu.memory_space<vmem>>
      %dma_start3A_363 = tpu.memref_squeeze %dma_start3A_362 : memref<1x8192xf32, #tpu.memory_space<vmem>> -> memref<8192xf32, #tpu.memory_space<vmem>>
      %dma_start3A_364 = tpu.memref_slice %arg2[%add3A_217] : memref<4194304xf32, #tpu.memory_space<hbm>> -> memref<8192xf32, #tpu.memory_space<hbm>>
      tpu.enqueue_dma source(%dma_start3A_364 : memref<8192xf32, #tpu.memory_space<hbm>>) target(%dma_start3A_363 : memref<8192xf32, #tpu.memory_space<vmem>>) target_semaphore(%run_scoped3A_357 : memref<!tpu.dma_semaphore, #tpu.memory_space<semaphore_mem>>)
      %dma_wait3A = arith.constant 0 : i32
      %dma_wait3A_365 = tpu.memref_slice %arg4[%run_scoped3A_218, %dma_wait3A] : memref<4x8192xf32, #tpu.memory_space<vmem>> -> memref<1x8192xf32, #tpu.memory_space<vmem>>
      %dma_wait3A_366 = tpu.memref_squeeze %dma_wait3A_365 : memref<1x8192xf32, #tpu.memory_space<vmem>> -> memref<8192xf32, #tpu.memory_space<vmem>>
      %dma_wait3A_367 = tpu.memref_slice %arg2[%add3A_217] : memref<4194304xf32, #tpu.memory_space<hbm>> -> memref<8192xf32, #tpu.memory_space<hbm>>
      %dma_wait3A_368 = arith.constant 0 : i32
      %dma_wait3A_369 = tpu.memref_slice %arg4[%run_scoped3A_218, %dma_wait3A_368] : memref<4x8192xf32, #tpu.memory_space<vmem>> -> memref<1x8192xf32, #tpu.memory_space<vmem>>
      %dma_wait3A_370 = tpu.memref_squeeze %dma_wait3A_369 : memref<1x8192xf32, #tpu.memory_space<vmem>> -> memref<8192xf32, #tpu.memory_space<vmem>>
      %dma_wait3A_371 = tpu.memref_slice %arg2[%add3A_217] : memref<4194304xf32, #tpu.memory_space<hbm>> -> memref<8192xf32, #tpu.memory_space<hbm>>
      tpu.wait_dma2 semaphore(%run_scoped3A_357 : memref<!tpu.dma_semaphore, #tpu.memory_space<semaphore_mem>>) src(%dma_wait3A_371 : memref<8192xf32, #tpu.memory_space<hbm>>) dst(%dma_wait3A_370 : memref<8192xf32, #tpu.memory_space<vmem>>)
      tpu.yield
    }) : () -> ()
    %mul3A_219 = arith.constant 4 : i32
    %mul3A_220 = arith.muli %add3A, %mul3A_219 : i32
    %add3A_221 = arith.constant 2 : i32
    %add3A_222 = arith.addi %mul3A_220, %add3A_221 : i32
    %mul3A_223 = arith.constant 32768 : i32
    %mul3A_224 = arith.muli %add3A_222, %mul3A_223 : i32
    %add3A_225 = arith.constant 16384 : i32
    %add3A_226 = arith.addi %mul3A_224, %add3A_225 : i32
    %run_scoped3A_227 = arith.constant 2 : i32
    "tpu.region"() ({
      %run_scoped3A_357 = tpu.sem_alloc : memref<!tpu.dma_semaphore, #tpu.memory_space<semaphore_mem>>
      %dma_start3A = arith.constant 0 : i32
      %dma_start3A_358 = tpu.memref_slice %arg4[%run_scoped3A_227, %dma_start3A] : memref<4x8192xf32, #tpu.memory_space<vmem>> -> memref<1x8192xf32, #tpu.memory_space<vmem>>
      %dma_start3A_359 = tpu.memref_squeeze %dma_start3A_358 : memref<1x8192xf32, #tpu.memory_space<vmem>> -> memref<8192xf32, #tpu.memory_space<vmem>>
      %dma_start3A_360 = tpu.memref_slice %arg2[%add3A_226] : memref<4194304xf32, #tpu.memory_space<hbm>> -> memref<8192xf32, #tpu.memory_space<hbm>>
      %dma_start3A_361 = arith.constant 0 : i32
      %dma_start3A_362 = tpu.memref_slice %arg4[%run_scoped3A_227, %dma_start3A_361] : memref<4x8192xf32, #tpu.memory_space<vmem>> -> memref<1x8192xf32, #tpu.memory_space<vmem>>
      %dma_start3A_363 = tpu.memref_squeeze %dma_start3A_362 : memref<1x8192xf32, #tpu.memory_space<vmem>> -> memref<8192xf32, #tpu.memory_space<vmem>>
      %dma_start3A_364 = tpu.memref_slice %arg2[%add3A_226] : memref<4194304xf32, #tpu.memory_space<hbm>> -> memref<8192xf32, #tpu.memory_space<hbm>>
      tpu.enqueue_dma source(%dma_start3A_364 : memref<8192xf32, #tpu.memory_space<hbm>>) target(%dma_start3A_363 : memref<8192xf32, #tpu.memory_space<vmem>>) target_semaphore(%run_scoped3A_357 : memref<!tpu.dma_semaphore, #tpu.memory_space<semaphore_mem>>)
      %dma_wait3A = arith.constant 0 : i32
      %dma_wait3A_365 = tpu.memref_slice %arg4[%run_scoped3A_227, %dma_wait3A] : memref<4x8192xf32, #tpu.memory_space<vmem>> -> memref<1x8192xf32, #tpu.memory_space<vmem>>
      %dma_wait3A_366 = tpu.memref_squeeze %dma_wait3A_365 : memref<1x8192xf32, #tpu.memory_space<vmem>> -> memref<8192xf32, #tpu.memory_space<vmem>>
      %dma_wait3A_367 = tpu.memref_slice %arg2[%add3A_226] : memref<4194304xf32, #tpu.memory_space<hbm>> -> memref<8192xf32, #tpu.memory_space<hbm>>
      %dma_wait3A_368 = arith.constant 0 : i32
      %dma_wait3A_369 = tpu.memref_slice %arg4[%run_scoped3A_227, %dma_wait3A_368] : memref<4x8192xf32, #tpu.memory_space<vmem>> -> memref<1x8192xf32, #tpu.memory_space<vmem>>
      %dma_wait3A_370 = tpu.memref_squeeze %dma_wait3A_369 : memref<1x8192xf32, #tpu.memory_space<vmem>> -> memref<8192xf32, #tpu.memory_space<vmem>>
      %dma_wait3A_371 = tpu.memref_slice %arg2[%add3A_226] : memref<4194304xf32, #tpu.memory_space<hbm>> -> memref<8192xf32, #tpu.memory_space<hbm>>
      tpu.wait_dma2 semaphore(%run_scoped3A_357 : memref<!tpu.dma_semaphore, #tpu.memory_space<semaphore_mem>>) src(%dma_wait3A_371 : memref<8192xf32, #tpu.memory_space<hbm>>) dst(%dma_wait3A_370 : memref<8192xf32, #tpu.memory_space<vmem>>)
      tpu.yield
    }) : () -> ()
    %mul3A_228 = arith.constant 4 : i32
    %mul3A_229 = arith.muli %add3A, %mul3A_228 : i32
    %add3A_230 = arith.constant 3 : i32
    %add3A_231 = arith.addi %mul3A_229, %add3A_230 : i32
    %mul3A_232 = arith.constant 32768 : i32
    %mul3A_233 = arith.muli %add3A_231, %mul3A_232 : i32
    %add3A_234 = arith.constant 16384 : i32
    %add3A_235 = arith.addi %mul3A_233, %add3A_234 : i32
    %run_scoped3A_236 = arith.constant 3 : i32
    "tpu.region"() ({
      %run_scoped3A_357 = tpu.sem_alloc : memref<!tpu.dma_semaphore, #tpu.memory_space<semaphore_mem>>
      %dma_start3A = arith.constant 0 : i32
      %dma_start3A_358 = tpu.memref_slice %arg4[%run_scoped3A_236, %dma_start3A] : memref<4x8192xf32, #tpu.memory_space<vmem>> -> memref<1x8192xf32, #tpu.memory_space<vmem>>
      %dma_start3A_359 = tpu.memref_squeeze %dma_start3A_358 : memref<1x8192xf32, #tpu.memory_space<vmem>> -> memref<8192xf32, #tpu.memory_space<vmem>>
      %dma_start3A_360 = tpu.memref_slice %arg2[%add3A_235] : memref<4194304xf32, #tpu.memory_space<hbm>> -> memref<8192xf32, #tpu.memory_space<hbm>>
      %dma_start3A_361 = arith.constant 0 : i32
      %dma_start3A_362 = tpu.memref_slice %arg4[%run_scoped3A_236, %dma_start3A_361] : memref<4x8192xf32, #tpu.memory_space<vmem>> -> memref<1x8192xf32, #tpu.memory_space<vmem>>
      %dma_start3A_363 = tpu.memref_squeeze %dma_start3A_362 : memref<1x8192xf32, #tpu.memory_space<vmem>> -> memref<8192xf32, #tpu.memory_space<vmem>>
      %dma_start3A_364 = tpu.memref_slice %arg2[%add3A_235] : memref<4194304xf32, #tpu.memory_space<hbm>> -> memref<8192xf32, #tpu.memory_space<hbm>>
      tpu.enqueue_dma source(%dma_start3A_364 : memref<8192xf32, #tpu.memory_space<hbm>>) target(%dma_start3A_363 : memref<8192xf32, #tpu.memory_space<vmem>>) target_semaphore(%run_scoped3A_357 : memref<!tpu.dma_semaphore, #tpu.memory_space<semaphore_mem>>)
      %dma_wait3A = arith.constant 0 : i32
      %dma_wait3A_365 = tpu.memref_slice %arg4[%run_scoped3A_236, %dma_wait3A] : memref<4x8192xf32, #tpu.memory_space<vmem>> -> memref<1x8192xf32, #tpu.memory_space<vmem>>
      %dma_wait3A_366 = tpu.memref_squeeze %dma_wait3A_365 : memref<1x8192xf32, #tpu.memory_space<vmem>> -> memref<8192xf32, #tpu.memory_space<vmem>>
      %dma_wait3A_367 = tpu.memref_slice %arg2[%add3A_235] : memref<4194304xf32, #tpu.memory_space<hbm>> -> memref<8192xf32, #tpu.memory_space<hbm>>
      %dma_wait3A_368 = arith.constant 0 : i32
      %dma_wait3A_369 = tpu.memref_slice %arg4[%run_scoped3A_236, %dma_wait3A_368] : memref<4x8192xf32, #tpu.memory_space<vmem>> -> memref<1x8192xf32, #tpu.memory_space<vmem>>
      %dma_wait3A_370 = tpu.memref_squeeze %dma_wait3A_369 : memref<1x8192xf32, #tpu.memory_space<vmem>> -> memref<8192xf32, #tpu.memory_space<vmem>>
      %dma_wait3A_371 = tpu.memref_slice %arg2[%add3A_235] : memref<4194304xf32, #tpu.memory_space<hbm>> -> memref<8192xf32, #tpu.memory_space<hbm>>
      tpu.wait_dma2 semaphore(%run_scoped3A_357 : memref<!tpu.dma_semaphore, #tpu.memory_space<semaphore_mem>>) src(%dma_wait3A_371 : memref<8192xf32, #tpu.memory_space<hbm>>) dst(%dma_wait3A_370 : memref<8192xf32, #tpu.memory_space<vmem>>)
      tpu.yield
    }) : () -> ()
    %scan3A_237 = arith.constant 0 : i32
    %scan3A_238 = arith.constant 512 : i32
    %scan3A_239 = arith.addi %scan3A_237, %scan3A_238 : i32
    %scan3A_240 = arith.constant 1 : i32
    %scan3A_241:4 = scf.for %scan3A_357 = %scan3A_237 to %scan3A_239 step %scan3A_240 iter_args(%scan3A_358 = %scan3A_163#0, %scan3A_359 = %scan3A_163#1, %scan3A_360 = %scan3A_163#2, %scan3A_361 = %scan3A_163#3) -> (vector<16xf32>, vector<16xf32>, vector<16xf32>, vector<16xf32>)  : i32 {
      %mul3A_362 = arith.constant 16 : i32
      %mul3A_363 = arith.muli %scan3A_357, %mul3A_362 : i32
      %get3A = arith.constant 0 : i32
      %get3A_364 = arith.index_cast %get3A : i32 to index
      %get3A_365 = arith.index_cast %mul3A_363 : i32 to index
      %get3A_366 = tpu.vector_load %arg4[%get3A_364, %get3A_365] {strides = array<i32>} : memref<4x8192xf32, #tpu.memory_space<vmem>>, vector<1x16xf32>,
      %get3A_367 = vector.shape_cast %get3A_366 : vector<1x16xf32> to vector<16xf32>
      %lt3A = arith.constant 0 : i32
      %lt3A_368 = vector.broadcast %lt3A : i32 to vector<16xi32>
      %lt3A_369 = arith.cmpi slt, %max3A_4, %lt3A_368 : vector<16xi32>
      %add3A_370 = arith.constant 16 : i32
      %add3A_371 = vector.broadcast %add3A_370 : i32 to vector<16xi32>
      %add3A_372 = arith.addi %max3A_4, %add3A_371 : vector<16xi32>
      %select_n3A = arith.select %lt3A_369, %add3A_372, %max3A_4 : vector<16xi1>, vector<16xi32>
      %broadcast_in_dim3A_373 = vector.shape_cast %select_n3A : vector<16xi32> to vector<16x1xi32>
      %gather3A = vector.shape_cast %broadcast_in_dim3A_373 : vector<16x1xi32> to vector<16xi32>
      %gather3A_374 = tpu.dynamic_gather %get3A_367[%gather3A] in [0] : vector<16xf32>, vector<16xi32> -> vector<16xf32>
      %jit3A = arith.constant 0.000000e+00 : f32
      %broadcast_in_dim3A_375 = vector.broadcast %jit3A : f32 to vector<16xf32>
      %select_n3A_376 = arith.select %ge3A_24, %gather3A_374, %broadcast_in_dim3A_375 : vector<16xi1>, vector<16xf32>
      %add3A_377 = arith.addf %get3A_367, %select_n3A_376 : vector<16xf32>
      %lt3A_378 = arith.constant 0 : i32
      %lt3A_379 = vector.broadcast %lt3A_378 : i32 to vector<16xi32>
      %lt3A_380 = arith.cmpi slt, %max3A_10, %lt3A_379 : vector<16xi32>
      %add3A_381 = arith.constant 16 : i32
      %add3A_382 = vector.broadcast %add3A_381 : i32 to vector<16xi32>
      %add3A_383 = arith.addi %max3A_10, %add3A_382 : vector<16xi32>
      %select_n3A_384 = arith.select %lt3A_380, %add3A_383, %max3A_10 : vector<16xi1>, vector<16xi32>
      %broadcast_in_dim3A_385 = vector.shape_cast %select_n3A_384 : vector<16xi32> to vector<16x1xi32>
      %gather3A_386 = vector.shape_cast %broadcast_in_dim3A_385 : vector<16x1xi32> to vector<16xi32>
      %gather3A_387 = tpu.dynamic_gather %add3A_377[%gather3A_386] in [0] : vector<16xf32>, vector<16xi32> -> vector<16xf32>
      %jit3A_388 = arith.constant 0.000000e+00 : f32
      %broadcast_in_dim3A_389 = vector.broadcast %jit3A_388 : f32 to vector<16xf32>
      %select_n3A_390 = arith.select %ge3A_27, %gather3A_387, %broadcast_in_dim3A_389 : vector<16xi1>, vector<16xf32>
      %add3A_391 = arith.addf %add3A_377, %select_n3A_390 : vector<16xf32>
      %lt3A_392 = arith.constant 0 : i32
      %lt3A_393 = vector.broadcast %lt3A_392 : i32 to vector<16xi32>
      %lt3A_394 = arith.cmpi slt, %max3A_16, %lt3A_393 : vector<16xi32>
      %add3A_395 = arith.constant 16 : i32
      %add3A_396 = vector.broadcast %add3A_395 : i32 to vector<16xi32>
      %add3A_397 = arith.addi %max3A_16, %add3A_396 : vector<16xi32>
      %select_n3A_398 = arith.select %lt3A_394, %add3A_397, %max3A_16 : vector<16xi1>, vector<16xi32>
      %broadcast_in_dim3A_399 = vector.shape_cast %select_n3A_398 : vector<16xi32> to vector<16x1xi32>
      %gather3A_400 = vector.shape_cast %broadcast_in_dim3A_399 : vector<16x1xi32> to vector<16xi32>
      %gather3A_401 = tpu.dynamic_gather %add3A_391[%gather3A_400] in [0] : vector<16xf32>, vector<16xi32> -> vector<16xf32>
      %jit3A_402 = arith.constant 0.000000e+00 : f32
      %broadcast_in_dim3A_403 = vector.broadcast %jit3A_402 : f32 to vector<16xf32>
      %select_n3A_404 = arith.select %ge3A_30, %gather3A_401, %broadcast_in_dim3A_403 : vector<16xi1>, vector<16xf32>
      %add3A_405 = arith.addf %add3A_391, %select_n3A_404 : vector<16xf32>
      %lt3A_406 = arith.constant 0 : i32
      %lt3A_407 = vector.broadcast %lt3A_406 : i32 to vector<16xi32>
      %lt3A_408 = arith.cmpi slt, %max3A_22, %lt3A_407 : vector<16xi32>
      %add3A_409 = arith.constant 16 : i32
      %add3A_410 = vector.broadcast %add3A_409 : i32 to vector<16xi32>
      %add3A_411 = arith.addi %max3A_22, %add3A_410 : vector<16xi32>
      %select_n3A_412 = arith.select %lt3A_408, %add3A_411, %max3A_22 : vector<16xi1>, vector<16xi32>
      %broadcast_in_dim3A_413 = vector.shape_cast %select_n3A_412 : vector<16xi32> to vector<16x1xi32>
      %gather3A_414 = vector.shape_cast %broadcast_in_dim3A_413 : vector<16x1xi32> to vector<16xi32>
      %gather3A_415 = tpu.dynamic_gather %add3A_405[%gather3A_414] in [0] : vector<16xf32>, vector<16xi32> -> vector<16xf32>
      %jit3A_416 = arith.constant 0.000000e+00 : f32
      %broadcast_in_dim3A_417 = vector.broadcast %jit3A_416 : f32 to vector<16xf32>
      %select_n3A_418 = arith.select %ge3A_33, %gather3A_415, %broadcast_in_dim3A_417 : vector<16xi1>, vector<16xf32>
      %add3A_419 = arith.addf %add3A_405, %select_n3A_418 : vector<16xf32>
      %add3A_420 = arith.addf %add3A_419, %scan3A_358 : vector<16xf32>
      %mul3A_421 = arith.constant 16 : i32
      %mul3A_422 = arith.muli %scan3A_357, %mul3A_421 : i32
      %swap3A = arith.constant 0 : i32
      %swap3A_423 = arith.index_cast %swap3A : i32 to index
      %swap3A_424 = arith.index_cast %mul3A_422 : i32 to index
      %swap3A_425 = tpu.vector_load %arg5[%swap3A_423, %swap3A_424] {strides = array<i32>} : memref<4x8192xf32, #tpu.memory_space<vmem>>, vector<1x16xf32>,
      %swap3A_426 = vector.shape_cast %swap3A_425 : vector<1x16xf32> to vector<16xf32>
      %swap3A_427 = vector.shape_cast %add3A_420 : vector<16xf32> to vector<1x16xf32>
      tpu.vector_store %arg5[%swap3A_423, %swap3A_424], %swap3A_427 {strides = array<i32>} : memref<4x8192xf32, #tpu.memory_space<vmem>>, vector<1x16xf32>,
      %lt3A_428 = arith.constant 0 : i32
      %lt3A_429 = vector.broadcast %lt3A_428 : i32 to vector<16xi32>
      %lt3A_430 = arith.cmpi slt, %add3A_39, %lt3A_429 : vector<16xi32>
      %add3A_431 = arith.constant 16 : i32
      %add3A_432 = vector.broadcast %add3A_431 : i32 to vector<16xi32>
      %add3A_433 = arith.addi %add3A_39, %add3A_432 : vector<16xi32>
      %select_n3A_434 = arith.select %lt3A_430, %add3A_433, %add3A_39 : vector<16xi1>, vector<16xi32>
      %broadcast_in_dim3A_435 = vector.shape_cast %select_n3A_434 : vector<16xi32> to vector<16x1xi32>
      %gather3A_436 = vector.shape_cast %broadcast_in_dim3A_435 : vector<16x1xi32> to vector<16xi32>
      %gather3A_437 = tpu.dynamic_gather %add3A_420[%gather3A_436] in [0] : vector<16xf32>, vector<16xi32> -> vector<16xf32>
      %mul3A_438 = arith.constant 16 : i32
      %mul3A_439 = arith.muli %scan3A_357, %mul3A_438 : i32
      %get3A_440 = arith.constant 1 : i32
      %get3A_441 = arith.index_cast %get3A_440 : i32 to index
      %get3A_442 = arith.index_cast %mul3A_439 : i32 to index
      %get3A_443 = tpu.vector_load %arg4[%get3A_441, %get3A_442] {strides = array<i32>} : memref<4x8192xf32, #tpu.memory_space<vmem>>, vector<1x16xf32>,
      %get3A_444 = vector.shape_cast %get3A_443 : vector<1x16xf32> to vector<16xf32>
      %lt3A_445 = arith.constant 0 : i32
      %lt3A_446 = vector.broadcast %lt3A_445 : i32 to vector<16xi32>
      %lt3A_447 = arith.cmpi slt, %max3A_4, %lt3A_446 : vector<16xi32>
      %add3A_448 = arith.constant 16 : i32
      %add3A_449 = vector.broadcast %add3A_448 : i32 to vector<16xi32>
      %add3A_450 = arith.addi %max3A_4, %add3A_449 : vector<16xi32>
      %select_n3A_451 = arith.select %lt3A_447, %add3A_450, %max3A_4 : vector<16xi1>, vector<16xi32>
      %broadcast_in_dim3A_452 = vector.shape_cast %select_n3A_451 : vector<16xi32> to vector<16x1xi32>
      %gather3A_453 = vector.shape_cast %broadcast_in_dim3A_452 : vector<16x1xi32> to vector<16xi32>
      %gather3A_454 = tpu.dynamic_gather %get3A_444[%gather3A_453] in [0] : vector<16xf32>, vector<16xi32> -> vector<16xf32>
      %jit3A_455 = arith.constant 0.000000e+00 : f32
      %broadcast_in_dim3A_456 = vector.broadcast %jit3A_455 : f32 to vector<16xf32>
      %select_n3A_457 = arith.select %ge3A_24, %gather3A_454, %broadcast_in_dim3A_456 : vector<16xi1>, vector<16xf32>
      %add3A_458 = arith.addf %get3A_444, %select_n3A_457 : vector<16xf32>
      %lt3A_459 = arith.constant 0 : i32
      %lt3A_460 = vector.broadcast %lt3A_459 : i32 to vector<16xi32>
      %lt3A_461 = arith.cmpi slt, %max3A_10, %lt3A_460 : vector<16xi32>
      %add3A_462 = arith.constant 16 : i32
      %add3A_463 = vector.broadcast %add3A_462 : i32 to vector<16xi32>
      %add3A_464 = arith.addi %max3A_10, %add3A_463 : vector<16xi32>
      %select_n3A_465 = arith.select %lt3A_461, %add3A_464, %max3A_10 : vector<16xi1>, vector<16xi32>
      %broadcast_in_dim3A_466 = vector.shape_cast %select_n3A_465 : vector<16xi32> to vector<16x1xi32>
      %gather3A_467 = vector.shape_cast %broadcast_in_dim3A_466 : vector<16x1xi32> to vector<16xi32>
      %gather3A_468 = tpu.dynamic_gather %add3A_458[%gather3A_467] in [0] : vector<16xf32>, vector<16xi32> -> vector<16xf32>
      %jit3A_469 = arith.constant 0.000000e+00 : f32
      %broadcast_in_dim3A_470 = vector.broadcast %jit3A_469 : f32 to vector<16xf32>
      %select_n3A_471 = arith.select %ge3A_27, %gather3A_468, %broadcast_in_dim3A_470 : vector<16xi1>, vector<16xf32>
      %add3A_472 = arith.addf %add3A_458, %select_n3A_471 : vector<16xf32>
      %lt3A_473 = arith.constant 0 : i32
      %lt3A_474 = vector.broadcast %lt3A_473 : i32 to vector<16xi32>
      %lt3A_475 = arith.cmpi slt, %max3A_16, %lt3A_474 : vector<16xi32>
      %add3A_476 = arith.constant 16 : i32
      %add3A_477 = vector.broadcast %add3A_476 : i32 to vector<16xi32>
      %add3A_478 = arith.addi %max3A_16, %add3A_477 : vector<16xi32>
      %select_n3A_479 = arith.select %lt3A_475, %add3A_478, %max3A_16 : vector<16xi1>, vector<16xi32>
      %broadcast_in_dim3A_480 = vector.shape_cast %select_n3A_479 : vector<16xi32> to vector<16x1xi32>
      %gather3A_481 = vector.shape_cast %broadcast_in_dim3A_480 : vector<16x1xi32> to vector<16xi32>
      %gather3A_482 = tpu.dynamic_gather %add3A_472[%gather3A_481] in [0] : vector<16xf32>, vector<16xi32> -> vector<16xf32>
      %jit3A_483 = arith.constant 0.000000e+00 : f32
      %broadcast_in_dim3A_484 = vector.broadcast %jit3A_483 : f32 to vector<16xf32>
      %select_n3A_485 = arith.select %ge3A_30, %gather3A_482, %broadcast_in_dim3A_484 : vector<16xi1>, vector<16xf32>
      %add3A_486 = arith.addf %add3A_472, %select_n3A_485 : vector<16xf32>
      %lt3A_487 = arith.constant 0 : i32
      %lt3A_488 = vector.broadcast %lt3A_487 : i32 to vector<16xi32>
      %lt3A_489 = arith.cmpi slt, %max3A_22, %lt3A_488 : vector<16xi32>
      %add3A_490 = arith.constant 16 : i32
      %add3A_491 = vector.broadcast %add3A_490 : i32 to vector<16xi32>
      %add3A_492 = arith.addi %max3A_22, %add3A_491 : vector<16xi32>
      %select_n3A_493 = arith.select %lt3A_489, %add3A_492, %max3A_22 : vector<16xi1>, vector<16xi32>
      %broadcast_in_dim3A_494 = vector.shape_cast %select_n3A_493 : vector<16xi32> to vector<16x1xi32>
      %gather3A_495 = vector.shape_cast %broadcast_in_dim3A_494 : vector<16x1xi32> to vector<16xi32>
      %gather3A_496 = tpu.dynamic_gather %add3A_486[%gather3A_495] in [0] : vector<16xf32>, vector<16xi32> -> vector<16xf32>
      %jit3A_497 = arith.constant 0.000000e+00 : f32
      %broadcast_in_dim3A_498 = vector.broadcast %jit3A_497 : f32 to vector<16xf32>
      %select_n3A_499 = arith.select %ge3A_33, %gather3A_496, %broadcast_in_dim3A_498 : vector<16xi1>, vector<16xf32>
      %add3A_500 = arith.addf %add3A_486, %select_n3A_499 : vector<16xf32>
      %add3A_501 = arith.addf %add3A_500, %scan3A_359 : vector<16xf32>
      %mul3A_502 = arith.constant 16 : i32
      %mul3A_503 = arith.muli %scan3A_357, %mul3A_502 : i32
      %swap3A_504 = arith.constant 1 : i32
      %swap3A_505 = arith.index_cast %swap3A_504 : i32 to index
      %swap3A_506 = arith.index_cast %mul3A_503 : i32 to index
      %swap3A_507 = tpu.vector_load %arg5[%swap3A_505, %swap3A_506] {strides = array<i32>} : memref<4x8192xf32, #tpu.memory_space<vmem>>, vector<1x16xf32>,
      %swap3A_508 = vector.shape_cast %swap3A_507 : vector<1x16xf32> to vector<16xf32>
      %swap3A_509 = vector.shape_cast %add3A_501 : vector<16xf32> to vector<1x16xf32>
      tpu.vector_store %arg5[%swap3A_505, %swap3A_506], %swap3A_509 {strides = array<i32>} : memref<4x8192xf32, #tpu.memory_space<vmem>>, vector<1x16xf32>,
      %lt3A_510 = arith.constant 0 : i32
      %lt3A_511 = vector.broadcast %lt3A_510 : i32 to vector<16xi32>
      %lt3A_512 = arith.cmpi slt, %add3A_39, %lt3A_511 : vector<16xi32>
      %add3A_513 = arith.constant 16 : i32
      %add3A_514 = vector.broadcast %add3A_513 : i32 to vector<16xi32>
      %add3A_515 = arith.addi %add3A_39, %add3A_514 : vector<16xi32>
      %select_n3A_516 = arith.select %lt3A_512, %add3A_515, %add3A_39 : vector<16xi1>, vector<16xi32>
      %broadcast_in_dim3A_517 = vector.shape_cast %select_n3A_516 : vector<16xi32> to vector<16x1xi32>
      %gather3A_518 = vector.shape_cast %broadcast_in_dim3A_517 : vector<16x1xi32> to vector<16xi32>
      %gather3A_519 = tpu.dynamic_gather %add3A_501[%gather3A_518] in [0] : vector<16xf32>, vector<16xi32> -> vector<16xf32>
      %mul3A_520 = arith.constant 16 : i32
      %mul3A_521 = arith.muli %scan3A_357, %mul3A_520 : i32
      %get3A_522 = arith.constant 2 : i32
      %get3A_523 = arith.index_cast %get3A_522 : i32 to index
      %get3A_524 = arith.index_cast %mul3A_521 : i32 to index
      %get3A_525 = tpu.vector_load %arg4[%get3A_523, %get3A_524] {strides = array<i32>} : memref<4x8192xf32, #tpu.memory_space<vmem>>, vector<1x16xf32>,
      %get3A_526 = vector.shape_cast %get3A_525 : vector<1x16xf32> to vector<16xf32>
      %lt3A_527 = arith.constant 0 : i32
      %lt3A_528 = vector.broadcast %lt3A_527 : i32 to vector<16xi32>
      %lt3A_529 = arith.cmpi slt, %max3A_4, %lt3A_528 : vector<16xi32>
      %add3A_530 = arith.constant 16 : i32
      %add3A_531 = vector.broadcast %add3A_530 : i32 to vector<16xi32>
      %add3A_532 = arith.addi %max3A_4, %add3A_531 : vector<16xi32>
      %select_n3A_533 = arith.select %lt3A_529, %add3A_532, %max3A_4 : vector<16xi1>, vector<16xi32>
      %broadcast_in_dim3A_534 = vector.shape_cast %select_n3A_533 : vector<16xi32> to vector<16x1xi32>
      %gather3A_535 = vector.shape_cast %broadcast_in_dim3A_534 : vector<16x1xi32> to vector<16xi32>
      %gather3A_536 = tpu.dynamic_gather %get3A_526[%gather3A_535] in [0] : vector<16xf32>, vector<16xi32> -> vector<16xf32>
      %jit3A_537 = arith.constant 0.000000e+00 : f32
      %broadcast_in_dim3A_538 = vector.broadcast %jit3A_537 : f32 to vector<16xf32>
      %select_n3A_539 = arith.select %ge3A_24, %gather3A_536, %broadcast_in_dim3A_538 : vector<16xi1>, vector<16xf32>
      %add3A_540 = arith.addf %get3A_526, %select_n3A_539 : vector<16xf32>
      %lt3A_541 = arith.constant 0 : i32
      %lt3A_542 = vector.broadcast %lt3A_541 : i32 to vector<16xi32>
      %lt3A_543 = arith.cmpi slt, %max3A_10, %lt3A_542 : vector<16xi32>
      %add3A_544 = arith.constant 16 : i32
      %add3A_545 = vector.broadcast %add3A_544 : i32 to vector<16xi32>
      %add3A_546 = arith.addi %max3A_10, %add3A_545 : vector<16xi32>
      %select_n3A_547 = arith.select %lt3A_543, %add3A_546, %max3A_10 : vector<16xi1>, vector<16xi32>
      %broadcast_in_dim3A_548 = vector.shape_cast %select_n3A_547 : vector<16xi32> to vector<16x1xi32>
      %gather3A_549 = vector.shape_cast %broadcast_in_dim3A_548 : vector<16x1xi32> to vector<16xi32>
      %gather3A_550 = tpu.dynamic_gather %add3A_540[%gather3A_549] in [0] : vector<16xf32>, vector<16xi32> -> vector<16xf32>
      %jit3A_551 = arith.constant 0.000000e+00 : f32
      %broadcast_in_dim3A_552 = vector.broadcast %jit3A_551 : f32 to vector<16xf32>
      %select_n3A_553 = arith.select %ge3A_27, %gather3A_550, %broadcast_in_dim3A_552 : vector<16xi1>, vector<16xf32>
      %add3A_554 = arith.addf %add3A_540, %select_n3A_553 : vector<16xf32>
      %lt3A_555 = arith.constant 0 : i32
      %lt3A_556 = vector.broadcast %lt3A_555 : i32 to vector<16xi32>
      %lt3A_557 = arith.cmpi slt, %max3A_16, %lt3A_556 : vector<16xi32>
      %add3A_558 = arith.constant 16 : i32
      %add3A_559 = vector.broadcast %add3A_558 : i32 to vector<16xi32>
      %add3A_560 = arith.addi %max3A_16, %add3A_559 : vector<16xi32>
      %select_n3A_561 = arith.select %lt3A_557, %add3A_560, %max3A_16 : vector<16xi1>, vector<16xi32>
      %broadcast_in_dim3A_562 = vector.shape_cast %select_n3A_561 : vector<16xi32> to vector<16x1xi32>
      %gather3A_563 = vector.shape_cast %broadcast_in_dim3A_562 : vector<16x1xi32> to vector<16xi32>
      %gather3A_564 = tpu.dynamic_gather %add3A_554[%gather3A_563] in [0] : vector<16xf32>, vector<16xi32> -> vector<16xf32>
      %jit3A_565 = arith.constant 0.000000e+00 : f32
      %broadcast_in_dim3A_566 = vector.broadcast %jit3A_565 : f32 to vector<16xf32>
      %select_n3A_567 = arith.select %ge3A_30, %gather3A_564, %broadcast_in_dim3A_566 : vector<16xi1>, vector<16xf32>
      %add3A_568 = arith.addf %add3A_554, %select_n3A_567 : vector<16xf32>
      %lt3A_569 = arith.constant 0 : i32
      %lt3A_570 = vector.broadcast %lt3A_569 : i32 to vector<16xi32>
      %lt3A_571 = arith.cmpi slt, %max3A_22, %lt3A_570 : vector<16xi32>
      %add3A_572 = arith.constant 16 : i32
      %add3A_573 = vector.broadcast %add3A_572 : i32 to vector<16xi32>
      %add3A_574 = arith.addi %max3A_22, %add3A_573 : vector<16xi32>
      %select_n3A_575 = arith.select %lt3A_571, %add3A_574, %max3A_22 : vector<16xi1>, vector<16xi32>
      %broadcast_in_dim3A_576 = vector.shape_cast %select_n3A_575 : vector<16xi32> to vector<16x1xi32>
      %gather3A_577 = vector.shape_cast %broadcast_in_dim3A_576 : vector<16x1xi32> to vector<16xi32>
      %gather3A_578 = tpu.dynamic_gather %add3A_568[%gather3A_577] in [0] : vector<16xf32>, vector<16xi32> -> vector<16xf32>
      %jit3A_579 = arith.constant 0.000000e+00 : f32
      %broadcast_in_dim3A_580 = vector.broadcast %jit3A_579 : f32 to vector<16xf32>
      %select_n3A_581 = arith.select %ge3A_33, %gather3A_578, %broadcast_in_dim3A_580 : vector<16xi1>, vector<16xf32>
      %add3A_582 = arith.addf %add3A_568, %select_n3A_581 : vector<16xf32>
      %add3A_583 = arith.addf %add3A_582, %scan3A_360 : vector<16xf32>
      %mul3A_584 = arith.constant 16 : i32
      %mul3A_585 = arith.muli %scan3A_357, %mul3A_584 : i32
      %swap3A_586 = arith.constant 2 : i32
      %swap3A_587 = arith.index_cast %swap3A_586 : i32 to index
      %swap3A_588 = arith.index_cast %mul3A_585 : i32 to index
      %swap3A_589 = tpu.vector_load %arg5[%swap3A_587, %swap3A_588] {strides = array<i32>} : memref<4x8192xf32, #tpu.memory_space<vmem>>, vector<1x16xf32>,
      %swap3A_590 = vector.shape_cast %swap3A_589 : vector<1x16xf32> to vector<16xf32>
      %swap3A_591 = vector.shape_cast %add3A_583 : vector<16xf32> to vector<1x16xf32>
      tpu.vector_store %arg5[%swap3A_587, %swap3A_588], %swap3A_591 {strides = array<i32>} : memref<4x8192xf32, #tpu.memory_space<vmem>>, vector<1x16xf32>,
      %lt3A_592 = arith.constant 0 : i32
      %lt3A_593 = vector.broadcast %lt3A_592 : i32 to vector<16xi32>
      %lt3A_594 = arith.cmpi slt, %add3A_39, %lt3A_593 : vector<16xi32>
      %add3A_595 = arith.constant 16 : i32
      %add3A_596 = vector.broadcast %add3A_595 : i32 to vector<16xi32>
      %add3A_597 = arith.addi %add3A_39, %add3A_596 : vector<16xi32>
      %select_n3A_598 = arith.select %lt3A_594, %add3A_597, %add3A_39 : vector<16xi1>, vector<16xi32>
      %broadcast_in_dim3A_599 = vector.shape_cast %select_n3A_598 : vector<16xi32> to vector<16x1xi32>
      %gather3A_600 = vector.shape_cast %broadcast_in_dim3A_599 : vector<16x1xi32> to vector<16xi32>
      %gather3A_601 = tpu.dynamic_gather %add3A_583[%gather3A_600] in [0] : vector<16xf32>, vector<16xi32> -> vector<16xf32>
      %mul3A_602 = arith.constant 16 : i32
      %mul3A_603 = arith.muli %scan3A_357, %mul3A_602 : i32
      %get3A_604 = arith.constant 3 : i32
      %get3A_605 = arith.index_cast %get3A_604 : i32 to index
      %get3A_606 = arith.index_cast %mul3A_603 : i32 to index
      %get3A_607 = tpu.vector_load %arg4[%get3A_605, %get3A_606] {strides = array<i32>} : memref<4x8192xf32, #tpu.memory_space<vmem>>, vector<1x16xf32>,
      %get3A_608 = vector.shape_cast %get3A_607 : vector<1x16xf32> to vector<16xf32>
      %lt3A_609 = arith.constant 0 : i32
      %lt3A_610 = vector.broadcast %lt3A_609 : i32 to vector<16xi32>
      %lt3A_611 = arith.cmpi slt, %max3A_4, %lt3A_610 : vector<16xi32>
      %add3A_612 = arith.constant 16 : i32
      %add3A_613 = vector.broadcast %add3A_612 : i32 to vector<16xi32>
      %add3A_614 = arith.addi %max3A_4, %add3A_613 : vector<16xi32>
      %select_n3A_615 = arith.select %lt3A_611, %add3A_614, %max3A_4 : vector<16xi1>, vector<16xi32>
      %broadcast_in_dim3A_616 = vector.shape_cast %select_n3A_615 : vector<16xi32> to vector<16x1xi32>
      %gather3A_617 = vector.shape_cast %broadcast_in_dim3A_616 : vector<16x1xi32> to vector<16xi32>
      %gather3A_618 = tpu.dynamic_gather %get3A_608[%gather3A_617] in [0] : vector<16xf32>, vector<16xi32> -> vector<16xf32>
      %jit3A_619 = arith.constant 0.000000e+00 : f32
      %broadcast_in_dim3A_620 = vector.broadcast %jit3A_619 : f32 to vector<16xf32>
      %select_n3A_621 = arith.select %ge3A_24, %gather3A_618, %broadcast_in_dim3A_620 : vector<16xi1>, vector<16xf32>
      %add3A_622 = arith.addf %get3A_608, %select_n3A_621 : vector<16xf32>
      %lt3A_623 = arith.constant 0 : i32
      %lt3A_624 = vector.broadcast %lt3A_623 : i32 to vector<16xi32>
      %lt3A_625 = arith.cmpi slt, %max3A_10, %lt3A_624 : vector<16xi32>
      %add3A_626 = arith.constant 16 : i32
      %add3A_627 = vector.broadcast %add3A_626 : i32 to vector<16xi32>
      %add3A_628 = arith.addi %max3A_10, %add3A_627 : vector<16xi32>
      %select_n3A_629 = arith.select %lt3A_625, %add3A_628, %max3A_10 : vector<16xi1>, vector<16xi32>
      %broadcast_in_dim3A_630 = vector.shape_cast %select_n3A_629 : vector<16xi32> to vector<16x1xi32>
      %gather3A_631 = vector.shape_cast %broadcast_in_dim3A_630 : vector<16x1xi32> to vector<16xi32>
      %gather3A_632 = tpu.dynamic_gather %add3A_622[%gather3A_631] in [0] : vector<16xf32>, vector<16xi32> -> vector<16xf32>
      %jit3A_633 = arith.constant 0.000000e+00 : f32
      %broadcast_in_dim3A_634 = vector.broadcast %jit3A_633 : f32 to vector<16xf32>
      %select_n3A_635 = arith.select %ge3A_27, %gather3A_632, %broadcast_in_dim3A_634 : vector<16xi1>, vector<16xf32>
      %add3A_636 = arith.addf %add3A_622, %select_n3A_635 : vector<16xf32>
      %lt3A_637 = arith.constant 0 : i32
      %lt3A_638 = vector.broadcast %lt3A_637 : i32 to vector<16xi32>
      %lt3A_639 = arith.cmpi slt, %max3A_16, %lt3A_638 : vector<16xi32>
      %add3A_640 = arith.constant 16 : i32
      %add3A_641 = vector.broadcast %add3A_640 : i32 to vector<16xi32>
      %add3A_642 = arith.addi %max3A_16, %add3A_641 : vector<16xi32>
      %select_n3A_643 = arith.select %lt3A_639, %add3A_642, %max3A_16 : vector<16xi1>, vector<16xi32>
      %broadcast_in_dim3A_644 = vector.shape_cast %select_n3A_643 : vector<16xi32> to vector<16x1xi32>
      %gather3A_645 = vector.shape_cast %broadcast_in_dim3A_644 : vector<16x1xi32> to vector<16xi32>
      %gather3A_646 = tpu.dynamic_gather %add3A_636[%gather3A_645] in [0] : vector<16xf32>, vector<16xi32> -> vector<16xf32>
      %jit3A_647 = arith.constant 0.000000e+00 : f32
      %broadcast_in_dim3A_648 = vector.broadcast %jit3A_647 : f32 to vector<16xf32>
      %select_n3A_649 = arith.select %ge3A_30, %gather3A_646, %broadcast_in_dim3A_648 : vector<16xi1>, vector<16xf32>
      %add3A_650 = arith.addf %add3A_636, %select_n3A_649 : vector<16xf32>
      %lt3A_651 = arith.constant 0 : i32
      %lt3A_652 = vector.broadcast %lt3A_651 : i32 to vector<16xi32>
      %lt3A_653 = arith.cmpi slt, %max3A_22, %lt3A_652 : vector<16xi32>
      %add3A_654 = arith.constant 16 : i32
      %add3A_655 = vector.broadcast %add3A_654 : i32 to vector<16xi32>
      %add3A_656 = arith.addi %max3A_22, %add3A_655 : vector<16xi32>
      %select_n3A_657 = arith.select %lt3A_653, %add3A_656, %max3A_22 : vector<16xi1>, vector<16xi32>
      %broadcast_in_dim3A_658 = vector.shape_cast %select_n3A_657 : vector<16xi32> to vector<16x1xi32>
      %gather3A_659 = vector.shape_cast %broadcast_in_dim3A_658 : vector<16x1xi32> to vector<16xi32>
      %gather3A_660 = tpu.dynamic_gather %add3A_650[%gather3A_659] in [0] : vector<16xf32>, vector<16xi32> -> vector<16xf32>
      %jit3A_661 = arith.constant 0.000000e+00 : f32
      %broadcast_in_dim3A_662 = vector.broadcast %jit3A_661 : f32 to vector<16xf32>
      %select_n3A_663 = arith.select %ge3A_33, %gather3A_660, %broadcast_in_dim3A_662 : vector<16xi1>, vector<16xf32>
      %add3A_664 = arith.addf %add3A_650, %select_n3A_663 : vector<16xf32>
      %add3A_665 = arith.addf %add3A_664, %scan3A_361 : vector<16xf32>
      %mul3A_666 = arith.constant 16 : i32
      %mul3A_667 = arith.muli %scan3A_357, %mul3A_666 : i32
      %swap3A_668 = arith.constant 3 : i32
      %swap3A_669 = arith.index_cast %swap3A_668 : i32 to index
      %swap3A_670 = arith.index_cast %mul3A_667 : i32 to index
      %swap3A_671 = tpu.vector_load %arg5[%swap3A_669, %swap3A_670] {strides = array<i32>} : memref<4x8192xf32, #tpu.memory_space<vmem>>, vector<1x16xf32>,
      %swap3A_672 = vector.shape_cast %swap3A_671 : vector<1x16xf32> to vector<16xf32>
      %swap3A_673 = vector.shape_cast %add3A_665 : vector<16xf32> to vector<1x16xf32>
      tpu.vector_store %arg5[%swap3A_669, %swap3A_670], %swap3A_673 {strides = array<i32>} : memref<4x8192xf32, #tpu.memory_space<vmem>>, vector<1x16xf32>,
      %lt3A_674 = arith.constant 0 : i32
      %lt3A_675 = vector.broadcast %lt3A_674 : i32 to vector<16xi32>
      %lt3A_676 = arith.cmpi slt, %add3A_39, %lt3A_675 : vector<16xi32>
      %add3A_677 = arith.constant 16 : i32
      %add3A_678 = vector.broadcast %add3A_677 : i32 to vector<16xi32>
      %add3A_679 = arith.addi %add3A_39, %add3A_678 : vector<16xi32>
      %select_n3A_680 = arith.select %lt3A_676, %add3A_679, %add3A_39 : vector<16xi1>, vector<16xi32>
      %broadcast_in_dim3A_681 = vector.shape_cast %select_n3A_680 : vector<16xi32> to vector<16x1xi32>
      %gather3A_682 = vector.shape_cast %broadcast_in_dim3A_681 : vector<16x1xi32> to vector<16xi32>
      %gather3A_683 = tpu.dynamic_gather %add3A_665[%gather3A_682] in [0] : vector<16xf32>, vector<16xi32> -> vector<16xf32>
      scf.yield %gather3A_437, %gather3A_519, %gather3A_601, %gather3A_683 : vector<16xf32>, vector<16xf32>, vector<16xf32>, vector<16xf32>
    }
    %scan3A_242 = arith.constant 512 : i32
    %mul3A_243 = arith.constant 4 : i32
    %mul3A_244 = arith.muli %add3A, %mul3A_243 : i32
    %add3A_245 = arith.constant 0 : i32
    %add3A_246 = arith.addi %mul3A_244, %add3A_245 : i32
    %mul3A_247 = arith.constant 32768 : i32
    %mul3A_248 = arith.muli %add3A_246, %mul3A_247 : i32
    %add3A_249 = arith.constant 16384 : i32
    %add3A_250 = arith.addi %mul3A_248, %add3A_249 : i32
    %run_scoped3A_251 = arith.constant 0 : i32
    "tpu.region"() ({
      %run_scoped3A_357 = tpu.sem_alloc : memref<!tpu.dma_semaphore, #tpu.memory_space<semaphore_mem>>
      %dma_start3A = arith.constant 0 : i32
      %dma_start3A_358 = tpu.memref_slice %arg5[%run_scoped3A_251, %dma_start3A] : memref<4x8192xf32, #tpu.memory_space<vmem>> -> memref<1x8192xf32, #tpu.memory_space<vmem>>
      %dma_start3A_359 = tpu.memref_squeeze %dma_start3A_358 : memref<1x8192xf32, #tpu.memory_space<vmem>> -> memref<8192xf32, #tpu.memory_space<vmem>>
      %dma_start3A_360 = tpu.memref_slice %arg3[%add3A_250] : memref<4194304xf32, #tpu.memory_space<hbm>> -> memref<8192xf32, #tpu.memory_space<hbm>>
      %dma_start3A_361 = tpu.memref_slice %arg3[%add3A_250] : memref<4194304xf32, #tpu.memory_space<hbm>> -> memref<8192xf32, #tpu.memory_space<hbm>>
      %dma_start3A_362 = arith.constant 0 : i32
      %dma_start3A_363 = tpu.memref_slice %arg5[%run_scoped3A_251, %dma_start3A_362] : memref<4x8192xf32, #tpu.memory_space<vmem>> -> memref<1x8192xf32, #tpu.memory_space<vmem>>
      %dma_start3A_364 = tpu.memref_squeeze %dma_start3A_363 : memref<1x8192xf32, #tpu.memory_space<vmem>> -> memref<8192xf32, #tpu.memory_space<vmem>>
      tpu.enqueue_dma source(%dma_start3A_364 : memref<8192xf32, #tpu.memory_space<vmem>>) target(%dma_start3A_361 : memref<8192xf32, #tpu.memory_space<hbm>>) target_semaphore(%run_scoped3A_357 : memref<!tpu.dma_semaphore, #tpu.memory_space<semaphore_mem>>)
      %dma_wait3A = arith.constant 0 : i32
      %dma_wait3A_365 = tpu.memref_slice %arg5[%run_scoped3A_251, %dma_wait3A] : memref<4x8192xf32, #tpu.memory_space<vmem>> -> memref<1x8192xf32, #tpu.memory_space<vmem>>
      %dma_wait3A_366 = tpu.memref_squeeze %dma_wait3A_365 : memref<1x8192xf32, #tpu.memory_space<vmem>> -> memref<8192xf32, #tpu.memory_space<vmem>>
      %dma_wait3A_367 = tpu.memref_slice %arg3[%add3A_250] : memref<4194304xf32, #tpu.memory_space<hbm>> -> memref<8192xf32, #tpu.memory_space<hbm>>
      %dma_wait3A_368 = tpu.memref_slice %arg3[%add3A_250] : memref<4194304xf32, #tpu.memory_space<hbm>> -> memref<8192xf32, #tpu.memory_space<hbm>>
      %dma_wait3A_369 = arith.constant 0 : i32
      %dma_wait3A_370 = tpu.memref_slice %arg5[%run_scoped3A_251, %dma_wait3A_369] : memref<4x8192xf32, #tpu.memory_space<vmem>> -> memref<1x8192xf32, #tpu.memory_space<vmem>>
      %dma_wait3A_371 = tpu.memref_squeeze %dma_wait3A_370 : memref<1x8192xf32, #tpu.memory_space<vmem>> -> memref<8192xf32, #tpu.memory_space<vmem>>
      tpu.wait_dma2 semaphore(%run_scoped3A_357 : memref<!tpu.dma_semaphore, #tpu.memory_space<semaphore_mem>>) src(%dma_wait3A_371 : memref<8192xf32, #tpu.memory_space<vmem>>) dst(%dma_wait3A_368 : memref<8192xf32, #tpu.memory_space<hbm>>)
      tpu.yield
    }) : () -> ()
    %mul3A_252 = arith.constant 4 : i32
    %mul3A_253 = arith.muli %add3A, %mul3A_252 : i32
    %add3A_254 = arith.constant 1 : i32
    %add3A_255 = arith.addi %mul3A_253, %add3A_254 : i32
    %mul3A_256 = arith.constant 32768 : i32
    %mul3A_257 = arith.muli %add3A_255, %mul3A_256 : i32
    %add3A_258 = arith.constant 16384 : i32
    %add3A_259 = arith.addi %mul3A_257, %add3A_258 : i32
    %run_scoped3A_260 = arith.constant 1 : i32
    "tpu.region"() ({
      %run_scoped3A_357 = tpu.sem_alloc : memref<!tpu.dma_semaphore, #tpu.memory_space<semaphore_mem>>
      %dma_start3A = arith.constant 0 : i32
      %dma_start3A_358 = tpu.memref_slice %arg5[%run_scoped3A_260, %dma_start3A] : memref<4x8192xf32, #tpu.memory_space<vmem>> -> memref<1x8192xf32, #tpu.memory_space<vmem>>
      %dma_start3A_359 = tpu.memref_squeeze %dma_start3A_358 : memref<1x8192xf32, #tpu.memory_space<vmem>> -> memref<8192xf32, #tpu.memory_space<vmem>>
      %dma_start3A_360 = tpu.memref_slice %arg3[%add3A_259] : memref<4194304xf32, #tpu.memory_space<hbm>> -> memref<8192xf32, #tpu.memory_space<hbm>>
      %dma_start3A_361 = tpu.memref_slice %arg3[%add3A_259] : memref<4194304xf32, #tpu.memory_space<hbm>> -> memref<8192xf32, #tpu.memory_space<hbm>>
      %dma_start3A_362 = arith.constant 0 : i32
      %dma_start3A_363 = tpu.memref_slice %arg5[%run_scoped3A_260, %dma_start3A_362] : memref<4x8192xf32, #tpu.memory_space<vmem>> -> memref<1x8192xf32, #tpu.memory_space<vmem>>
      %dma_start3A_364 = tpu.memref_squeeze %dma_start3A_363 : memref<1x8192xf32, #tpu.memory_space<vmem>> -> memref<8192xf32, #tpu.memory_space<vmem>>
      tpu.enqueue_dma source(%dma_start3A_364 : memref<8192xf32, #tpu.memory_space<vmem>>) target(%dma_start3A_361 : memref<8192xf32, #tpu.memory_space<hbm>>) target_semaphore(%run_scoped3A_357 : memref<!tpu.dma_semaphore, #tpu.memory_space<semaphore_mem>>)
      %dma_wait3A = arith.constant 0 : i32
      %dma_wait3A_365 = tpu.memref_slice %arg5[%run_scoped3A_260, %dma_wait3A] : memref<4x8192xf32, #tpu.memory_space<vmem>> -> memref<1x8192xf32, #tpu.memory_space<vmem>>
      %dma_wait3A_366 = tpu.memref_squeeze %dma_wait3A_365 : memref<1x8192xf32, #tpu.memory_space<vmem>> -> memref<8192xf32, #tpu.memory_space<vmem>>
      %dma_wait3A_367 = tpu.memref_slice %arg3[%add3A_259] : memref<4194304xf32, #tpu.memory_space<hbm>> -> memref<8192xf32, #tpu.memory_space<hbm>>
      %dma_wait3A_368 = tpu.memref_slice %arg3[%add3A_259] : memref<4194304xf32, #tpu.memory_space<hbm>> -> memref<8192xf32, #tpu.memory_space<hbm>>
      %dma_wait3A_369 = arith.constant 0 : i32
      %dma_wait3A_370 = tpu.memref_slice %arg5[%run_scoped3A_260, %dma_wait3A_369] : memref<4x8192xf32, #tpu.memory_space<vmem>> -> memref<1x8192xf32, #tpu.memory_space<vmem>>
      %dma_wait3A_371 = tpu.memref_squeeze %dma_wait3A_370 : memref<1x8192xf32, #tpu.memory_space<vmem>> -> memref<8192xf32, #tpu.memory_space<vmem>>
      tpu.wait_dma2 semaphore(%run_scoped3A_357 : memref<!tpu.dma_semaphore, #tpu.memory_space<semaphore_mem>>) src(%dma_wait3A_371 : memref<8192xf32, #tpu.memory_space<vmem>>) dst(%dma_wait3A_368 : memref<8192xf32, #tpu.memory_space<hbm>>)
      tpu.yield
    }) : () -> ()
    %mul3A_261 = arith.constant 4 : i32
    %mul3A_262 = arith.muli %add3A, %mul3A_261 : i32
    %add3A_263 = arith.constant 2 : i32
    %add3A_264 = arith.addi %mul3A_262, %add3A_263 : i32
    %mul3A_265 = arith.constant 32768 : i32
    %mul3A_266 = arith.muli %add3A_264, %mul3A_265 : i32
    %add3A_267 = arith.constant 16384 : i32
    %add3A_268 = arith.addi %mul3A_266, %add3A_267 : i32
    %run_scoped3A_269 = arith.constant 2 : i32
    "tpu.region"() ({
      %run_scoped3A_357 = tpu.sem_alloc : memref<!tpu.dma_semaphore, #tpu.memory_space<semaphore_mem>>
      %dma_start3A = arith.constant 0 : i32
      %dma_start3A_358 = tpu.memref_slice %arg5[%run_scoped3A_269, %dma_start3A] : memref<4x8192xf32, #tpu.memory_space<vmem>> -> memref<1x8192xf32, #tpu.memory_space<vmem>>
      %dma_start3A_359 = tpu.memref_squeeze %dma_start3A_358 : memref<1x8192xf32, #tpu.memory_space<vmem>> -> memref<8192xf32, #tpu.memory_space<vmem>>
      %dma_start3A_360 = tpu.memref_slice %arg3[%add3A_268] : memref<4194304xf32, #tpu.memory_space<hbm>> -> memref<8192xf32, #tpu.memory_space<hbm>>
      %dma_start3A_361 = tpu.memref_slice %arg3[%add3A_268] : memref<4194304xf32, #tpu.memory_space<hbm>> -> memref<8192xf32, #tpu.memory_space<hbm>>
      %dma_start3A_362 = arith.constant 0 : i32
      %dma_start3A_363 = tpu.memref_slice %arg5[%run_scoped3A_269, %dma_start3A_362] : memref<4x8192xf32, #tpu.memory_space<vmem>> -> memref<1x8192xf32, #tpu.memory_space<vmem>>
      %dma_start3A_364 = tpu.memref_squeeze %dma_start3A_363 : memref<1x8192xf32, #tpu.memory_space<vmem>> -> memref<8192xf32, #tpu.memory_space<vmem>>
      tpu.enqueue_dma source(%dma_start3A_364 : memref<8192xf32, #tpu.memory_space<vmem>>) target(%dma_start3A_361 : memref<8192xf32, #tpu.memory_space<hbm>>) target_semaphore(%run_scoped3A_357 : memref<!tpu.dma_semaphore, #tpu.memory_space<semaphore_mem>>)
      %dma_wait3A = arith.constant 0 : i32
      %dma_wait3A_365 = tpu.memref_slice %arg5[%run_scoped3A_269, %dma_wait3A] : memref<4x8192xf32, #tpu.memory_space<vmem>> -> memref<1x8192xf32, #tpu.memory_space<vmem>>
      %dma_wait3A_366 = tpu.memref_squeeze %dma_wait3A_365 : memref<1x8192xf32, #tpu.memory_space<vmem>> -> memref<8192xf32, #tpu.memory_space<vmem>>
      %dma_wait3A_367 = tpu.memref_slice %arg3[%add3A_268] : memref<4194304xf32, #tpu.memory_space<hbm>> -> memref<8192xf32, #tpu.memory_space<hbm>>
      %dma_wait3A_368 = tpu.memref_slice %arg3[%add3A_268] : memref<4194304xf32, #tpu.memory_space<hbm>> -> memref<8192xf32, #tpu.memory_space<hbm>>
      %dma_wait3A_369 = arith.constant 0 : i32
      %dma_wait3A_370 = tpu.memref_slice %arg5[%run_scoped3A_269, %dma_wait3A_369] : memref<4x8192xf32, #tpu.memory_space<vmem>> -> memref<1x8192xf32, #tpu.memory_space<vmem>>
      %dma_wait3A_371 = tpu.memref_squeeze %dma_wait3A_370 : memref<1x8192xf32, #tpu.memory_space<vmem>> -> memref<8192xf32, #tpu.memory_space<vmem>>
      tpu.wait_dma2 semaphore(%run_scoped3A_357 : memref<!tpu.dma_semaphore, #tpu.memory_space<semaphore_mem>>) src(%dma_wait3A_371 : memref<8192xf32, #tpu.memory_space<vmem>>) dst(%dma_wait3A_368 : memref<8192xf32, #tpu.memory_space<hbm>>)
      tpu.yield
    }) : () -> ()
    %mul3A_270 = arith.constant 4 : i32
    %mul3A_271 = arith.muli %add3A, %mul3A_270 : i32
    %add3A_272 = arith.constant 3 : i32
    %add3A_273 = arith.addi %mul3A_271, %add3A_272 : i32
    %mul3A_274 = arith.constant 32768 : i32
    %mul3A_275 = arith.muli %add3A_273, %mul3A_274 : i32
    %add3A_276 = arith.constant 16384 : i32
    %add3A_277 = arith.addi %mul3A_275, %add3A_276 : i32
    %run_scoped3A_278 = arith.constant 3 : i32
    "tpu.region"() ({
      %run_scoped3A_357 = tpu.sem_alloc : memref<!tpu.dma_semaphore, #tpu.memory_space<semaphore_mem>>
      %dma_start3A = arith.constant 0 : i32
      %dma_start3A_358 = tpu.memref_slice %arg5[%run_scoped3A_278, %dma_start3A] : memref<4x8192xf32, #tpu.memory_space<vmem>> -> memref<1x8192xf32, #tpu.memory_space<vmem>>
      %dma_start3A_359 = tpu.memref_squeeze %dma_start3A_358 : memref<1x8192xf32, #tpu.memory_space<vmem>> -> memref<8192xf32, #tpu.memory_space<vmem>>
      %dma_start3A_360 = tpu.memref_slice %arg3[%add3A_277] : memref<4194304xf32, #tpu.memory_space<hbm>> -> memref<8192xf32, #tpu.memory_space<hbm>>
      %dma_start3A_361 = tpu.memref_slice %arg3[%add3A_277] : memref<4194304xf32, #tpu.memory_space<hbm>> -> memref<8192xf32, #tpu.memory_space<hbm>>
      %dma_start3A_362 = arith.constant 0 : i32
      %dma_start3A_363 = tpu.memref_slice %arg5[%run_scoped3A_278, %dma_start3A_362] : memref<4x8192xf32, #tpu.memory_space<vmem>> -> memref<1x8192xf32, #tpu.memory_space<vmem>>
      %dma_start3A_364 = tpu.memref_squeeze %dma_start3A_363 : memref<1x8192xf32, #tpu.memory_space<vmem>> -> memref<8192xf32, #tpu.memory_space<vmem>>
      tpu.enqueue_dma source(%dma_start3A_364 : memref<8192xf32, #tpu.memory_space<vmem>>) target(%dma_start3A_361 : memref<8192xf32, #tpu.memory_space<hbm>>) target_semaphore(%run_scoped3A_357 : memref<!tpu.dma_semaphore, #tpu.memory_space<semaphore_mem>>)
      %dma_wait3A = arith.constant 0 : i32
      %dma_wait3A_365 = tpu.memref_slice %arg5[%run_scoped3A_278, %dma_wait3A] : memref<4x8192xf32, #tpu.memory_space<vmem>> -> memref<1x8192xf32, #tpu.memory_space<vmem>>
      %dma_wait3A_366 = tpu.memref_squeeze %dma_wait3A_365 : memref<1x8192xf32, #tpu.memory_space<vmem>> -> memref<8192xf32, #tpu.memory_space<vmem>>
      %dma_wait3A_367 = tpu.memref_slice %arg3[%add3A_277] : memref<4194304xf32, #tpu.memory_space<hbm>> -> memref<8192xf32, #tpu.memory_space<hbm>>
      %dma_wait3A_368 = tpu.memref_slice %arg3[%add3A_277] : memref<4194304xf32, #tpu.memory_space<hbm>> -> memref<8192xf32, #tpu.memory_space<hbm>>
      %dma_wait3A_369 = arith.constant 0 : i32
      %dma_wait3A_370 = tpu.memref_slice %arg5[%run_scoped3A_278, %dma_wait3A_369] : memref<4x8192xf32, #tpu.memory_space<vmem>> -> memref<1x8192xf32, #tpu.memory_space<vmem>>
      %dma_wait3A_371 = tpu.memref_squeeze %dma_wait3A_370 : memref<1x8192xf32, #tpu.memory_space<vmem>> -> memref<8192xf32, #tpu.memory_space<vmem>>
      tpu.wait_dma2 semaphore(%run_scoped3A_357 : memref<!tpu.dma_semaphore, #tpu.memory_space<semaphore_mem>>) src(%dma_wait3A_371 : memref<8192xf32, #tpu.memory_space<vmem>>) dst(%dma_wait3A_368 : memref<8192xf32, #tpu.memory_space<hbm>>)
      tpu.yield
    }) : () -> ()
    %mul3A_279 = arith.constant 4 : i32
    %mul3A_280 = arith.muli %add3A, %mul3A_279 : i32
    %add3A_281 = arith.constant 0 : i32
    %add3A_282 = arith.addi %mul3A_280, %add3A_281 : i32
    %mul3A_283 = arith.constant 32768 : i32
    %mul3A_284 = arith.muli %add3A_282, %mul3A_283 : i32
    %add3A_285 = arith.constant 24576 : i32
    %add3A_286 = arith.addi %mul3A_284, %add3A_285 : i32
    %run_scoped3A_287 = arith.constant 0 : i32
    "tpu.region"() ({
      %run_scoped3A_357 = tpu.sem_alloc : memref<!tpu.dma_semaphore, #tpu.memory_space<semaphore_mem>>
      %dma_start3A = arith.constant 0 : i32
      %dma_start3A_358 = tpu.memref_slice %arg4[%run_scoped3A_287, %dma_start3A] : memref<4x8192xf32, #tpu.memory_space<vmem>> -> memref<1x8192xf32, #tpu.memory_space<vmem>>
      %dma_start3A_359 = tpu.memref_squeeze %dma_start3A_358 : memref<1x8192xf32, #tpu.memory_space<vmem>> -> memref<8192xf32, #tpu.memory_space<vmem>>
      %dma_start3A_360 = tpu.memref_slice %arg2[%add3A_286] : memref<4194304xf32, #tpu.memory_space<hbm>> -> memref<8192xf32, #tpu.memory_space<hbm>>
      %dma_start3A_361 = arith.constant 0 : i32
      %dma_start3A_362 = tpu.memref_slice %arg4[%run_scoped3A_287, %dma_start3A_361] : memref<4x8192xf32, #tpu.memory_space<vmem>> -> memref<1x8192xf32, #tpu.memory_space<vmem>>
      %dma_start3A_363 = tpu.memref_squeeze %dma_start3A_362 : memref<1x8192xf32, #tpu.memory_space<vmem>> -> memref<8192xf32, #tpu.memory_space<vmem>>
      %dma_start3A_364 = tpu.memref_slice %arg2[%add3A_286] : memref<4194304xf32, #tpu.memory_space<hbm>> -> memref<8192xf32, #tpu.memory_space<hbm>>
      tpu.enqueue_dma source(%dma_start3A_364 : memref<8192xf32, #tpu.memory_space<hbm>>) target(%dma_start3A_363 : memref<8192xf32, #tpu.memory_space<vmem>>) target_semaphore(%run_scoped3A_357 : memref<!tpu.dma_semaphore, #tpu.memory_space<semaphore_mem>>)
      %dma_wait3A = arith.constant 0 : i32
      %dma_wait3A_365 = tpu.memref_slice %arg4[%run_scoped3A_287, %dma_wait3A] : memref<4x8192xf32, #tpu.memory_space<vmem>> -> memref<1x8192xf32, #tpu.memory_space<vmem>>
      %dma_wait3A_366 = tpu.memref_squeeze %dma_wait3A_365 : memref<1x8192xf32, #tpu.memory_space<vmem>> -> memref<8192xf32, #tpu.memory_space<vmem>>
      %dma_wait3A_367 = tpu.memref_slice %arg2[%add3A_286] : memref<4194304xf32, #tpu.memory_space<hbm>> -> memref<8192xf32, #tpu.memory_space<hbm>>
      %dma_wait3A_368 = arith.constant 0 : i32
      %dma_wait3A_369 = tpu.memref_slice %arg4[%run_scoped3A_287, %dma_wait3A_368] : memref<4x8192xf32, #tpu.memory_space<vmem>> -> memref<1x8192xf32, #tpu.memory_space<vmem>>
      %dma_wait3A_370 = tpu.memref_squeeze %dma_wait3A_369 : memref<1x8192xf32, #tpu.memory_space<vmem>> -> memref<8192xf32, #tpu.memory_space<vmem>>
      %dma_wait3A_371 = tpu.memref_slice %arg2[%add3A_286] : memref<4194304xf32, #tpu.memory_space<hbm>> -> memref<8192xf32, #tpu.memory_space<hbm>>
      tpu.wait_dma2 semaphore(%run_scoped3A_357 : memref<!tpu.dma_semaphore, #tpu.memory_space<semaphore_mem>>) src(%dma_wait3A_371 : memref<8192xf32, #tpu.memory_space<hbm>>) dst(%dma_wait3A_370 : memref<8192xf32, #tpu.memory_space<vmem>>)
      tpu.yield
    }) : () -> ()
    %mul3A_288 = arith.constant 4 : i32
    %mul3A_289 = arith.muli %add3A, %mul3A_288 : i32
    %add3A_290 = arith.constant 1 : i32
    %add3A_291 = arith.addi %mul3A_289, %add3A_290 : i32
    %mul3A_292 = arith.constant 32768 : i32
    %mul3A_293 = arith.muli %add3A_291, %mul3A_292 : i32
    %add3A_294 = arith.constant 24576 : i32
    %add3A_295 = arith.addi %mul3A_293, %add3A_294 : i32
    %run_scoped3A_296 = arith.constant 1 : i32
    "tpu.region"() ({
      %run_scoped3A_357 = tpu.sem_alloc : memref<!tpu.dma_semaphore, #tpu.memory_space<semaphore_mem>>
      %dma_start3A = arith.constant 0 : i32
      %dma_start3A_358 = tpu.memref_slice %arg4[%run_scoped3A_296, %dma_start3A] : memref<4x8192xf32, #tpu.memory_space<vmem>> -> memref<1x8192xf32, #tpu.memory_space<vmem>>
      %dma_start3A_359 = tpu.memref_squeeze %dma_start3A_358 : memref<1x8192xf32, #tpu.memory_space<vmem>> -> memref<8192xf32, #tpu.memory_space<vmem>>
      %dma_start3A_360 = tpu.memref_slice %arg2[%add3A_295] : memref<4194304xf32, #tpu.memory_space<hbm>> -> memref<8192xf32, #tpu.memory_space<hbm>>
      %dma_start3A_361 = arith.constant 0 : i32
      %dma_start3A_362 = tpu.memref_slice %arg4[%run_scoped3A_296, %dma_start3A_361] : memref<4x8192xf32, #tpu.memory_space<vmem>> -> memref<1x8192xf32, #tpu.memory_space<vmem>>
      %dma_start3A_363 = tpu.memref_squeeze %dma_start3A_362 : memref<1x8192xf32, #tpu.memory_space<vmem>> -> memref<8192xf32, #tpu.memory_space<vmem>>
      %dma_start3A_364 = tpu.memref_slice %arg2[%add3A_295] : memref<4194304xf32, #tpu.memory_space<hbm>> -> memref<8192xf32, #tpu.memory_space<hbm>>
      tpu.enqueue_dma source(%dma_start3A_364 : memref<8192xf32, #tpu.memory_space<hbm>>) target(%dma_start3A_363 : memref<8192xf32, #tpu.memory_space<vmem>>) target_semaphore(%run_scoped3A_357 : memref<!tpu.dma_semaphore, #tpu.memory_space<semaphore_mem>>)
      %dma_wait3A = arith.constant 0 : i32
      %dma_wait3A_365 = tpu.memref_slice %arg4[%run_scoped3A_296, %dma_wait3A] : memref<4x8192xf32, #tpu.memory_space<vmem>> -> memref<1x8192xf32, #tpu.memory_space<vmem>>
      %dma_wait3A_366 = tpu.memref_squeeze %dma_wait3A_365 : memref<1x8192xf32, #tpu.memory_space<vmem>> -> memref<8192xf32, #tpu.memory_space<vmem>>
      %dma_wait3A_367 = tpu.memref_slice %arg2[%add3A_295] : memref<4194304xf32, #tpu.memory_space<hbm>> -> memref<8192xf32, #tpu.memory_space<hbm>>
      %dma_wait3A_368 = arith.constant 0 : i32
      %dma_wait3A_369 = tpu.memref_slice %arg4[%run_scoped3A_296, %dma_wait3A_368] : memref<4x8192xf32, #tpu.memory_space<vmem>> -> memref<1x8192xf32, #tpu.memory_space<vmem>>
      %dma_wait3A_370 = tpu.memref_squeeze %dma_wait3A_369 : memref<1x8192xf32, #tpu.memory_space<vmem>> -> memref<8192xf32, #tpu.memory_space<vmem>>
      %dma_wait3A_371 = tpu.memref_slice %arg2[%add3A_295] : memref<4194304xf32, #tpu.memory_space<hbm>> -> memref<8192xf32, #tpu.memory_space<hbm>>
      tpu.wait_dma2 semaphore(%run_scoped3A_357 : memref<!tpu.dma_semaphore, #tpu.memory_space<semaphore_mem>>) src(%dma_wait3A_371 : memref<8192xf32, #tpu.memory_space<hbm>>) dst(%dma_wait3A_370 : memref<8192xf32, #tpu.memory_space<vmem>>)
      tpu.yield
    }) : () -> ()
    %mul3A_297 = arith.constant 4 : i32
    %mul3A_298 = arith.muli %add3A, %mul3A_297 : i32
    %add3A_299 = arith.constant 2 : i32
    %add3A_300 = arith.addi %mul3A_298, %add3A_299 : i32
    %mul3A_301 = arith.constant 32768 : i32
    %mul3A_302 = arith.muli %add3A_300, %mul3A_301 : i32
    %add3A_303 = arith.constant 24576 : i32
    %add3A_304 = arith.addi %mul3A_302, %add3A_303 : i32
    %run_scoped3A_305 = arith.constant 2 : i32
    "tpu.region"() ({
      %run_scoped3A_357 = tpu.sem_alloc : memref<!tpu.dma_semaphore, #tpu.memory_space<semaphore_mem>>
      %dma_start3A = arith.constant 0 : i32
      %dma_start3A_358 = tpu.memref_slice %arg4[%run_scoped3A_305, %dma_start3A] : memref<4x8192xf32, #tpu.memory_space<vmem>> -> memref<1x8192xf32, #tpu.memory_space<vmem>>
      %dma_start3A_359 = tpu.memref_squeeze %dma_start3A_358 : memref<1x8192xf32, #tpu.memory_space<vmem>> -> memref<8192xf32, #tpu.memory_space<vmem>>
      %dma_start3A_360 = tpu.memref_slice %arg2[%add3A_304] : memref<4194304xf32, #tpu.memory_space<hbm>> -> memref<8192xf32, #tpu.memory_space<hbm>>
      %dma_start3A_361 = arith.constant 0 : i32
      %dma_start3A_362 = tpu.memref_slice %arg4[%run_scoped3A_305, %dma_start3A_361] : memref<4x8192xf32, #tpu.memory_space<vmem>> -> memref<1x8192xf32, #tpu.memory_space<vmem>>
      %dma_start3A_363 = tpu.memref_squeeze %dma_start3A_362 : memref<1x8192xf32, #tpu.memory_space<vmem>> -> memref<8192xf32, #tpu.memory_space<vmem>>
      %dma_start3A_364 = tpu.memref_slice %arg2[%add3A_304] : memref<4194304xf32, #tpu.memory_space<hbm>> -> memref<8192xf32, #tpu.memory_space<hbm>>
      tpu.enqueue_dma source(%dma_start3A_364 : memref<8192xf32, #tpu.memory_space<hbm>>) target(%dma_start3A_363 : memref<8192xf32, #tpu.memory_space<vmem>>) target_semaphore(%run_scoped3A_357 : memref<!tpu.dma_semaphore, #tpu.memory_space<semaphore_mem>>)
      %dma_wait3A = arith.constant 0 : i32
      %dma_wait3A_365 = tpu.memref_slice %arg4[%run_scoped3A_305, %dma_wait3A] : memref<4x8192xf32, #tpu.memory_space<vmem>> -> memref<1x8192xf32, #tpu.memory_space<vmem>>
      %dma_wait3A_366 = tpu.memref_squeeze %dma_wait3A_365 : memref<1x8192xf32, #tpu.memory_space<vmem>> -> memref<8192xf32, #tpu.memory_space<vmem>>
      %dma_wait3A_367 = tpu.memref_slice %arg2[%add3A_304] : memref<4194304xf32, #tpu.memory_space<hbm>> -> memref<8192xf32, #tpu.memory_space<hbm>>
      %dma_wait3A_368 = arith.constant 0 : i32
      %dma_wait3A_369 = tpu.memref_slice %arg4[%run_scoped3A_305, %dma_wait3A_368] : memref<4x8192xf32, #tpu.memory_space<vmem>> -> memref<1x8192xf32, #tpu.memory_space<vmem>>
      %dma_wait3A_370 = tpu.memref_squeeze %dma_wait3A_369 : memref<1x8192xf32, #tpu.memory_space<vmem>> -> memref<8192xf32, #tpu.memory_space<vmem>>
      %dma_wait3A_371 = tpu.memref_slice %arg2[%add3A_304] : memref<4194304xf32, #tpu.memory_space<hbm>> -> memref<8192xf32, #tpu.memory_space<hbm>>
      tpu.wait_dma2 semaphore(%run_scoped3A_357 : memref<!tpu.dma_semaphore, #tpu.memory_space<semaphore_mem>>) src(%dma_wait3A_371 : memref<8192xf32, #tpu.memory_space<hbm>>) dst(%dma_wait3A_370 : memref<8192xf32, #tpu.memory_space<vmem>>)
      tpu.yield
    }) : () -> ()
    %mul3A_306 = arith.constant 4 : i32
    %mul3A_307 = arith.muli %add3A, %mul3A_306 : i32
    %add3A_308 = arith.constant 3 : i32
    %add3A_309 = arith.addi %mul3A_307, %add3A_308 : i32
    %mul3A_310 = arith.constant 32768 : i32
    %mul3A_311 = arith.muli %add3A_309, %mul3A_310 : i32
    %add3A_312 = arith.constant 24576 : i32
    %add3A_313 = arith.addi %mul3A_311, %add3A_312 : i32
    %run_scoped3A_314 = arith.constant 3 : i32
    "tpu.region"() ({
      %run_scoped3A_357 = tpu.sem_alloc : memref<!tpu.dma_semaphore, #tpu.memory_space<semaphore_mem>>
      %dma_start3A = arith.constant 0 : i32
      %dma_start3A_358 = tpu.memref_slice %arg4[%run_scoped3A_314, %dma_start3A] : memref<4x8192xf32, #tpu.memory_space<vmem>> -> memref<1x8192xf32, #tpu.memory_space<vmem>>
      %dma_start3A_359 = tpu.memref_squeeze %dma_start3A_358 : memref<1x8192xf32, #tpu.memory_space<vmem>> -> memref<8192xf32, #tpu.memory_space<vmem>>
      %dma_start3A_360 = tpu.memref_slice %arg2[%add3A_313] : memref<4194304xf32, #tpu.memory_space<hbm>> -> memref<8192xf32, #tpu.memory_space<hbm>>
      %dma_start3A_361 = arith.constant 0 : i32
      %dma_start3A_362 = tpu.memref_slice %arg4[%run_scoped3A_314, %dma_start3A_361] : memref<4x8192xf32, #tpu.memory_space<vmem>> -> memref<1x8192xf32, #tpu.memory_space<vmem>>
      %dma_start3A_363 = tpu.memref_squeeze %dma_start3A_362 : memref<1x8192xf32, #tpu.memory_space<vmem>> -> memref<8192xf32, #tpu.memory_space<vmem>>
      %dma_start3A_364 = tpu.memref_slice %arg2[%add3A_313] : memref<4194304xf32, #tpu.memory_space<hbm>> -> memref<8192xf32, #tpu.memory_space<hbm>>
      tpu.enqueue_dma source(%dma_start3A_364 : memref<8192xf32, #tpu.memory_space<hbm>>) target(%dma_start3A_363 : memref<8192xf32, #tpu.memory_space<vmem>>) target_semaphore(%run_scoped3A_357 : memref<!tpu.dma_semaphore, #tpu.memory_space<semaphore_mem>>)
      %dma_wait3A = arith.constant 0 : i32
      %dma_wait3A_365 = tpu.memref_slice %arg4[%run_scoped3A_314, %dma_wait3A] : memref<4x8192xf32, #tpu.memory_space<vmem>> -> memref<1x8192xf32, #tpu.memory_space<vmem>>
      %dma_wait3A_366 = tpu.memref_squeeze %dma_wait3A_365 : memref<1x8192xf32, #tpu.memory_space<vmem>> -> memref<8192xf32, #tpu.memory_space<vmem>>
      %dma_wait3A_367 = tpu.memref_slice %arg2[%add3A_313] : memref<4194304xf32, #tpu.memory_space<hbm>> -> memref<8192xf32, #tpu.memory_space<hbm>>
      %dma_wait3A_368 = arith.constant 0 : i32
      %dma_wait3A_369 = tpu.memref_slice %arg4[%run_scoped3A_314, %dma_wait3A_368] : memref<4x8192xf32, #tpu.memory_space<vmem>> -> memref<1x8192xf32, #tpu.memory_space<vmem>>
      %dma_wait3A_370 = tpu.memref_squeeze %dma_wait3A_369 : memref<1x8192xf32, #tpu.memory_space<vmem>> -> memref<8192xf32, #tpu.memory_space<vmem>>
      %dma_wait3A_371 = tpu.memref_slice %arg2[%add3A_313] : memref<4194304xf32, #tpu.memory_space<hbm>> -> memref<8192xf32, #tpu.memory_space<hbm>>
      tpu.wait_dma2 semaphore(%run_scoped3A_357 : memref<!tpu.dma_semaphore, #tpu.memory_space<semaphore_mem>>) src(%dma_wait3A_371 : memref<8192xf32, #tpu.memory_space<hbm>>) dst(%dma_wait3A_370 : memref<8192xf32, #tpu.memory_space<vmem>>)
      tpu.yield
    }) : () -> ()
    %scan3A_315 = arith.constant 0 : i32
    %scan3A_316 = arith.constant 512 : i32
    %scan3A_317 = arith.addi %scan3A_315, %scan3A_316 : i32
    %scan3A_318 = arith.constant 1 : i32
    %scan3A_319:4 = scf.for %scan3A_357 = %scan3A_315 to %scan3A_317 step %scan3A_318 iter_args(%scan3A_358 = %scan3A_241#0, %scan3A_359 = %scan3A_241#1, %scan3A_360 = %scan3A_241#2, %scan3A_361 = %scan3A_241#3) -> (vector<16xf32>, vector<16xf32>, vector<16xf32>, vector<16xf32>)  : i32 {
      %mul3A_362 = arith.constant 16 : i32
      %mul3A_363 = arith.muli %scan3A_357, %mul3A_362 : i32
      %get3A = arith.constant 0 : i32
      %get3A_364 = arith.index_cast %get3A : i32 to index
      %get3A_365 = arith.index_cast %mul3A_363 : i32 to index
      %get3A_366 = tpu.vector_load %arg4[%get3A_364, %get3A_365] {strides = array<i32>} : memref<4x8192xf32, #tpu.memory_space<vmem>>, vector<1x16xf32>,
      %get3A_367 = vector.shape_cast %get3A_366 : vector<1x16xf32> to vector<16xf32>
      %lt3A = arith.constant 0 : i32
      %lt3A_368 = vector.broadcast %lt3A : i32 to vector<16xi32>
      %lt3A_369 = arith.cmpi slt, %max3A_4, %lt3A_368 : vector<16xi32>
      %add3A_370 = arith.constant 16 : i32
      %add3A_371 = vector.broadcast %add3A_370 : i32 to vector<16xi32>
      %add3A_372 = arith.addi %max3A_4, %add3A_371 : vector<16xi32>
      %select_n3A = arith.select %lt3A_369, %add3A_372, %max3A_4 : vector<16xi1>, vector<16xi32>
      %broadcast_in_dim3A_373 = vector.shape_cast %select_n3A : vector<16xi32> to vector<16x1xi32>
      %gather3A = vector.shape_cast %broadcast_in_dim3A_373 : vector<16x1xi32> to vector<16xi32>
      %gather3A_374 = tpu.dynamic_gather %get3A_367[%gather3A] in [0] : vector<16xf32>, vector<16xi32> -> vector<16xf32>
      %jit3A = arith.constant 0.000000e+00 : f32
      %broadcast_in_dim3A_375 = vector.broadcast %jit3A : f32 to vector<16xf32>
      %select_n3A_376 = arith.select %ge3A_24, %gather3A_374, %broadcast_in_dim3A_375 : vector<16xi1>, vector<16xf32>
      %add3A_377 = arith.addf %get3A_367, %select_n3A_376 : vector<16xf32>
      %lt3A_378 = arith.constant 0 : i32
      %lt3A_379 = vector.broadcast %lt3A_378 : i32 to vector<16xi32>
      %lt3A_380 = arith.cmpi slt, %max3A_10, %lt3A_379 : vector<16xi32>
      %add3A_381 = arith.constant 16 : i32
      %add3A_382 = vector.broadcast %add3A_381 : i32 to vector<16xi32>
      %add3A_383 = arith.addi %max3A_10, %add3A_382 : vector<16xi32>
      %select_n3A_384 = arith.select %lt3A_380, %add3A_383, %max3A_10 : vector<16xi1>, vector<16xi32>
      %broadcast_in_dim3A_385 = vector.shape_cast %select_n3A_384 : vector<16xi32> to vector<16x1xi32>
      %gather3A_386 = vector.shape_cast %broadcast_in_dim3A_385 : vector<16x1xi32> to vector<16xi32>
      %gather3A_387 = tpu.dynamic_gather %add3A_377[%gather3A_386] in [0] : vector<16xf32>, vector<16xi32> -> vector<16xf32>
      %jit3A_388 = arith.constant 0.000000e+00 : f32
      %broadcast_in_dim3A_389 = vector.broadcast %jit3A_388 : f32 to vector<16xf32>
      %select_n3A_390 = arith.select %ge3A_27, %gather3A_387, %broadcast_in_dim3A_389 : vector<16xi1>, vector<16xf32>
      %add3A_391 = arith.addf %add3A_377, %select_n3A_390 : vector<16xf32>
      %lt3A_392 = arith.constant 0 : i32
      %lt3A_393 = vector.broadcast %lt3A_392 : i32 to vector<16xi32>
      %lt3A_394 = arith.cmpi slt, %max3A_16, %lt3A_393 : vector<16xi32>
      %add3A_395 = arith.constant 16 : i32
      %add3A_396 = vector.broadcast %add3A_395 : i32 to vector<16xi32>
      %add3A_397 = arith.addi %max3A_16, %add3A_396 : vector<16xi32>
      %select_n3A_398 = arith.select %lt3A_394, %add3A_397, %max3A_16 : vector<16xi1>, vector<16xi32>
      %broadcast_in_dim3A_399 = vector.shape_cast %select_n3A_398 : vector<16xi32> to vector<16x1xi32>
      %gather3A_400 = vector.shape_cast %broadcast_in_dim3A_399 : vector<16x1xi32> to vector<16xi32>
      %gather3A_401 = tpu.dynamic_gather %add3A_391[%gather3A_400] in [0] : vector<16xf32>, vector<16xi32> -> vector<16xf32>
      %jit3A_402 = arith.constant 0.000000e+00 : f32
      %broadcast_in_dim3A_403 = vector.broadcast %jit3A_402 : f32 to vector<16xf32>
      %select_n3A_404 = arith.select %ge3A_30, %gather3A_401, %broadcast_in_dim3A_403 : vector<16xi1>, vector<16xf32>
      %add3A_405 = arith.addf %add3A_391, %select_n3A_404 : vector<16xf32>
      %lt3A_406 = arith.constant 0 : i32
      %lt3A_407 = vector.broadcast %lt3A_406 : i32 to vector<16xi32>
      %lt3A_408 = arith.cmpi slt, %max3A_22, %lt3A_407 : vector<16xi32>
      %add3A_409 = arith.constant 16 : i32
      %add3A_410 = vector.broadcast %add3A_409 : i32 to vector<16xi32>
      %add3A_411 = arith.addi %max3A_22, %add3A_410 : vector<16xi32>
      %select_n3A_412 = arith.select %lt3A_408, %add3A_411, %max3A_22 : vector<16xi1>, vector<16xi32>
      %broadcast_in_dim3A_413 = vector.shape_cast %select_n3A_412 : vector<16xi32> to vector<16x1xi32>
      %gather3A_414 = vector.shape_cast %broadcast_in_dim3A_413 : vector<16x1xi32> to vector<16xi32>
      %gather3A_415 = tpu.dynamic_gather %add3A_405[%gather3A_414] in [0] : vector<16xf32>, vector<16xi32> -> vector<16xf32>
      %jit3A_416 = arith.constant 0.000000e+00 : f32
      %broadcast_in_dim3A_417 = vector.broadcast %jit3A_416 : f32 to vector<16xf32>
      %select_n3A_418 = arith.select %ge3A_33, %gather3A_415, %broadcast_in_dim3A_417 : vector<16xi1>, vector<16xf32>
      %add3A_419 = arith.addf %add3A_405, %select_n3A_418 : vector<16xf32>
      %add3A_420 = arith.addf %add3A_419, %scan3A_358 : vector<16xf32>
      %mul3A_421 = arith.constant 16 : i32
      %mul3A_422 = arith.muli %scan3A_357, %mul3A_421 : i32
      %swap3A = arith.constant 0 : i32
      %swap3A_423 = arith.index_cast %swap3A : i32 to index
      %swap3A_424 = arith.index_cast %mul3A_422 : i32 to index
      %swap3A_425 = tpu.vector_load %arg5[%swap3A_423, %swap3A_424] {strides = array<i32>} : memref<4x8192xf32, #tpu.memory_space<vmem>>, vector<1x16xf32>,
      %swap3A_426 = vector.shape_cast %swap3A_425 : vector<1x16xf32> to vector<16xf32>
      %swap3A_427 = vector.shape_cast %add3A_420 : vector<16xf32> to vector<1x16xf32>
      tpu.vector_store %arg5[%swap3A_423, %swap3A_424], %swap3A_427 {strides = array<i32>} : memref<4x8192xf32, #tpu.memory_space<vmem>>, vector<1x16xf32>,
      %lt3A_428 = arith.constant 0 : i32
      %lt3A_429 = vector.broadcast %lt3A_428 : i32 to vector<16xi32>
      %lt3A_430 = arith.cmpi slt, %add3A_39, %lt3A_429 : vector<16xi32>
      %add3A_431 = arith.constant 16 : i32
      %add3A_432 = vector.broadcast %add3A_431 : i32 to vector<16xi32>
      %add3A_433 = arith.addi %add3A_39, %add3A_432 : vector<16xi32>
      %select_n3A_434 = arith.select %lt3A_430, %add3A_433, %add3A_39 : vector<16xi1>, vector<16xi32>
      %broadcast_in_dim3A_435 = vector.shape_cast %select_n3A_434 : vector<16xi32> to vector<16x1xi32>
      %gather3A_436 = vector.shape_cast %broadcast_in_dim3A_435 : vector<16x1xi32> to vector<16xi32>
      %gather3A_437 = tpu.dynamic_gather %add3A_420[%gather3A_436] in [0] : vector<16xf32>, vector<16xi32> -> vector<16xf32>
      %mul3A_438 = arith.constant 16 : i32
      %mul3A_439 = arith.muli %scan3A_357, %mul3A_438 : i32
      %get3A_440 = arith.constant 1 : i32
      %get3A_441 = arith.index_cast %get3A_440 : i32 to index
      %get3A_442 = arith.index_cast %mul3A_439 : i32 to index
      %get3A_443 = tpu.vector_load %arg4[%get3A_441, %get3A_442] {strides = array<i32>} : memref<4x8192xf32, #tpu.memory_space<vmem>>, vector<1x16xf32>,
      %get3A_444 = vector.shape_cast %get3A_443 : vector<1x16xf32> to vector<16xf32>
      %lt3A_445 = arith.constant 0 : i32
      %lt3A_446 = vector.broadcast %lt3A_445 : i32 to vector<16xi32>
      %lt3A_447 = arith.cmpi slt, %max3A_4, %lt3A_446 : vector<16xi32>
      %add3A_448 = arith.constant 16 : i32
      %add3A_449 = vector.broadcast %add3A_448 : i32 to vector<16xi32>
      %add3A_450 = arith.addi %max3A_4, %add3A_449 : vector<16xi32>
      %select_n3A_451 = arith.select %lt3A_447, %add3A_450, %max3A_4 : vector<16xi1>, vector<16xi32>
      %broadcast_in_dim3A_452 = vector.shape_cast %select_n3A_451 : vector<16xi32> to vector<16x1xi32>
      %gather3A_453 = vector.shape_cast %broadcast_in_dim3A_452 : vector<16x1xi32> to vector<16xi32>
      %gather3A_454 = tpu.dynamic_gather %get3A_444[%gather3A_453] in [0] : vector<16xf32>, vector<16xi32> -> vector<16xf32>
      %jit3A_455 = arith.constant 0.000000e+00 : f32
      %broadcast_in_dim3A_456 = vector.broadcast %jit3A_455 : f32 to vector<16xf32>
      %select_n3A_457 = arith.select %ge3A_24, %gather3A_454, %broadcast_in_dim3A_456 : vector<16xi1>, vector<16xf32>
      %add3A_458 = arith.addf %get3A_444, %select_n3A_457 : vector<16xf32>
      %lt3A_459 = arith.constant 0 : i32
      %lt3A_460 = vector.broadcast %lt3A_459 : i32 to vector<16xi32>
      %lt3A_461 = arith.cmpi slt, %max3A_10, %lt3A_460 : vector<16xi32>
      %add3A_462 = arith.constant 16 : i32
      %add3A_463 = vector.broadcast %add3A_462 : i32 to vector<16xi32>
      %add3A_464 = arith.addi %max3A_10, %add3A_463 : vector<16xi32>
      %select_n3A_465 = arith.select %lt3A_461, %add3A_464, %max3A_10 : vector<16xi1>, vector<16xi32>
      %broadcast_in_dim3A_466 = vector.shape_cast %select_n3A_465 : vector<16xi32> to vector<16x1xi32>
      %gather3A_467 = vector.shape_cast %broadcast_in_dim3A_466 : vector<16x1xi32> to vector<16xi32>
      %gather3A_468 = tpu.dynamic_gather %add3A_458[%gather3A_467] in [0] : vector<16xf32>, vector<16xi32> -> vector<16xf32>
      %jit3A_469 = arith.constant 0.000000e+00 : f32
      %broadcast_in_dim3A_470 = vector.broadcast %jit3A_469 : f32 to vector<16xf32>
      %select_n3A_471 = arith.select %ge3A_27, %gather3A_468, %broadcast_in_dim3A_470 : vector<16xi1>, vector<16xf32>
      %add3A_472 = arith.addf %add3A_458, %select_n3A_471 : vector<16xf32>
      %lt3A_473 = arith.constant 0 : i32
      %lt3A_474 = vector.broadcast %lt3A_473 : i32 to vector<16xi32>
      %lt3A_475 = arith.cmpi slt, %max3A_16, %lt3A_474 : vector<16xi32>
      %add3A_476 = arith.constant 16 : i32
      %add3A_477 = vector.broadcast %add3A_476 : i32 to vector<16xi32>
      %add3A_478 = arith.addi %max3A_16, %add3A_477 : vector<16xi32>
      %select_n3A_479 = arith.select %lt3A_475, %add3A_478, %max3A_16 : vector<16xi1>, vector<16xi32>
      %broadcast_in_dim3A_480 = vector.shape_cast %select_n3A_479 : vector<16xi32> to vector<16x1xi32>
      %gather3A_481 = vector.shape_cast %broadcast_in_dim3A_480 : vector<16x1xi32> to vector<16xi32>
      %gather3A_482 = tpu.dynamic_gather %add3A_472[%gather3A_481] in [0] : vector<16xf32>, vector<16xi32> -> vector<16xf32>
      %jit3A_483 = arith.constant 0.000000e+00 : f32
      %broadcast_in_dim3A_484 = vector.broadcast %jit3A_483 : f32 to vector<16xf32>
      %select_n3A_485 = arith.select %ge3A_30, %gather3A_482, %broadcast_in_dim3A_484 : vector<16xi1>, vector<16xf32>
      %add3A_486 = arith.addf %add3A_472, %select_n3A_485 : vector<16xf32>
      %lt3A_487 = arith.constant 0 : i32
      %lt3A_488 = vector.broadcast %lt3A_487 : i32 to vector<16xi32>
      %lt3A_489 = arith.cmpi slt, %max3A_22, %lt3A_488 : vector<16xi32>
      %add3A_490 = arith.constant 16 : i32
      %add3A_491 = vector.broadcast %add3A_490 : i32 to vector<16xi32>
      %add3A_492 = arith.addi %max3A_22, %add3A_491 : vector<16xi32>
      %select_n3A_493 = arith.select %lt3A_489, %add3A_492, %max3A_22 : vector<16xi1>, vector<16xi32>
      %broadcast_in_dim3A_494 = vector.shape_cast %select_n3A_493 : vector<16xi32> to vector<16x1xi32>
      %gather3A_495 = vector.shape_cast %broadcast_in_dim3A_494 : vector<16x1xi32> to vector<16xi32>
      %gather3A_496 = tpu.dynamic_gather %add3A_486[%gather3A_495] in [0] : vector<16xf32>, vector<16xi32> -> vector<16xf32>
      %jit3A_497 = arith.constant 0.000000e+00 : f32
      %broadcast_in_dim3A_498 = vector.broadcast %jit3A_497 : f32 to vector<16xf32>
      %select_n3A_499 = arith.select %ge3A_33, %gather3A_496, %broadcast_in_dim3A_498 : vector<16xi1>, vector<16xf32>
      %add3A_500 = arith.addf %add3A_486, %select_n3A_499 : vector<16xf32>
      %add3A_501 = arith.addf %add3A_500, %scan3A_359 : vector<16xf32>
      %mul3A_502 = arith.constant 16 : i32
      %mul3A_503 = arith.muli %scan3A_357, %mul3A_502 : i32
      %swap3A_504 = arith.constant 1 : i32
      %swap3A_505 = arith.index_cast %swap3A_504 : i32 to index
      %swap3A_506 = arith.index_cast %mul3A_503 : i32 to index
      %swap3A_507 = tpu.vector_load %arg5[%swap3A_505, %swap3A_506] {strides = array<i32>} : memref<4x8192xf32, #tpu.memory_space<vmem>>, vector<1x16xf32>,
      %swap3A_508 = vector.shape_cast %swap3A_507 : vector<1x16xf32> to vector<16xf32>
      %swap3A_509 = vector.shape_cast %add3A_501 : vector<16xf32> to vector<1x16xf32>
      tpu.vector_store %arg5[%swap3A_505, %swap3A_506], %swap3A_509 {strides = array<i32>} : memref<4x8192xf32, #tpu.memory_space<vmem>>, vector<1x16xf32>,
      %lt3A_510 = arith.constant 0 : i32
      %lt3A_511 = vector.broadcast %lt3A_510 : i32 to vector<16xi32>
      %lt3A_512 = arith.cmpi slt, %add3A_39, %lt3A_511 : vector<16xi32>
      %add3A_513 = arith.constant 16 : i32
      %add3A_514 = vector.broadcast %add3A_513 : i32 to vector<16xi32>
      %add3A_515 = arith.addi %add3A_39, %add3A_514 : vector<16xi32>
      %select_n3A_516 = arith.select %lt3A_512, %add3A_515, %add3A_39 : vector<16xi1>, vector<16xi32>
      %broadcast_in_dim3A_517 = vector.shape_cast %select_n3A_516 : vector<16xi32> to vector<16x1xi32>
      %gather3A_518 = vector.shape_cast %broadcast_in_dim3A_517 : vector<16x1xi32> to vector<16xi32>
      %gather3A_519 = tpu.dynamic_gather %add3A_501[%gather3A_518] in [0] : vector<16xf32>, vector<16xi32> -> vector<16xf32>
      %mul3A_520 = arith.constant 16 : i32
      %mul3A_521 = arith.muli %scan3A_357, %mul3A_520 : i32
      %get3A_522 = arith.constant 2 : i32
      %get3A_523 = arith.index_cast %get3A_522 : i32 to index
      %get3A_524 = arith.index_cast %mul3A_521 : i32 to index
      %get3A_525 = tpu.vector_load %arg4[%get3A_523, %get3A_524] {strides = array<i32>} : memref<4x8192xf32, #tpu.memory_space<vmem>>, vector<1x16xf32>,
      %get3A_526 = vector.shape_cast %get3A_525 : vector<1x16xf32> to vector<16xf32>
      %lt3A_527 = arith.constant 0 : i32
      %lt3A_528 = vector.broadcast %lt3A_527 : i32 to vector<16xi32>
      %lt3A_529 = arith.cmpi slt, %max3A_4, %lt3A_528 : vector<16xi32>
      %add3A_530 = arith.constant 16 : i32
      %add3A_531 = vector.broadcast %add3A_530 : i32 to vector<16xi32>
      %add3A_532 = arith.addi %max3A_4, %add3A_531 : vector<16xi32>
      %select_n3A_533 = arith.select %lt3A_529, %add3A_532, %max3A_4 : vector<16xi1>, vector<16xi32>
      %broadcast_in_dim3A_534 = vector.shape_cast %select_n3A_533 : vector<16xi32> to vector<16x1xi32>
      %gather3A_535 = vector.shape_cast %broadcast_in_dim3A_534 : vector<16x1xi32> to vector<16xi32>
      %gather3A_536 = tpu.dynamic_gather %get3A_526[%gather3A_535] in [0] : vector<16xf32>, vector<16xi32> -> vector<16xf32>
      %jit3A_537 = arith.constant 0.000000e+00 : f32
      %broadcast_in_dim3A_538 = vector.broadcast %jit3A_537 : f32 to vector<16xf32>
      %select_n3A_539 = arith.select %ge3A_24, %gather3A_536, %broadcast_in_dim3A_538 : vector<16xi1>, vector<16xf32>
      %add3A_540 = arith.addf %get3A_526, %select_n3A_539 : vector<16xf32>
      %lt3A_541 = arith.constant 0 : i32
      %lt3A_542 = vector.broadcast %lt3A_541 : i32 to vector<16xi32>
      %lt3A_543 = arith.cmpi slt, %max3A_10, %lt3A_542 : vector<16xi32>
      %add3A_544 = arith.constant 16 : i32
      %add3A_545 = vector.broadcast %add3A_544 : i32 to vector<16xi32>
      %add3A_546 = arith.addi %max3A_10, %add3A_545 : vector<16xi32>
      %select_n3A_547 = arith.select %lt3A_543, %add3A_546, %max3A_10 : vector<16xi1>, vector<16xi32>
      %broadcast_in_dim3A_548 = vector.shape_cast %select_n3A_547 : vector<16xi32> to vector<16x1xi32>
      %gather3A_549 = vector.shape_cast %broadcast_in_dim3A_548 : vector<16x1xi32> to vector<16xi32>
      %gather3A_550 = tpu.dynamic_gather %add3A_540[%gather3A_549] in [0] : vector<16xf32>, vector<16xi32> -> vector<16xf32>
      %jit3A_551 = arith.constant 0.000000e+00 : f32
      %broadcast_in_dim3A_552 = vector.broadcast %jit3A_551 : f32 to vector<16xf32>
      %select_n3A_553 = arith.select %ge3A_27, %gather3A_550, %broadcast_in_dim3A_552 : vector<16xi1>, vector<16xf32>
      %add3A_554 = arith.addf %add3A_540, %select_n3A_553 : vector<16xf32>
      %lt3A_555 = arith.constant 0 : i32
      %lt3A_556 = vector.broadcast %lt3A_555 : i32 to vector<16xi32>
      %lt3A_557 = arith.cmpi slt, %max3A_16, %lt3A_556 : vector<16xi32>
      %add3A_558 = arith.constant 16 : i32
      %add3A_559 = vector.broadcast %add3A_558 : i32 to vector<16xi32>
      %add3A_560 = arith.addi %max3A_16, %add3A_559 : vector<16xi32>
      %select_n3A_561 = arith.select %lt3A_557, %add3A_560, %max3A_16 : vector<16xi1>, vector<16xi32>
      %broadcast_in_dim3A_562 = vector.shape_cast %select_n3A_561 : vector<16xi32> to vector<16x1xi32>
      %gather3A_563 = vector.shape_cast %broadcast_in_dim3A_562 : vector<16x1xi32> to vector<16xi32>
      %gather3A_564 = tpu.dynamic_gather %add3A_554[%gather3A_563] in [0] : vector<16xf32>, vector<16xi32> -> vector<16xf32>
      %jit3A_565 = arith.constant 0.000000e+00 : f32
      %broadcast_in_dim3A_566 = vector.broadcast %jit3A_565 : f32 to vector<16xf32>
      %select_n3A_567 = arith.select %ge3A_30, %gather3A_564, %broadcast_in_dim3A_566 : vector<16xi1>, vector<16xf32>
      %add3A_568 = arith.addf %add3A_554, %select_n3A_567 : vector<16xf32>
      %lt3A_569 = arith.constant 0 : i32
      %lt3A_570 = vector.broadcast %lt3A_569 : i32 to vector<16xi32>
      %lt3A_571 = arith.cmpi slt, %max3A_22, %lt3A_570 : vector<16xi32>
      %add3A_572 = arith.constant 16 : i32
      %add3A_573 = vector.broadcast %add3A_572 : i32 to vector<16xi32>
      %add3A_574 = arith.addi %max3A_22, %add3A_573 : vector<16xi32>
      %select_n3A_575 = arith.select %lt3A_571, %add3A_574, %max3A_22 : vector<16xi1>, vector<16xi32>
      %broadcast_in_dim3A_576 = vector.shape_cast %select_n3A_575 : vector<16xi32> to vector<16x1xi32>
      %gather3A_577 = vector.shape_cast %broadcast_in_dim3A_576 : vector<16x1xi32> to vector<16xi32>
      %gather3A_578 = tpu.dynamic_gather %add3A_568[%gather3A_577] in [0] : vector<16xf32>, vector<16xi32> -> vector<16xf32>
      %jit3A_579 = arith.constant 0.000000e+00 : f32
      %broadcast_in_dim3A_580 = vector.broadcast %jit3A_579 : f32 to vector<16xf32>
      %select_n3A_581 = arith.select %ge3A_33, %gather3A_578, %broadcast_in_dim3A_580 : vector<16xi1>, vector<16xf32>
      %add3A_582 = arith.addf %add3A_568, %select_n3A_581 : vector<16xf32>
      %add3A_583 = arith.addf %add3A_582, %scan3A_360 : vector<16xf32>
      %mul3A_584 = arith.constant 16 : i32
      %mul3A_585 = arith.muli %scan3A_357, %mul3A_584 : i32
      %swap3A_586 = arith.constant 2 : i32
      %swap3A_587 = arith.index_cast %swap3A_586 : i32 to index
      %swap3A_588 = arith.index_cast %mul3A_585 : i32 to index
      %swap3A_589 = tpu.vector_load %arg5[%swap3A_587, %swap3A_588] {strides = array<i32>} : memref<4x8192xf32, #tpu.memory_space<vmem>>, vector<1x16xf32>,
      %swap3A_590 = vector.shape_cast %swap3A_589 : vector<1x16xf32> to vector<16xf32>
      %swap3A_591 = vector.shape_cast %add3A_583 : vector<16xf32> to vector<1x16xf32>
      tpu.vector_store %arg5[%swap3A_587, %swap3A_588], %swap3A_591 {strides = array<i32>} : memref<4x8192xf32, #tpu.memory_space<vmem>>, vector<1x16xf32>,
      %lt3A_592 = arith.constant 0 : i32
      %lt3A_593 = vector.broadcast %lt3A_592 : i32 to vector<16xi32>
      %lt3A_594 = arith.cmpi slt, %add3A_39, %lt3A_593 : vector<16xi32>
      %add3A_595 = arith.constant 16 : i32
      %add3A_596 = vector.broadcast %add3A_595 : i32 to vector<16xi32>
      %add3A_597 = arith.addi %add3A_39, %add3A_596 : vector<16xi32>
      %select_n3A_598 = arith.select %lt3A_594, %add3A_597, %add3A_39 : vector<16xi1>, vector<16xi32>
      %broadcast_in_dim3A_599 = vector.shape_cast %select_n3A_598 : vector<16xi32> to vector<16x1xi32>
      %gather3A_600 = vector.shape_cast %broadcast_in_dim3A_599 : vector<16x1xi32> to vector<16xi32>
      %gather3A_601 = tpu.dynamic_gather %add3A_583[%gather3A_600] in [0] : vector<16xf32>, vector<16xi32> -> vector<16xf32>
      %mul3A_602 = arith.constant 16 : i32
      %mul3A_603 = arith.muli %scan3A_357, %mul3A_602 : i32
      %get3A_604 = arith.constant 3 : i32
      %get3A_605 = arith.index_cast %get3A_604 : i32 to index
      %get3A_606 = arith.index_cast %mul3A_603 : i32 to index
      %get3A_607 = tpu.vector_load %arg4[%get3A_605, %get3A_606] {strides = array<i32>} : memref<4x8192xf32, #tpu.memory_space<vmem>>, vector<1x16xf32>,
      %get3A_608 = vector.shape_cast %get3A_607 : vector<1x16xf32> to vector<16xf32>
      %lt3A_609 = arith.constant 0 : i32
      %lt3A_610 = vector.broadcast %lt3A_609 : i32 to vector<16xi32>
      %lt3A_611 = arith.cmpi slt, %max3A_4, %lt3A_610 : vector<16xi32>
      %add3A_612 = arith.constant 16 : i32
      %add3A_613 = vector.broadcast %add3A_612 : i32 to vector<16xi32>
      %add3A_614 = arith.addi %max3A_4, %add3A_613 : vector<16xi32>
      %select_n3A_615 = arith.select %lt3A_611, %add3A_614, %max3A_4 : vector<16xi1>, vector<16xi32>
      %broadcast_in_dim3A_616 = vector.shape_cast %select_n3A_615 : vector<16xi32> to vector<16x1xi32>
      %gather3A_617 = vector.shape_cast %broadcast_in_dim3A_616 : vector<16x1xi32> to vector<16xi32>
      %gather3A_618 = tpu.dynamic_gather %get3A_608[%gather3A_617] in [0] : vector<16xf32>, vector<16xi32> -> vector<16xf32>
      %jit3A_619 = arith.constant 0.000000e+00 : f32
      %broadcast_in_dim3A_620 = vector.broadcast %jit3A_619 : f32 to vector<16xf32>
      %select_n3A_621 = arith.select %ge3A_24, %gather3A_618, %broadcast_in_dim3A_620 : vector<16xi1>, vector<16xf32>
      %add3A_622 = arith.addf %get3A_608, %select_n3A_621 : vector<16xf32>
      %lt3A_623 = arith.constant 0 : i32
      %lt3A_624 = vector.broadcast %lt3A_623 : i32 to vector<16xi32>
      %lt3A_625 = arith.cmpi slt, %max3A_10, %lt3A_624 : vector<16xi32>
      %add3A_626 = arith.constant 16 : i32
      %add3A_627 = vector.broadcast %add3A_626 : i32 to vector<16xi32>
      %add3A_628 = arith.addi %max3A_10, %add3A_627 : vector<16xi32>
      %select_n3A_629 = arith.select %lt3A_625, %add3A_628, %max3A_10 : vector<16xi1>, vector<16xi32>
      %broadcast_in_dim3A_630 = vector.shape_cast %select_n3A_629 : vector<16xi32> to vector<16x1xi32>
      %gather3A_631 = vector.shape_cast %broadcast_in_dim3A_630 : vector<16x1xi32> to vector<16xi32>
      %gather3A_632 = tpu.dynamic_gather %add3A_622[%gather3A_631] in [0] : vector<16xf32>, vector<16xi32> -> vector<16xf32>
      %jit3A_633 = arith.constant 0.000000e+00 : f32
      %broadcast_in_dim3A_634 = vector.broadcast %jit3A_633 : f32 to vector<16xf32>
      %select_n3A_635 = arith.select %ge3A_27, %gather3A_632, %broadcast_in_dim3A_634 : vector<16xi1>, vector<16xf32>
      %add3A_636 = arith.addf %add3A_622, %select_n3A_635 : vector<16xf32>
      %lt3A_637 = arith.constant 0 : i32
      %lt3A_638 = vector.broadcast %lt3A_637 : i32 to vector<16xi32>
      %lt3A_639 = arith.cmpi slt, %max3A_16, %lt3A_638 : vector<16xi32>
      %add3A_640 = arith.constant 16 : i32
      %add3A_641 = vector.broadcast %add3A_640 : i32 to vector<16xi32>
      %add3A_642 = arith.addi %max3A_16, %add3A_641 : vector<16xi32>
      %select_n3A_643 = arith.select %lt3A_639, %add3A_642, %max3A_16 : vector<16xi1>, vector<16xi32>
      %broadcast_in_dim3A_644 = vector.shape_cast %select_n3A_643 : vector<16xi32> to vector<16x1xi32>
      %gather3A_645 = vector.shape_cast %broadcast_in_dim3A_644 : vector<16x1xi32> to vector<16xi32>
      %gather3A_646 = tpu.dynamic_gather %add3A_636[%gather3A_645] in [0] : vector<16xf32>, vector<16xi32> -> vector<16xf32>
      %jit3A_647 = arith.constant 0.000000e+00 : f32
      %broadcast_in_dim3A_648 = vector.broadcast %jit3A_647 : f32 to vector<16xf32>
      %select_n3A_649 = arith.select %ge3A_30, %gather3A_646, %broadcast_in_dim3A_648 : vector<16xi1>, vector<16xf32>
      %add3A_650 = arith.addf %add3A_636, %select_n3A_649 : vector<16xf32>
      %lt3A_651 = arith.constant 0 : i32
      %lt3A_652 = vector.broadcast %lt3A_651 : i32 to vector<16xi32>
      %lt3A_653 = arith.cmpi slt, %max3A_22, %lt3A_652 : vector<16xi32>
      %add3A_654 = arith.constant 16 : i32
      %add3A_655 = vector.broadcast %add3A_654 : i32 to vector<16xi32>
      %add3A_656 = arith.addi %max3A_22, %add3A_655 : vector<16xi32>
      %select_n3A_657 = arith.select %lt3A_653, %add3A_656, %max3A_22 : vector<16xi1>, vector<16xi32>
      %broadcast_in_dim3A_658 = vector.shape_cast %select_n3A_657 : vector<16xi32> to vector<16x1xi32>
      %gather3A_659 = vector.shape_cast %broadcast_in_dim3A_658 : vector<16x1xi32> to vector<16xi32>
      %gather3A_660 = tpu.dynamic_gather %add3A_650[%gather3A_659] in [0] : vector<16xf32>, vector<16xi32> -> vector<16xf32>
      %jit3A_661 = arith.constant 0.000000e+00 : f32
      %broadcast_in_dim3A_662 = vector.broadcast %jit3A_661 : f32 to vector<16xf32>
      %select_n3A_663 = arith.select %ge3A_33, %gather3A_660, %broadcast_in_dim3A_662 : vector<16xi1>, vector<16xf32>
      %add3A_664 = arith.addf %add3A_650, %select_n3A_663 : vector<16xf32>
      %add3A_665 = arith.addf %add3A_664, %scan3A_361 : vector<16xf32>
      %mul3A_666 = arith.constant 16 : i32
      %mul3A_667 = arith.muli %scan3A_357, %mul3A_666 : i32
      %swap3A_668 = arith.constant 3 : i32
      %swap3A_669 = arith.index_cast %swap3A_668 : i32 to index
      %swap3A_670 = arith.index_cast %mul3A_667 : i32 to index
      %swap3A_671 = tpu.vector_load %arg5[%swap3A_669, %swap3A_670] {strides = array<i32>} : memref<4x8192xf32, #tpu.memory_space<vmem>>, vector<1x16xf32>,
      %swap3A_672 = vector.shape_cast %swap3A_671 : vector<1x16xf32> to vector<16xf32>
      %swap3A_673 = vector.shape_cast %add3A_665 : vector<16xf32> to vector<1x16xf32>
      tpu.vector_store %arg5[%swap3A_669, %swap3A_670], %swap3A_673 {strides = array<i32>} : memref<4x8192xf32, #tpu.memory_space<vmem>>, vector<1x16xf32>,
      %lt3A_674 = arith.constant 0 : i32
      %lt3A_675 = vector.broadcast %lt3A_674 : i32 to vector<16xi32>
      %lt3A_676 = arith.cmpi slt, %add3A_39, %lt3A_675 : vector<16xi32>
      %add3A_677 = arith.constant 16 : i32
      %add3A_678 = vector.broadcast %add3A_677 : i32 to vector<16xi32>
      %add3A_679 = arith.addi %add3A_39, %add3A_678 : vector<16xi32>
      %select_n3A_680 = arith.select %lt3A_676, %add3A_679, %add3A_39 : vector<16xi1>, vector<16xi32>
      %broadcast_in_dim3A_681 = vector.shape_cast %select_n3A_680 : vector<16xi32> to vector<16x1xi32>
      %gather3A_682 = vector.shape_cast %broadcast_in_dim3A_681 : vector<16x1xi32> to vector<16xi32>
      %gather3A_683 = tpu.dynamic_gather %add3A_665[%gather3A_682] in [0] : vector<16xf32>, vector<16xi32> -> vector<16xf32>
      scf.yield %gather3A_437, %gather3A_519, %gather3A_601, %gather3A_683 : vector<16xf32>, vector<16xf32>, vector<16xf32>, vector<16xf32>
    }
    %scan3A_320 = arith.constant 512 : i32
    %mul3A_321 = arith.constant 4 : i32
    %mul3A_322 = arith.muli %add3A, %mul3A_321 : i32
    %add3A_323 = arith.constant 0 : i32
    %add3A_324 = arith.addi %mul3A_322, %add3A_323 : i32
    %mul3A_325 = arith.constant 32768 : i32
    %mul3A_326 = arith.muli %add3A_324, %mul3A_325 : i32
    %add3A_327 = arith.constant 24576 : i32
    %add3A_328 = arith.addi %mul3A_326, %add3A_327 : i32
    %run_scoped3A_329 = arith.constant 0 : i32
    "tpu.region"() ({
      %run_scoped3A_357 = tpu.sem_alloc : memref<!tpu.dma_semaphore, #tpu.memory_space<semaphore_mem>>
      %dma_start3A = arith.constant 0 : i32
      %dma_start3A_358 = tpu.memref_slice %arg5[%run_scoped3A_329, %dma_start3A] : memref<4x8192xf32, #tpu.memory_space<vmem>> -> memref<1x8192xf32, #tpu.memory_space<vmem>>
      %dma_start3A_359 = tpu.memref_squeeze %dma_start3A_358 : memref<1x8192xf32, #tpu.memory_space<vmem>> -> memref<8192xf32, #tpu.memory_space<vmem>>
      %dma_start3A_360 = tpu.memref_slice %arg3[%add3A_328] : memref<4194304xf32, #tpu.memory_space<hbm>> -> memref<8192xf32, #tpu.memory_space<hbm>>
      %dma_start3A_361 = tpu.memref_slice %arg3[%add3A_328] : memref<4194304xf32, #tpu.memory_space<hbm>> -> memref<8192xf32, #tpu.memory_space<hbm>>
      %dma_start3A_362 = arith.constant 0 : i32
      %dma_start3A_363 = tpu.memref_slice %arg5[%run_scoped3A_329, %dma_start3A_362] : memref<4x8192xf32, #tpu.memory_space<vmem>> -> memref<1x8192xf32, #tpu.memory_space<vmem>>
      %dma_start3A_364 = tpu.memref_squeeze %dma_start3A_363 : memref<1x8192xf32, #tpu.memory_space<vmem>> -> memref<8192xf32, #tpu.memory_space<vmem>>
      tpu.enqueue_dma source(%dma_start3A_364 : memref<8192xf32, #tpu.memory_space<vmem>>) target(%dma_start3A_361 : memref<8192xf32, #tpu.memory_space<hbm>>) target_semaphore(%run_scoped3A_357 : memref<!tpu.dma_semaphore, #tpu.memory_space<semaphore_mem>>)
      %dma_wait3A = arith.constant 0 : i32
      %dma_wait3A_365 = tpu.memref_slice %arg5[%run_scoped3A_329, %dma_wait3A] : memref<4x8192xf32, #tpu.memory_space<vmem>> -> memref<1x8192xf32, #tpu.memory_space<vmem>>
      %dma_wait3A_366 = tpu.memref_squeeze %dma_wait3A_365 : memref<1x8192xf32, #tpu.memory_space<vmem>> -> memref<8192xf32, #tpu.memory_space<vmem>>
      %dma_wait3A_367 = tpu.memref_slice %arg3[%add3A_328] : memref<4194304xf32, #tpu.memory_space<hbm>> -> memref<8192xf32, #tpu.memory_space<hbm>>
      %dma_wait3A_368 = tpu.memref_slice %arg3[%add3A_328] : memref<4194304xf32, #tpu.memory_space<hbm>> -> memref<8192xf32, #tpu.memory_space<hbm>>
      %dma_wait3A_369 = arith.constant 0 : i32
      %dma_wait3A_370 = tpu.memref_slice %arg5[%run_scoped3A_329, %dma_wait3A_369] : memref<4x8192xf32, #tpu.memory_space<vmem>> -> memref<1x8192xf32, #tpu.memory_space<vmem>>
      %dma_wait3A_371 = tpu.memref_squeeze %dma_wait3A_370 : memref<1x8192xf32, #tpu.memory_space<vmem>> -> memref<8192xf32, #tpu.memory_space<vmem>>
      tpu.wait_dma2 semaphore(%run_scoped3A_357 : memref<!tpu.dma_semaphore, #tpu.memory_space<semaphore_mem>>) src(%dma_wait3A_371 : memref<8192xf32, #tpu.memory_space<vmem>>) dst(%dma_wait3A_368 : memref<8192xf32, #tpu.memory_space<hbm>>)
      tpu.yield
    }) : () -> ()
    %mul3A_330 = arith.constant 4 : i32
    %mul3A_331 = arith.muli %add3A, %mul3A_330 : i32
    %add3A_332 = arith.constant 1 : i32
    %add3A_333 = arith.addi %mul3A_331, %add3A_332 : i32
    %mul3A_334 = arith.constant 32768 : i32
    %mul3A_335 = arith.muli %add3A_333, %mul3A_334 : i32
    %add3A_336 = arith.constant 24576 : i32
    %add3A_337 = arith.addi %mul3A_335, %add3A_336 : i32
    %run_scoped3A_338 = arith.constant 1 : i32
    "tpu.region"() ({
      %run_scoped3A_357 = tpu.sem_alloc : memref<!tpu.dma_semaphore, #tpu.memory_space<semaphore_mem>>
      %dma_start3A = arith.constant 0 : i32
      %dma_start3A_358 = tpu.memref_slice %arg5[%run_scoped3A_338, %dma_start3A] : memref<4x8192xf32, #tpu.memory_space<vmem>> -> memref<1x8192xf32, #tpu.memory_space<vmem>>
      %dma_start3A_359 = tpu.memref_squeeze %dma_start3A_358 : memref<1x8192xf32, #tpu.memory_space<vmem>> -> memref<8192xf32, #tpu.memory_space<vmem>>
      %dma_start3A_360 = tpu.memref_slice %arg3[%add3A_337] : memref<4194304xf32, #tpu.memory_space<hbm>> -> memref<8192xf32, #tpu.memory_space<hbm>>
      %dma_start3A_361 = tpu.memref_slice %arg3[%add3A_337] : memref<4194304xf32, #tpu.memory_space<hbm>> -> memref<8192xf32, #tpu.memory_space<hbm>>
      %dma_start3A_362 = arith.constant 0 : i32
      %dma_start3A_363 = tpu.memref_slice %arg5[%run_scoped3A_338, %dma_start3A_362] : memref<4x8192xf32, #tpu.memory_space<vmem>> -> memref<1x8192xf32, #tpu.memory_space<vmem>>
      %dma_start3A_364 = tpu.memref_squeeze %dma_start3A_363 : memref<1x8192xf32, #tpu.memory_space<vmem>> -> memref<8192xf32, #tpu.memory_space<vmem>>
      tpu.enqueue_dma source(%dma_start3A_364 : memref<8192xf32, #tpu.memory_space<vmem>>) target(%dma_start3A_361 : memref<8192xf32, #tpu.memory_space<hbm>>) target_semaphore(%run_scoped3A_357 : memref<!tpu.dma_semaphore, #tpu.memory_space<semaphore_mem>>)
      %dma_wait3A = arith.constant 0 : i32
      %dma_wait3A_365 = tpu.memref_slice %arg5[%run_scoped3A_338, %dma_wait3A] : memref<4x8192xf32, #tpu.memory_space<vmem>> -> memref<1x8192xf32, #tpu.memory_space<vmem>>
      %dma_wait3A_366 = tpu.memref_squeeze %dma_wait3A_365 : memref<1x8192xf32, #tpu.memory_space<vmem>> -> memref<8192xf32, #tpu.memory_space<vmem>>
      %dma_wait3A_367 = tpu.memref_slice %arg3[%add3A_337] : memref<4194304xf32, #tpu.memory_space<hbm>> -> memref<8192xf32, #tpu.memory_space<hbm>>
      %dma_wait3A_368 = tpu.memref_slice %arg3[%add3A_337] : memref<4194304xf32, #tpu.memory_space<hbm>> -> memref<8192xf32, #tpu.memory_space<hbm>>
      %dma_wait3A_369 = arith.constant 0 : i32
      %dma_wait3A_370 = tpu.memref_slice %arg5[%run_scoped3A_338, %dma_wait3A_369] : memref<4x8192xf32, #tpu.memory_space<vmem>> -> memref<1x8192xf32, #tpu.memory_space<vmem>>
      %dma_wait3A_371 = tpu.memref_squeeze %dma_wait3A_370 : memref<1x8192xf32, #tpu.memory_space<vmem>> -> memref<8192xf32, #tpu.memory_space<vmem>>
      tpu.wait_dma2 semaphore(%run_scoped3A_357 : memref<!tpu.dma_semaphore, #tpu.memory_space<semaphore_mem>>) src(%dma_wait3A_371 : memref<8192xf32, #tpu.memory_space<vmem>>) dst(%dma_wait3A_368 : memref<8192xf32, #tpu.memory_space<hbm>>)
      tpu.yield
    }) : () -> ()
    %mul3A_339 = arith.constant 4 : i32
    %mul3A_340 = arith.muli %add3A, %mul3A_339 : i32
    %add3A_341 = arith.constant 2 : i32
    %add3A_342 = arith.addi %mul3A_340, %add3A_341 : i32
    %mul3A_343 = arith.constant 32768 : i32
    %mul3A_344 = arith.muli %add3A_342, %mul3A_343 : i32
    %add3A_345 = arith.constant 24576 : i32
    %add3A_346 = arith.addi %mul3A_344, %add3A_345 : i32
    %run_scoped3A_347 = arith.constant 2 : i32
    "tpu.region"() ({
      %run_scoped3A_357 = tpu.sem_alloc : memref<!tpu.dma_semaphore, #tpu.memory_space<semaphore_mem>>
      %dma_start3A = arith.constant 0 : i32
      %dma_start3A_358 = tpu.memref_slice %arg5[%run_scoped3A_347, %dma_start3A] : memref<4x8192xf32, #tpu.memory_space<vmem>> -> memref<1x8192xf32, #tpu.memory_space<vmem>>
      %dma_start3A_359 = tpu.memref_squeeze %dma_start3A_358 : memref<1x8192xf32, #tpu.memory_space<vmem>> -> memref<8192xf32, #tpu.memory_space<vmem>>
      %dma_start3A_360 = tpu.memref_slice %arg3[%add3A_346] : memref<4194304xf32, #tpu.memory_space<hbm>> -> memref<8192xf32, #tpu.memory_space<hbm>>
      %dma_start3A_361 = tpu.memref_slice %arg3[%add3A_346] : memref<4194304xf32, #tpu.memory_space<hbm>> -> memref<8192xf32, #tpu.memory_space<hbm>>
      %dma_start3A_362 = arith.constant 0 : i32
      %dma_start3A_363 = tpu.memref_slice %arg5[%run_scoped3A_347, %dma_start3A_362] : memref<4x8192xf32, #tpu.memory_space<vmem>> -> memref<1x8192xf32, #tpu.memory_space<vmem>>
      %dma_start3A_364 = tpu.memref_squeeze %dma_start3A_363 : memref<1x8192xf32, #tpu.memory_space<vmem>> -> memref<8192xf32, #tpu.memory_space<vmem>>
      tpu.enqueue_dma source(%dma_start3A_364 : memref<8192xf32, #tpu.memory_space<vmem>>) target(%dma_start3A_361 : memref<8192xf32, #tpu.memory_space<hbm>>) target_semaphore(%run_scoped3A_357 : memref<!tpu.dma_semaphore, #tpu.memory_space<semaphore_mem>>)
      %dma_wait3A = arith.constant 0 : i32
      %dma_wait3A_365 = tpu.memref_slice %arg5[%run_scoped3A_347, %dma_wait3A] : memref<4x8192xf32, #tpu.memory_space<vmem>> -> memref<1x8192xf32, #tpu.memory_space<vmem>>
      %dma_wait3A_366 = tpu.memref_squeeze %dma_wait3A_365 : memref<1x8192xf32, #tpu.memory_space<vmem>> -> memref<8192xf32, #tpu.memory_space<vmem>>
      %dma_wait3A_367 = tpu.memref_slice %arg3[%add3A_346] : memref<4194304xf32, #tpu.memory_space<hbm>> -> memref<8192xf32, #tpu.memory_space<hbm>>
      %dma_wait3A_368 = tpu.memref_slice %arg3[%add3A_346] : memref<4194304xf32, #tpu.memory_space<hbm>> -> memref<8192xf32, #tpu.memory_space<hbm>>
      %dma_wait3A_369 = arith.constant 0 : i32
      %dma_wait3A_370 = tpu.memref_slice %arg5[%run_scoped3A_347, %dma_wait3A_369] : memref<4x8192xf32, #tpu.memory_space<vmem>> -> memref<1x8192xf32, #tpu.memory_space<vmem>>
      %dma_wait3A_371 = tpu.memref_squeeze %dma_wait3A_370 : memref<1x8192xf32, #tpu.memory_space<vmem>> -> memref<8192xf32, #tpu.memory_space<vmem>>
      tpu.wait_dma2 semaphore(%run_scoped3A_357 : memref<!tpu.dma_semaphore, #tpu.memory_space<semaphore_mem>>) src(%dma_wait3A_371 : memref<8192xf32, #tpu.memory_space<vmem>>) dst(%dma_wait3A_368 : memref<8192xf32, #tpu.memory_space<hbm>>)
      tpu.yield
    }) : () -> ()
    %mul3A_348 = arith.constant 4 : i32
    %mul3A_349 = arith.muli %add3A, %mul3A_348 : i32
    %add3A_350 = arith.constant 3 : i32
    %add3A_351 = arith.addi %mul3A_349, %add3A_350 : i32
    %mul3A_352 = arith.constant 32768 : i32
    %mul3A_353 = arith.muli %add3A_351, %mul3A_352 : i32
    %add3A_354 = arith.constant 24576 : i32
    %add3A_355 = arith.addi %mul3A_353, %add3A_354 : i32
    %run_scoped3A_356 = arith.constant 3 : i32
    "tpu.region"() ({
      %run_scoped3A_357 = tpu.sem_alloc : memref<!tpu.dma_semaphore, #tpu.memory_space<semaphore_mem>>
      %dma_start3A = arith.constant 0 : i32
      %dma_start3A_358 = tpu.memref_slice %arg5[%run_scoped3A_356, %dma_start3A] : memref<4x8192xf32, #tpu.memory_space<vmem>> -> memref<1x8192xf32, #tpu.memory_space<vmem>>
      %dma_start3A_359 = tpu.memref_squeeze %dma_start3A_358 : memref<1x8192xf32, #tpu.memory_space<vmem>> -> memref<8192xf32, #tpu.memory_space<vmem>>
      %dma_start3A_360 = tpu.memref_slice %arg3[%add3A_355] : memref<4194304xf32, #tpu.memory_space<hbm>> -> memref<8192xf32, #tpu.memory_space<hbm>>
      %dma_start3A_361 = tpu.memref_slice %arg3[%add3A_355] : memref<4194304xf32, #tpu.memory_space<hbm>> -> memref<8192xf32, #tpu.memory_space<hbm>>
      %dma_start3A_362 = arith.constant 0 : i32
      %dma_start3A_363 = tpu.memref_slice %arg5[%run_scoped3A_356, %dma_start3A_362] : memref<4x8192xf32, #tpu.memory_space<vmem>> -> memref<1x8192xf32, #tpu.memory_space<vmem>>
      %dma_start3A_364 = tpu.memref_squeeze %dma_start3A_363 : memref<1x8192xf32, #tpu.memory_space<vmem>> -> memref<8192xf32, #tpu.memory_space<vmem>>
      tpu.enqueue_dma source(%dma_start3A_364 : memref<8192xf32, #tpu.memory_space<vmem>>) target(%dma_start3A_361 : memref<8192xf32, #tpu.memory_space<hbm>>) target_semaphore(%run_scoped3A_357 : memref<!tpu.dma_semaphore, #tpu.memory_space<semaphore_mem>>)
      %dma_wait3A = arith.constant 0 : i32
      %dma_wait3A_365 = tpu.memref_slice %arg5[%run_scoped3A_356, %dma_wait3A] : memref<4x8192xf32, #tpu.memory_space<vmem>> -> memref<1x8192xf32, #tpu.memory_space<vmem>>
      %dma_wait3A_366 = tpu.memref_squeeze %dma_wait3A_365 : memref<1x8192xf32, #tpu.memory_space<vmem>> -> memref<8192xf32, #tpu.memory_space<vmem>>
      %dma_wait3A_367 = tpu.memref_slice %arg3[%add3A_355] : memref<4194304xf32, #tpu.memory_space<hbm>> -> memref<8192xf32, #tpu.memory_space<hbm>>
      %dma_wait3A_368 = tpu.memref_slice %arg3[%add3A_355] : memref<4194304xf32, #tpu.memory_space<hbm>> -> memref<8192xf32, #tpu.memory_space<hbm>>
      %dma_wait3A_369 = arith.constant 0 : i32
      %dma_wait3A_370 = tpu.memref_slice %arg5[%run_scoped3A_356, %dma_wait3A_369] : memref<4x8192xf32, #tpu.memory_space<vmem>> -> memref<1x8192xf32, #tpu.memory_space<vmem>>
      %dma_wait3A_371 = tpu.memref_squeeze %dma_wait3A_370 : memref<1x8192xf32, #tpu.memory_space<vmem>> -> memref<8192xf32, #tpu.memory_space<vmem>>
      tpu.wait_dma2 semaphore(%run_scoped3A_357 : memref<!tpu.dma_semaphore, #tpu.memory_space<semaphore_mem>>) src(%dma_wait3A_371 : memref<8192xf32, #tpu.memory_space<vmem>>) dst(%dma_wait3A_368 : memref<8192xf32, #tpu.memory_space<hbm>>)
      tpu.yield
    }) : () -> ()
    return
  }
}

</mosaic_0001>

<sc_bundles>
// kernel: kernel.3.cloned.1.call-start
scs
__scs_entry_jumppad:
0x0: {  	(pc) =	sbr.rel $0x88, $3  }
0x1: {  	(tag) =	ssettag $0x0;
	lr =	simm.s32 $0x1  }
0x2: {  	[smem:$0x3FA0] =	sst lr;
	_ =	strace $0xD0000000  }
0x3: {  	_ = 	snop  }
0x4: {  	_ = 	snop  }
0x5: {  	_ = 	snop  }
0x6: {  	_ = 	snop  }
0x7: {  	_ = 	snop  }
__scs_overlays_trampoline_lowered:
0x8: {  	[smem:$0x3FAF] =	sst s0  }
0x9: {  	[smem:$0x3FB0] =	sst s1  }
0xa: {  	[smem:$0x3FB1] =	sst s2  }
0xb: {  	[smem:$0x3FB2] =	sst s3  }
0xc: {  	[smem:$0x3FB3] =	sst s4  }
0xd: {  	[smem:$0x3FB4] =	sst s5  }
0xe: {  	[smem:$0x3FB5] =	sst s6  }
0xf: {  	[smem:$0x3FB6] =	sst s7  }
0x10: {  	[smem:$0x3FB7] =	sst s8  }
0x11: {  	[smem:$0x3FB8] =	sst s9;
	s0 =	simm.s32 @!p0 $0x0  }
0x12: {  	s1 =	sld [smem:$0x3F9E];
	s0 =	simm.s32 @p0 $0x1  }
0x13: {  	[smem:$0x3FB9] =	sst s0;
	s0 =	simm.s32 @!p1 $0x0  }
0x14: {  	s2 =	sld [smem:$0x3F9D];
	s0 =	simm.s32 @p1 $0x1  }
0x15: {  	[smem:$0x3FBA] =	sst s0;
	s0 =	simm.s32 @!p2 $0x0  }
0x16: {  	s3 =	sld [smem:$0x3FDB];
	s0 =	simm.s32 @p2 $0x1  }
0x17: {  	s4 =	simm.s32 $0x1BF5;
	[smem:$0x3FBC] =	sst s0  }
0x18: {  	s0 =	sld [smem:$0x3F9F];
	_ =	swait.ge [sflag:s4], $0x0  }
0x19: {  	s7 =	sld [smem:$0x3FA0]  }
0x1a: {  	s8 =	sadd.s32 $0xFFFFE003, lr  }
0x1b: {  	s9 =	sadd.s32 $0xFFFFFEF7, lr;
	s5 =	simm.s32 $0xFFFFFFFF;
	p2 =	slt.u32 s8, $0xFFFFF086  }
0x1c: {  	p1 =	slt.u32 s9, $0xF7A;
	s5 =	simm.s32 @!p2 $0x0  }
0x1d: {  	s5 =	simm.s32 @p1 $0x1;
	p0 =	seq.s32 s7, s2  }
0x1e: {  	s7 =	smul.u32 @!p0 $0xF7A, s2;
	p2 =	seq.s32 @!p0 s5, $0x0  }
0x1f: {  	s9 =	smul.u32 $0xF7A, s1;
	s8 =	simm.s32 @!p0 $0x1BF5;
	p2 =	por !p2, p0  }
0x20: {  	[sflag:s8] =	ssyncset.s32 @!p0 $0xFFFFF086;
	s6 =	sadd.s32 @!p0 s3, s7;
	s7 =	simm.s32 @!p0 $0x108  }
0x21: {  	s3 =	sadd.s32 s3, s9;
	s6 =	sadd.s32 @!p0 $0x88, s6;
	s7 =	simm.s32 @p2 $0x1082  }
0x22: {  	[simem:s7], [sflag:s8] =	dma.local @!p0 [hbm:s6], $0xF7A  }
0x23: {  	s9 =	sor.u32 $0xD0000000, s2;
	s6 =	simm.s32 $0x108;
	_ =	swait.ge @!p0 [sflag:s8], $0x0  }
0x24: {  	s3 =	sadd.s32 $0x88, s3;
	s6 =	simm.s32 @!p1 $0x1082;
	[sflag:s4] =	ssyncset.s32 $0xFFFFF086  }
0x25: {  	[simem:s6], [sflag:s4] =	dma.local [hbm:s3], $0xF7A  }
0x26: {  	[smem:$0x3FA0] =	sst s1;
	(tag) =	ssettag s2;
	_ =	strace s9  }
0x27: {  	s1 =	sld [smem:$0x3FB0]  }
0x28: {  	s2 =	sld [smem:$0x3FB1]  }
0x29: {  	s4 =	sld [smem:$0x3FB3]  }
0x2a: {  	p0 =	seq.s32 s5, $0x0;
	s5 =	sld [smem:$0x3FB4]  }
0x2b: {  	s6 =	sld [smem:$0x3FB5]  }
0x2c: {  	s7 =	sld [smem:$0x3FB6]  }
0x2d: {  	s3 =	simm.s32 $0x108;
	s8 =	sld [smem:$0x3FB7]  }
0x2e: {  	s3 =	simm.s32 @!p0 $0x1082;
	s9 =	sld [smem:$0x3FB8]  }
0x2f: {  	lr =	sadd.s32 s0, s3;
	s0 =	sld [smem:$0x3FAF]  }
0x30: {  	s3 =	sld [smem:$0x3FB2]  }
0x31: {  	[smem:$0x3FBB] =	sst s10  }
0x32: {  	s10 =	sld [smem:$0x3FB9];
	_ =	sdelay $0x3  }
0x33: {  	p0 =	seq.s32 s10, $0x1;
	s10 =	sld [smem:$0x3FBB];
	_ =	sdelay $0x3  }
0x34: {  	[smem:$0x3FBB] =	sst s10  }
0x35: {  	s10 =	sld [smem:$0x3FBA];
	_ =	sdelay $0x3  }
0x36: {  	p1 =	seq.s32 s10, $0x1;
	s10 =	sld [smem:$0x3FBB];
	_ =	sdelay $0x3  }
0x37: {  	[smem:$0x3FBB] =	sst s10  }
0x38: {  	s10 =	sld [smem:$0x3FBC]  }
0x39: {  	_ = 	snop;
	(pc) =	sbr.ind lr, $3  }
0x3a: {  	_ = 	snop  }
0x3b: {  	_ = 	snop  }
0x3c: {  	p2 =	seq.s32 s10, $0x1;
	s10 =	sld [smem:$0x3FBB]  }
0x3d: {  	_ =	shalt  }
0x3e: {  	_ =	shalt  }
0x3f: {  	_ =	shalt  }
0x40: {  	_ =	shalt  }
0x41: {  	_ =	shalt  }
0x42: {  	_ =	shalt  }
0x43: {  	_ =	shalt  }
0x44: {  	_ =	shalt  }
0x45: {  	_ =	shalt  }
0x46: {  	_ =	shalt  }
0x47: {  	_ =	shalt  }
0x48: {  	_ =	shalt  }
0x49: {  	_ =	shalt  }
0x4a: {  	_ =	shalt  }
0x4b: {  	_ =	shalt  }
0x4c: {  	_ =	shalt  }
0x4d: {  	_ =	shalt  }
0x4e: {  	_ =	shalt  }
0x4f: {  	_ =	shalt  }
0x50: {  	_ =	shalt  }
0x51: {  	_ =	shalt  }
0x52: {  	_ =	shalt  }
0x53: {  	_ =	shalt  }
0x54: {  	_ =	shalt  }
0x55: {  	_ =	shalt  }
0x56: {  	_ =	shalt  }
0x57: {  	_ =	shalt  }
0x58: {  	_ =	shalt  }
0x59: {  	_ =	shalt  }
0x5a: {  	_ =	shalt  }
0x5b: {  	_ =	shalt  }
0x5c: {  	_ =	shalt  }
0x5d: {  	_ =	shalt  }
0x5e: {  	_ =	shalt  }
0x5f: {  	_ =	shalt  }
0x60: {  	_ =	shalt  }
0x61: {  	_ =	shalt  }
0x62: {  	_ =	shalt  }
0x63: {  	_ =	shalt  }
0x64: {  	_ =	shalt  }
0x65: {  	_ =	shalt  }
0x66: {  	_ =	shalt  }
0x67: {  	_ =	shalt  }
0x68: {  	_ =	shalt  }
0x69: {  	_ =	shalt  }
0x6a: {  	_ =	shalt  }
0x6b: {  	_ =	shalt  }
0x6c: {  	_ =	shalt  }
0x6d: {  	_ =	shalt  }
0x6e: {  	_ =	shalt  }
0x6f: {  	_ =	shalt  }
0x70: {  	_ =	shalt  }
0x71: {  	_ =	shalt  }
0x72: {  	_ =	shalt  }
0x73: {  	_ =	shalt  }
0x74: {  	_ =	shalt  }
0x75: {  	_ =	shalt  }
0x76: {  	_ =	shalt  }
0x77: {  	_ =	shalt  }
0x78: {  	_ =	shalt  }
0x79: {  	_ =	shalt  }
0x7a: {  	_ =	shalt  }
0x7b: {  	_ =	shalt  }
0x7c: {  	_ =	shalt  }
0x7d: {  	_ =	shalt  }
0x7e: {  	_ =	shalt  }
0x7f: {  	_ =	shalt  }
0x80: {  	_ =	shalt  }
0x81: {  	_ =	shalt  }
0x82: {  	_ =	shalt  }
0x83: {  	_ =	shalt  }
0x84: {  	_ =	shalt  }
0x85: {  	_ =	shalt  }
0x86: {  	_ =	shalt  }
0x87: {  	_ =	shalt  }
.Lfunc_end0:
.L_simem_size_0:
called_computation_lowered:
.L_overlay_start_0:
0x88: {  	s2 =	sld [smem:$0x3FD9]  }
0x89: {  	s3 =	sld [smem:$0x3FFE];
	_ =	sdelay $0x1  }
0x8a: {  	s1 =	srdreg.scid  }
0x8b: {  	s0 =	sand.u32 $0x1, s1  }
0x8c: {  	s17 =	sshll.u32 s0, $0xA;
	s2 =	sadd.s32 s3, s2  }
0x8d: {  	s2 =	sadd.s32 s2, s17  }
0x8e: {  	[smem:$0x3FC7] =	sst s2  }
0x8f: {  	_ = 	snop  }
0x90: {  	s2 =	sld [smem:$0x3FD0];
	(tm) =	ssettm $0x1  }
0x91: {  	s18 =	sld [smem:$0x3FFB];
	_ =	sdelay $0x3  }
0x92: {  	_ =	strace s18  }
0x93: {  	s3 =	sld [smem:$0x3FFC];
	_ =	sdelay $0x3  }
0x94: {  	_ =	strace s3  }
0x95: {  	s3 =	sld [smem:$0x3FFD];
	_ =	sdelay $0x3  }
0x96: {  	_ =	strace s3  }
0x97: {  	_ =	strace $0x8FFFFFFF  }
0x98: {  	s19 =	sld [smem:$0x3FDB];
	_ =	sdelay $0x1  }
0x99: {  	s4 =	simm.s32 $_scs_section_size  }
0x9a: {  	s5 =	simm.s32 $_size__tile_overlayer_lowered;
	s6 =	simm.s32 $_tile_overlayer_lowered  }
0x9b: {  	s22 =	simm.s32 $0x1BFF;
	s21 =	sshll.u32 s6, $0x1;
	s3 =	sadd.s32 s4, s19  }
0x9c: {  	s7 =	simm.s32 $0x0;
	s20 =	sshll.u32 s5, $0x1;
	s5 =	sadd.s32 s21, s3  }
0x9d: {  	[timem:s7], [sflag:s22] =	dma.local [hbm:s5], s20  }
0x9e: {  	_ =	swait.ge [sflag:s22], s20  }
0x9f: {  	s4 =	ssub.s32 $0x0, s20;
	[sflag:s22] =	ssyncset.done $0x0  }
0xa0: {  	[sflag:s22] =	ssyncadd.s32 s4;
	_ =	sdelay $0x1  }
0xa1: {  	s23 =	simm.s32 $0x1B8B  }
0xa2: {  	_ =	swait.ge [sflag:s23], $0x1  }
0xa3: {  	[sflag:s23] =	ssyncset.done $0x0  }
0xa4: {  	s25 =	simm.s32 $0x1B8E;
	s24 =	sld [smem:$0x3FFE];
	[sflag:s23] =	ssyncadd.s32 $0xFFFFFFFF  }
0xa5: {  	s26 =	simm.s32 $execute0_lowered;
	[smem:$0x3FD2] =	sst s25  }
0xa6: {  	s5 =	sshll.u32 s26, $0x1;
	_ =	strace $0x80000046;
	[dreg:$0x1] =	wrdreg $0xFFFFFFFF  }
0xa7: {  	s28 =	simm.s32 $_size_execute0_lowered;
	s3 =	sadd.s32 s3, s5;
	[dreg:$0x0] =	wrdreg $0x0  }
0xa8: {  	s5 =	sshll.u32 s28, $0x1;
	[dreg:$0x2] =	wrdreg s3  }
0xa9: {  	[dreg:$0x3] =	wrdreg s5  }
0xaa: {  	[dreg:$0x4] =	wrdreg $0xC0  }
0xab: {  	_ =	task [dreg:s7], $0x5FFFF  }
0xac: {  	[dreg:$0x1] =	wrdreg $0xFFFFFFFF  }
0xad: {  	[dreg:$0x0] =	wrdreg $0x60  }
0xae: {  	[dreg:$0x2] =	wrdreg s2  }
0xaf: {  	[dreg:$0x3] =	wrdreg s24  }
0xb0: {  	[dreg:$0x4] =	wrdreg $0x9  }
0xb1: {  	_ =	task.clear_ibuf [dreg:s7], $0x5FFFF;
	_ =	strace $0x90000046  }
0xb2: {  	s29 =	simm.s32 $0x9;
	_ =	strace $0x80000048  }
0xb3: {  	_ =	swait.ge [sflag:s29], $0x1  }
0xb4: {  	[sflag:s29] =	ssyncadd.s32 $0xFFFFFFFF  }
0xb5: {  	_ =	strace $0x90000048  }
0xb6: {  	_ =	sfence  }
0xb7: {  	s30 =	sld [smem:$0x0];
	_ =	sdelay $0x2  }
0xb8: {  	s31 =	sshll.u32 s1, $0xD;
	s1 =	sshrl.u32 s1, $0x2  }
0xb9: {  	s3 =	sand.u32 $0x4000, s31;
	s1 =	sadd.s32 s1, s30  }
0xba: {  	s0 =	sor.u32 s3, s0;
	s1 =	sshll.u32 s1, $0x11  }
0xbb: {  	s0 =	sor.u32 s1, s0  }
0xbc: {  	s0 =	sadd.s32 $0x8F2B, s0  }
0xbd: {  	[sflag:s0] =	ssyncadd.remote.s32 $0x1  }
0xbe: {  	_ =	sfence.sel $0xFFFF  }
0xbf: {  	[dreg:$0x0] =	wrdreg $0xFFFFFFFF;
	(pc) =	sbr.abs _section_cstart, $3  }
0xc0: {  	[dreg:$0x1] =	wrdreg $0xFFFFFFFF  }
0xc1: {  	_ =	task.clear_ibuf [dreg:s7], $0x2FFFF;
	_ =	strace $0x9FFFFFFF  }
0xc2: {  	(tm) =	ssettm $0x7FFFFFFF  }
0xc3: {  	_ =	shalt  }
tec
execute0_lowered:
.L_overlay_start_1:
0x0: {  	(tag) =	ssettag $0x1  }
0x1: {  	s0 =	rddreg [dreg:$0x0];
	s2 =	srdreg.scid  }
0x2: {  	s3 =	rddreg [dreg:$0x1];
	s5 =	stileid.u32;
	s2 =	sand.u32 $0x1, s2  }
0x3: {  	s1 =	simm.s32 $0x0;
	s5 =	sshll.u32 s5, $0xF;
	s4 =	ssub.s32 $0x2, s2  }
0x4: {  	[smem:$0x7FF] =	sst s1;
	s2 =	sshll.u32 s2, $0xE;
	s6 =	sshrl.u32 s4, $0x1  }
0x5: {  	s3 =	sadd.s32 $0x400, s3;
	s2 =	sor.u32 s2, s5;
	s4 =	ssub.s32 s4, s6  }
0x6: {  	s5 =	sor.u32 $0x1000, s2;
	s13 =	sor.u32 $0x2000, s2;
	s7 =	sor.u32 $0x3000, s2  }
0x7: {  	s16 =	sor.u32 $0x400, s2;
	s18 =	sor.u32 $0x1400, s2;
	s19 =	sor.u32 $0x2400, s2  }
0x8: {  	s22 =	sor.u32 $0x3400, s2;
	s23 =	sor.u32 $0x800, s2;
	s24 =	sor.u32 $0x1800, s2  }
0x9: {  	s25 =	sor.u32 $0x2800, s2;
	s26 =	sor.u32 $0x3800, s2;
	s6 =	sor.u32 $0x1C00, s2  }
0xa: {  	s9 =	sadd.s32 s0, s5;
	s10 =	sadd.s32 s0, s13;
	s8 =	sadd.s32 s0, s7  }
0xb: {  	s5 =	sadd.s32 s3, s5;
	s14 =	sadd.s32 s3, s13;
	[dreg:$0x5] =	wrdreg s8  }
0xc: {  	s15 =	sadd.s32 s3, s7;
	s17 =	sadd.s32 s0, s16;
	[dreg:$0x6] =	wrdreg s5  }
0xd: {  	v0 =	vimm.s32 $0x65432100;
	v1 =	vimm.s32 $0xEDCBA987;
	s20 =	sadd.s32 s0, s18;
	s21 =	sadd.s32 s0, s19;
	[dreg:$0x7] =	wrdreg s14  }
0xe: {  	v2 =	vimm.s32 $0x54321000;
	v3 =	vimm.s32 $0xDCBA9876;
	v4 =	vimm.s32 $0xBA987654;
	s11 =	sadd.s32 s0, s22;
	s12 =	sadd.s32 s3, s16;
	[dreg:$0x8] =	wrdreg s15  }
0xf: {  	v5 =	vimm.s32 $0x32100000;
	v6 =	vimm.s32 $0xE40000;
	v0 =	vunpack.c.l.s4.s8 v0;
	s13 =	sadd.s32 s3, s18;
	s16 =	sadd.s32 s0, s23;
	[dreg:$0x9] =	wrdreg s17  }
0x10: {  	v1 =	vunpack.c.l.s4.s8 v1;
	v2 =	vunpack.c.l.s4.s8 v2;
	v3 =	vunpack.c.l.s4.s8 v3;
	s18 =	sadd.s32 s0, s25;
	s7 =	sor.u32 $0x2C00, s2;
	[dreg:$0xa] =	wrdreg s20  }
0x11: {  	v4 =	vunpack.c.l.s4.s8 v4;
	v5 =	vunpack.c.l.s4.s8 v5;
	v6 =	vunpack.c.l.s2.s4 v6;
	s28 =	sadd.s32 s0, s6;
	s4 =	smax.u32 s4, $0x1;
	[dreg:$0xb] =	wrdreg s21  }
0x12: {  	v0 =	vunpack.c.0.s8.s32 v0;
	v1 =	vunpack.c.0.s8.s32 v1;
	v3 =	vunpack.c.0.s8.s32 v3;
	s14 =	sadd.s32 s3, s19;
	s15 =	sadd.s32 s3, s22;
	s17 =	sadd.s32 s0, s24  }
0x13: {  	v2 =	vunpack.c.0.s8.s32 v2;
	v4 =	vunpack.c.0.s8.s32 v4;
	v5 =	vunpack.c.0.s8.s32 v5;
	s19 =	sadd.s32 s3, s23;
	s20 =	sadd.s32 s3, s24;
	s21 =	sadd.s32 s3, s25  }
0x14: {  	v6 =	vunpack.c.l.s4.s8 v6;
	v1 =	vand.u32 $0xF, v1;
	v3 =	vand.u32 $0xF, v3;
	s22 =	sadd.s32 s0, s26;
	s23 =	sadd.s32 s3, s26;
	s24 =	sadd.s32 s0, s2  }
0x15: {  	s25 =	sadd.s32 s3, s2;
	s5 =	sor.u32 $0xC00, s2;
	v0 =	vcombine.low v0, v1;
	s8 =	sor.u32 $0x3C00, s2;
	v1 =	vcombine.low v2, v3;
	v2 =	vand.u32 $0xF, v4  }
0x16: {  	s29 =	sadd.s32 s0, s7;
	v4 =	vimm.s32 $0x7060504;
	s2 =	sadd.s32 s3, s7;
	s26 =	sadd.s32 s0, s5;
	v2 =	vcombine.low v5, v2;
	v5 =	vunpack.c.0.s8.s32 v6  }
0x17: {  	vm0 =	vmmov $0x3;
	vm1 =	vmmov $0xf;
	s30 =	sadd.s32 s0, s8;
	v4 =	vunpack.c.0.s8.s32 v4;
	_ =	strace $0x80000047;
	[dreg:$0xc] =	wrdreg s4  }
0x18: {  	vm2 =	vcmask $0x3F30;
	v3 =	vlaneseq.u32;
	s31 =	sadd.s32 s3, s5;
	s0 =	sadd.s32 s3, s6;
	[dreg:$0x3] =	wrdreg s9;
	v5 =	vand.u32 $0x3, v5  }
0x19: {  	s3 =	sadd.s32 s3, s8;
	s6 =	simm.s32 $0x0;
	[dreg:$0x4] =	wrdreg s10;
	v4 =	vsel vm2, v4, v5;
	vm2 =	vmmov $0xff;
	v5 =	vimm.s32 $0xF  }
.LBB2_1:
0x1a: {  	[dreg:$0xd] =	wrdreg s6;
	s4 =	simm.s32 $0x10  }
0x1b: {  	s7 =	sadd.s32 $0x0, s24;
	s5 =	simm.s32 $0x200;
	s6 =	simm.s32 $0x0  }
.LBB2_2:
0x1c: {  	[tilespmem:s6], [sflag:$0x1] =	stream.linear.gather [hbm4b:s7+s1], $0x80, $0x38;
	[tilespmem:$0x10000] =	vst v63  }
0x1d: {  	s7 =	smov.u32 s4;
	s6 =	smov.u32 s5;
	p0 =	sne.s32 s4, $0x3F0  }
.Ltmp0:
0x1e: {  	s4 =	sadd.s32 $0x10, s4;
	(pc) =	sbr.rel @p0 .LBB2_2-.Ltmp0, $2  }
0x1f: {  	_ =	sdelay $0x2  }
0x20: {  	s5 =	sadd.s32 $0x200, s5;
	s7 =	sadd.s32 s7, s24  }
0x21: {  	[tilespmem:s6], [sflag:$0x1] =	stream.linear.gather [hbm4b:s7+s1], $0x80, $0x38;
	[tilespmem:$0x10000] =	vst v63  }
0x22: {  	s4 =	simm.s32 $0x1  }
0x23: {  	s5 =	simm.s32 $0x10;
	_ =	swait.ge [sflag:s4], $0x2000  }
0x24: {  	s7 =	sadd.s32 $0x0, s9;
	s6 =	simm.s32 $0x280;
	[sflag:s4] =	ssyncset.done $0x0  }
0x25: {  	s8 =	rddreg [dreg:$0x5];
	[sflag:s4] =	ssyncadd.s32 $0xFFFFE000;
	s4 =	simm.s32 $0x80  }
.LBB2_4:
0x26: {  	[tilespmem:s4], [sflag:$0x1] =	stream.linear.gather [hbm4b:s7+s1], $0x80, $0x38;
	[tilespmem:$0x10000] =	vst v63  }
0x27: {  	s7 =	smov.u32 s5;
	s4 =	smov.u32 s6;
	p0 =	sne.s32 s5, $0x3F0  }
.Ltmp1:
0x28: {  	s5 =	sadd.s32 $0x10, s5;
	(pc) =	sbr.rel @p0 .LBB2_4-.Ltmp1, $2  }
0x29: {  	_ =	sdelay $0x2  }
0x2a: {  	s6 =	sadd.s32 $0x200, s6;
	s7 =	sadd.s32 s7, s9  }
0x2b: {  	[tilespmem:s4], [sflag:$0x1] =	stream.linear.gather [hbm4b:s7+s1], $0x80, $0x38;
	[tilespmem:$0x10000] =	vst v63  }
0x2c: {  	s9 =	simm.s32 $0x1  }
0x2d: {  	_ =	swait.ge [sflag:s9], $0x2000  }
0x2e: {  	s4 =	simm.s32 $0x100;
	s5 =	simm.s32 $0x10;
	[sflag:s9] =	ssyncset.done $0x0  }
0x2f: {  	s7 =	sadd.s32 $0x0, s10;
	s6 =	simm.s32 $0x300;
	[sflag:s9] =	ssyncadd.s32 $0xFFFFE000  }
.LBB2_6:
0x30: {  	[tilespmem:s4], [sflag:$0x1] =	stream.linear.gather [hbm4b:s7+s1], $0x80, $0x38;
	[tilespmem:$0x10000] =	vst v63  }
0x31: {  	s7 =	smov.u32 s5;
	s4 =	smov.u32 s6;
	p0 =	sne.s32 s5, $0x3F0  }
.Ltmp2:
0x32: {  	s5 =	sadd.s32 $0x10, s5;
	(pc) =	sbr.rel @p0 .LBB2_6-.Ltmp2, $2  }
0x33: {  	_ =	sdelay $0x2  }
0x34: {  	s6 =	sadd.s32 $0x200, s6;
	s7 =	sadd.s32 s7, s10  }
0x35: {  	[tilespmem:s4], [sflag:$0x1] =	stream.linear.gather [hbm4b:s7+s1], $0x80, $0x38;
	[tilespmem:$0x10000] =	vst v63  }
0x36: {  	s9 =	simm.s32 $0x1  }
0x37: {  	_ =	swait.ge [sflag:s9], $0x2000  }
0x38: {  	s4 =	simm.s32 $0x180;
	s5 =	simm.s32 $0x10;
	[sflag:s9] =	ssyncset.done $0x0  }
0x39: {  	s7 =	sadd.s32 $0x0, s8;
	s6 =	simm.s32 $0x380;
	[sflag:s9] =	ssyncadd.s32 $0xFFFFE000  }
.LBB2_8:
0x3a: {  	[tilespmem:s4], [sflag:$0x1] =	stream.linear.gather [hbm4b:s7+s1], $0x80, $0x38;
	[tilespmem:$0x10000] =	vst v63  }
0x3b: {  	s7 =	smov.u32 s5;
	s4 =	smov.u32 s6;
	p0 =	sne.s32 s5, $0x3F0  }
.Ltmp3:
0x3c: {  	s5 =	sadd.s32 $0x10, s5;
	(pc) =	sbr.rel @p0 .LBB2_8-.Ltmp3, $2  }
0x3d: {  	_ =	sdelay $0x2  }
0x3e: {  	s6 =	sadd.s32 $0x200, s6;
	s7 =	sadd.s32 s7, s8  }
0x3f: {  	[tilespmem:s4], [sflag:$0x1] =	stream.linear.gather [hbm4b:s7+s1], $0x80, $0x38;
	[tilespmem:$0x10000] =	vst v63  }
0x40: {  	s8 =	simm.s32 $0x0;
	_ =	swait.ge [sflag:s9], $0x2000  }
0x41: {  	s5 =	sand.u32 $0x70, s8;
	s4 =	sand.u32 $0x7E00, s8;
	[sflag:s9] =	ssyncset.done $0x0  }
0x42: {  	s4 =	sor.u32 s5, s4;
	[sflag:s9] =	ssyncadd.s32 $0xFFFFE000  }
0x43: {  	v6 =	vld [tilespmem:s4+$0x80]  }
0x44: {  	v7 =	vld [tilespmem:s4+$0x180]  }
0x45: {  	v8 =	vld [tilespmem:s4+$0x100]  }
0x46: {  	s10 =	simm.s32 $0x10;
	s6 =	simm.s32 $0x40  }
0x47: {  	s6 =	sand.u32 $0x7E00, s6;
	s5 =	sand.u32 $0x70, s10  }
0x48: {  	s5 =	sor.u32 s5, s6;
	v9 =	vld [tilespmem:s4+$0x0];
	v10 =	vperm.xlane v6, v0  }
0x49: {  	vm3 =	veq.s32 v3, $0x0;
	v14 =	vld [tilespmem:s5+$0x180]  }
0x4a: {  	v11 =	vperm.xlane v7, v0;
	v12 =	vperm.xlane v8, v0;
	v10 =	vsel vm3, $0x0, v10  }
0x4b: {  	v6 =	vadd.f32 v10, v6  }
0x4c: {  	v11 =	vsel vm3, $0x0, v11;
	v10 =	vsel vm3, $0x0, v12  }
0x4d: {  	v8 =	vadd.f32 v10, v8;
	v10 =	vperm.xlane v9, v0;
	v12 =	vperm.xlane v6, v1  }
0x4e: {  	v16 =	vld [tilespmem:s5+$0x80];
	v17 =	vperm.xlane v14, v0;
	v7 =	vadd.f32 v11, v7  }
0x4f: {  	v11 =	vperm.xlane v8, v1;
	v10 =	vsel vm3, $0x0, v10;
	v12 =	vsel vm0, $0x0, v12  }
0x50: {  	v13 =	vperm.xlane v7, v1;
	v9 =	vadd.f32 v10, v9;
	v12 =	vadd.f32 v12, v6  }
0x51: {  	v17 =	vsel vm3, $0x0, v17;
	v6 =	vsel vm0, $0x0, v11;
	v11 =	vld [tilespmem:s5+$0x100]  }
0x52: {  	v10 =	vsel vm0, $0x0, v13;
	v15 =	vperm.xlane v9, v1;
	v13 =	vperm.xlane v12, v2  }
0x53: {  	v20 =	vperm.xlane v16, v0;
	v17 =	vadd.f32 v17, v14;
	v7 =	vadd.f32 v10, v7  }
0x54: {  	v8 =	vadd.f32 v6, v8;
	v10 =	vsel vm1, $0x0, v13;
	v13 =	vsel vm0, $0x0, v15  }
0x55: {  	v12 =	vadd.f32 v10, v12;
	v10 =	vperm.xlane v7, v2;
	v9 =	vadd.f32 v13, v9  }
0x56: {  	v6 =	vimm.f32 $0.0e+00;
	v15 =	vperm.xlane v8, v2;
	v18 =	vperm.xlane v11, v0  }
0x57: {  	v19 =	vperm.xlane v12, v4;
	v13 =	vsel vm1, $0x0, v10;
	v21 =	vperm.xlane v9, v2  }
0x58: {  	v10 =	vld [tilespmem:s5+$0x0];
	v13 =	vadd.f32 v13, v7;
	v7 =	vsel vm3, $0x0, v18;
	v18 =	vsel vm3, $0x0, v20  }
0x59: {  	v11 =	vadd.f32 v7, v11;
	v7 =	vsel vm1, $0x0, v15;
	v20 =	vadd.f32 v18, v16  }
0x5a: {  	v14 =	vsel vm1, $0x0, v21;
	v18 =	vsel vm2, $0x0, v19;
	v15 =	vadd.f32 v7, v8  }
0x5b: {  	v7 =	vperm.xlane v13, v4;
	v8 =	vperm.xlane v17, v1;
	v14 =	vadd.f32 v14, v9  }
0x5c: {  	v19 =	vadd.f32 v18, v12;
	v16 =	vperm.xlane v11, v1;
	v22 =	vperm.xlane v20, v1  }
0x5d: {  	v21 =	vperm.xlane v10, v0;
	v8 =	vsel vm0, $0x0, v8;
	v18 =	vsel vm2, $0x0, v7  }
0x5e: {  	v7 =	vimm.f32 $0.0e+00;
	v16 =	vsel vm0, $0x0, v16;
	v9 =	vsel vm0, $0x0, v22  }
0x5f: {  	v12 =	vadd.f32 v8, v17;
	v8 =	vimm.f32 $0.0e+00;
	v21 =	vsel vm3, $0x0, v21  }
0x60: {  	s7 =	simm.s32 $0x20;
	s6 =	simm.s32 $0x80;
	v17 =	vadd.f32 v9, v20;
	v20 =	vperm.xlane v15, v4;
	v9 =	vimm.f32 $0.0e+00  }
.LBB2_10:
0x61: {  	s8 =	smov.u32 s7  }
0x62: {  	s9 =	sand.u32 $0x70, s7;
	s10 =	sand.u32 $0x7E00, s6;
	v21 =	vadd.f32 v21, v10;
	v10 =	vperm.xlane v14, v4;
	v6 =	vadd.f32 v19, v6;
	s8 =	sadd.s32 $0x10, s7  }
0x63: {  	p0 =	sne.s32 s7, $0x1FF0;
	v13 =	vadd.f32 v18, v13;
	s9 =	sor.u32 s9, s10;
	v19 =	vperm.xlane v17, v2;
	v20 =	vsel vm2, $0x0, v20  }
0x64: {  	v22 =	vperm.xlane v21, v1;
	v15 =	vadd.f32 v20, v15;
	v18 =	vld [tilespmem:s9+$0x180];
	[tilespmem:s4+$0x8080] =	vst v6;
	v6 =	vperm.xlane v6, v5  }
0x65: {  	v23 =	vsel vm2, $0x0, v10;
	v9 =	vadd.f32 v13, v9;
	v19 =	vsel vm1, $0x0, v19;
	v20 =	vld [tilespmem:s9+$0x100]  }
0x66: {  	v16 =	vadd.f32 v16, v11;
	v13 =	vsel vm0, $0x0, v22;
	v17 =	vadd.f32 v19, v17;
	v24 =	vld [tilespmem:s9+$0x80]  }
0x67: {  	v11 =	vadd.f32 v23, v14;
	v19 =	vadd.f32 v13, v21;
	v10 =	vld [tilespmem:s9+$0x0];
	[tilespmem:s4+$0x8180] =	vst v9;
	v9 =	vperm.xlane v9, v5  }
0x68: {  	v14 =	vperm.xlane v16, v2;
	v8 =	vadd.f32 v15, v8;
	v13 =	vperm.xlane v12, v2  }
0x69: {  	v7 =	vadd.f32 v11, v7;
	v21 =	vperm.xlane v17, v4;
	v15 =	vperm.xlane v18, v0  }
0x6a: {  	v22 =	vperm.xlane v19, v2;
	v13 =	vsel vm1, $0x0, v13;
	v11 =	vperm.xlane v20, v0;
	[tilespmem:s4+$0x8100] =	vst v8  }
0x6b: {  	v13 =	vadd.f32 v13, v12;
	v23 =	vperm.xlane v24, v0;
	[tilespmem:s4+$0x8000] =	vst v7;
	v7 =	vperm.xlane v7, v5;
	s4 =	smov.u32 s5;
	s5 =	smov.u32 s9  }
0x6c: {  	v8 =	vperm.xlane v8, v5;
	v12 =	vsel vm3, $0x0, v15;
	v11 =	vsel vm3, $0x0, v11  }
0x6d: {  	v14 =	vsel vm1, $0x0, v14;
	v15 =	vsel vm3, $0x0, v23;
	v11 =	vadd.f32 v11, v20  }
0x6e: {  	v12 =	vadd.f32 v12, v18;
	v18 =	vsel vm1, $0x0, v22;
	v20 =	vadd.f32 v15, v24  }
0x6f: {  	v23 =	vperm.xlane v13, v4;
	v15 =	vadd.f32 v14, v16;
	v22 =	vperm.xlane v11, v1  }
.Ltmp4:
0x70: {  	v21 =	vsel vm2, $0x0, v21;
	v14 =	vperm.xlane v12, v1;
	(pc) =	sbr.rel @p0 .LBB2_10-.Ltmp4, $4  }
0x71: {  	v24 =	vperm.xlane v10, v0;
	v25 =	vperm.xlane v20, v1;
	v16 =	vsel vm0, $0x0, v22  }
0x72: {  	v22 =	vsel vm0, $0x0, v14;
	v14 =	vadd.f32 v18, v19;
	v19 =	vadd.f32 v21, v17  }
0x73: {  	v18 =	vsel vm2, $0x0, v23;
	v17 =	vsel vm0, $0x0, v25;
	v12 =	vadd.f32 v22, v12  }
0x74: {  	s6 =	sadd.s32 $0x40, s6;
	s7 =	smov.u32 s8;
	v21 =	vsel vm3, $0x0, v24;
	v17 =	vadd.f32 v17, v20;
	v20 =	vperm.xlane v15, v4  }
0x75: {  	v10 =	vadd.f32 v21, v10  }
0x76: {  	v6 =	vadd.f32 v19, v6;
	v13 =	vadd.f32 v18, v13  }
0x77: {  	v47 =	vperm.xlane v14, v4;
	v11 =	vadd.f32 v16, v11;
	v46 =	vperm.xlane v10, v1  }
0x78: {  	v50 =	vperm.xlane v12, v2;
	v45 =	vperm.xlane v17, v2;
	v20 =	vsel vm2, $0x0, v20  }
0x79: {  	v15 =	vadd.f32 v20, v15;
	v48 =	vperm.xlane v6, v5;
	v18 =	vsel vm0, $0x0, v46  }
0x7a: {  	v49 =	vsel vm2, $0x0, v47;
	v52 =	vperm.xlane v11, v2;
	v10 =	vadd.f32 v18, v10  }
0x7b: {  	v9 =	vadd.f32 v13, v9;
	v19 =	vsel vm1, $0x0, v45;
	v53 =	vadd.f32 v49, v14  }
0x7c: {  	v51 =	vadd.f32 v19, v17;
	v17 =	vsel vm1, $0x0, v52;
	v54 =	vperm.xlane v10, v2  }
0x7d: {  	v55 =	vperm.xlane v9, v5;
	v18 =	vsel vm1, $0x0, v50;
	v11 =	vadd.f32 v17, v11  }
0x7e: {  	v56 =	vadd.f32 v18, v12;
	v57 =	vperm.xlane v51, v4;
	v16 =	vsel vm1, $0x0, v54  }
0x7f: {  	v8 =	vadd.f32 v15, v8;
	v60 =	vperm.xlane v11, v4;
	v10 =	vadd.f32 v16, v10  }
0x80: {  	[tilespmem:s4+$0x8080] =	vst v6;
	v7 =	vadd.f32 v53, v7;
	v58 =	vperm.xlane v56, v4;
	v59 =	vsel vm2, $0x0, v57  }
0x81: {  	[tilespmem:s4+$0x8180] =	vst v9;
	v6 =	vadd.f32 v59, v51;
	v63 =	vsel vm2, $0x0, v60;
	v62 =	vperm.xlane v10, v4  }
0x82: {  	v9 =	vperm.xlane v8, v5;
	[tilespmem:s4+$0x8100] =	vst v8;
	v61 =	vsel vm2, $0x0, v58;
	v8 =	vadd.f32 v63, v11  }
0x83: {  	v12 =	vadd.f32 v61, v56;
	v6 =	vadd.f32 v6, v48;
	v11 =	vsel vm2, $0x0, v62  }
0x84: {  	[tilespmem:s4+$0x8000] =	vst v7;
	v7 =	vperm.xlane v7, v5;
	v8 =	vadd.f32 v8, v9;
	v10 =	vadd.f32 v11, v10  }
0x85: {  	v12 =	vadd.f32 v12, v55;
	[tilespmem:s5+$0x8080] =	vst v6  }
0x86: {  	[tilespmem:s5+$0x8100] =	vst v8;
	v10 =	vadd.f32 v10, v7  }
0x87: {  	s7 =	sadd.s32 $0x0, s25;
	v9 =	vperm.xlane v6, v5;
	v8 =	vperm.xlane v8, v5;
	[tilespmem:s5+$0x8180] =	vst v12  }
0x88: {  	s6 =	simm.s32 $0x8200;
	s4 =	simm.s32 $0x8000;
	v7 =	vperm.xlane v12, v5;
	[tilespmem:s5+$0x8000] =	vst v10;
	v6 =	vperm.xlane v10, v5;
	s5 =	simm.s32 $0x10  }
.LBB2_12:
0x89: {  	[hbm4b:s7+s1] =	stream.linear.scatter [tilespmem:s4], [sflag:$0x1], $0x80, $0x38;
	[tilespmem:$0x10000] =	vst v63  }
0x8a: {  	s7 =	smov.u32 s5;
	s4 =	smov.u32 s6;
	p0 =	sne.s32 s5, $0x3F0  }
.Ltmp5:
0x8b: {  	s5 =	sadd.s32 $0x10, s5;
	(pc) =	sbr.rel @p0 .LBB2_12-.Ltmp5, $2  }
0x8c: {  	_ =	sdelay $0x2  }
0x8d: {  	s6 =	sadd.s32 $0x200, s6;
	s7 =	sadd.s32 s7, s25  }
0x8e: {  	[hbm4b:s7+s1] =	stream.linear.scatter [tilespmem:s4], [sflag:$0x1], $0x80, $0x38;
	[tilespmem:$0x10000] =	vst v63  }
0x8f: {  	s9 =	simm.s32 $0x1  }
0x90: {  	s4 =	simm.s32 $0x8080;
	_ =	swait.ge [sflag:s9], $0x2000  }
0x91: {  	s5 =	simm.s32 $0x10;
	[sflag:s9] =	ssyncset.done $0x0;
	s8 =	rddreg [dreg:$0x6]  }
0x92: {  	s6 =	simm.s32 $0x8280;
	[sflag:s9] =	ssyncadd.s32 $0xFFFFE000;
	s7 =	sadd.s32 $0x0, s8  }
.LBB2_14:
0x93: {  	[hbm4b:s7+s1] =	stream.linear.scatter [tilespmem:s4], [sflag:$0x1], $0x80, $0x38;
	[tilespmem:$0x10000] =	vst v63  }
0x94: {  	s7 =	smov.u32 s5;
	s4 =	smov.u32 s6;
	p0 =	sne.s32 s5, $0x3F0  }
.Ltmp6:
0x95: {  	s5 =	sadd.s32 $0x10, s5;
	(pc) =	sbr.rel @p0 .LBB2_14-.Ltmp6, $2  }
0x96: {  	_ =	sdelay $0x2  }
0x97: {  	s6 =	sadd.s32 $0x200, s6;
	s7 =	sadd.s32 s7, s8  }
0x98: {  	[hbm4b:s7+s1] =	stream.linear.scatter [tilespmem:s4], [sflag:$0x1], $0x80, $0x38;
	[tilespmem:$0x10000] =	vst v63  }
0x99: {  	s4 =	simm.s32 $0x8100;
	_ =	swait.ge [sflag:s9], $0x2000  }
0x9a: {  	s5 =	simm.s32 $0x10;
	[sflag:s9] =	ssyncset.done $0x0;
	s8 =	rddreg [dreg:$0x7]  }
0x9b: {  	s6 =	simm.s32 $0x8300;
	[sflag:s9] =	ssyncadd.s32 $0xFFFFE000;
	s7 =	sadd.s32 $0x0, s8  }
.LBB2_16:
0x9c: {  	[hbm4b:s7+s1] =	stream.linear.scatter [tilespmem:s4], [sflag:$0x1], $0x80, $0x38;
	[tilespmem:$0x10000] =	vst v63  }
0x9d: {  	s7 =	smov.u32 s5;
	s4 =	smov.u32 s6;
	p0 =	sne.s32 s5, $0x3F0  }
.Ltmp7:
0x9e: {  	s5 =	sadd.s32 $0x10, s5;
	(pc) =	sbr.rel @p0 .LBB2_16-.Ltmp7, $2  }
0x9f: {  	_ =	sdelay $0x2  }
0xa0: {  	s6 =	sadd.s32 $0x200, s6;
	s7 =	sadd.s32 s7, s8  }
0xa1: {  	[hbm4b:s7+s1] =	stream.linear.scatter [tilespmem:s4], [sflag:$0x1], $0x80, $0x38;
	[tilespmem:$0x10000] =	vst v63  }
0xa2: {  	s4 =	simm.s32 $0x8180;
	_ =	swait.ge [sflag:s9], $0x2000  }
0xa3: {  	s5 =	simm.s32 $0x10;
	[sflag:s9] =	ssyncset.done $0x0;
	s8 =	rddreg [dreg:$0x8]  }
0xa4: {  	s6 =	simm.s32 $0x8380;
	[sflag:s9] =	ssyncadd.s32 $0xFFFFE000;
	s7 =	sadd.s32 $0x0, s8  }
.LBB2_18:
0xa5: {  	[hbm4b:s7+s1] =	stream.linear.scatter [tilespmem:s4], [sflag:$0x1], $0x80, $0x38;
	[tilespmem:$0x10000] =	vst v63  }
0xa6: {  	s7 =	smov.u32 s5;
	s4 =	smov.u32 s6;
	p0 =	sne.s32 s5, $0x3F0  }
.Ltmp8:
0xa7: {  	s5 =	sadd.s32 $0x10, s5;
	(pc) =	sbr.rel @p0 .LBB2_18-.Ltmp8, $2  }
0xa8: {  	_ =	sdelay $0x2  }
0xa9: {  	s6 =	sadd.s32 $0x200, s6;
	s7 =	sadd.s32 s7, s8  }
0xaa: {  	[hbm4b:s7+s1] =	stream.linear.scatter [tilespmem:s4], [sflag:$0x1], $0x80, $0x38;
	[tilespmem:$0x10000] =	vst v63  }
0xab: {  	s4 =	simm.s32 $0x0;
	_ =	swait.ge [sflag:s9], $0x2000  }
0xac: {  	s5 =	simm.s32 $0x10;
	[sflag:s9] =	ssyncset.done $0x0;
	s8 =	rddreg [dreg:$0x9]  }
0xad: {  	s6 =	simm.s32 $0x200;
	[sflag:s9] =	ssyncadd.s32 $0xFFFFE000;
	s7 =	sadd.s32 $0x0, s8  }
.LBB2_20:
0xae: {  	[tilespmem:s4], [sflag:$0x1] =	stream.linear.gather [hbm4b:s7+s1], $0x80, $0x38;
	[tilespmem:$0x10000] =	vst v63  }
0xaf: {  	s7 =	smov.u32 s5;
	s4 =	smov.u32 s6;
	p0 =	sne.s32 s5, $0x3F0  }
.Ltmp9:
0xb0: {  	s5 =	sadd.s32 $0x10, s5;
	(pc) =	sbr.rel @p0 .LBB2_20-.Ltmp9, $2  }
0xb1: {  	_ =	sdelay $0x2  }
0xb2: {  	s6 =	sadd.s32 $0x200, s6;
	s7 =	sadd.s32 s7, s8  }
0xb3: {  	[tilespmem:s4], [sflag:$0x1] =	stream.linear.gather [hbm4b:s7+s1], $0x80, $0x38;
	[tilespmem:$0x10000] =	vst v63  }
0xb4: {  	s4 =	simm.s32 $0x80;
	_ =	swait.ge [sflag:s9], $0x2000  }
0xb5: {  	s5 =	simm.s32 $0x10;
	[sflag:s9] =	ssyncset.done $0x0;
	s8 =	rddreg [dreg:$0xa]  }
0xb6: {  	s6 =	simm.s32 $0x280;
	[sflag:s9] =	ssyncadd.s32 $0xFFFFE000;
	s7 =	sadd.s32 $0x0, s8  }
.LBB2_22:
0xb7: {  	[tilespmem:s4], [sflag:$0x1] =	stream.linear.gather [hbm4b:s7+s1], $0x80, $0x38;
	[tilespmem:$0x10000] =	vst v63  }
0xb8: {  	s7 =	smov.u32 s5;
	s4 =	smov.u32 s6;
	p0 =	sne.s32 s5, $0x3F0  }
.Ltmp10:
0xb9: {  	s5 =	sadd.s32 $0x10, s5;
	(pc) =	sbr.rel @p0 .LBB2_22-.Ltmp10, $2  }
0xba: {  	_ =	sdelay $0x2  }
0xbb: {  	s6 =	sadd.s32 $0x200, s6;
	s7 =	sadd.s32 s7, s8  }
0xbc: {  	[tilespmem:s4], [sflag:$0x1] =	stream.linear.gather [hbm4b:s7+s1], $0x80, $0x38;
	[tilespmem:$0x10000] =	vst v63  }
0xbd: {  	s4 =	simm.s32 $0x100;
	_ =	swait.ge [sflag:s9], $0x2000  }
0xbe: {  	s5 =	simm.s32 $0x10;
	[sflag:s9] =	ssyncset.done $0x0;
	s8 =	rddreg [dreg:$0xb]  }
0xbf: {  	s6 =	simm.s32 $0x300;
	[sflag:s9] =	ssyncadd.s32 $0xFFFFE000;
	s7 =	sadd.s32 $0x0, s8  }
.LBB2_24:
0xc0: {  	[tilespmem:s4], [sflag:$0x1] =	stream.linear.gather [hbm4b:s7+s1], $0x80, $0x38;
	[tilespmem:$0x10000] =	vst v63  }
0xc1: {  	s7 =	smov.u32 s5;
	s4 =	smov.u32 s6;
	p0 =	sne.s32 s5, $0x3F0  }
.Ltmp11:
0xc2: {  	s5 =	sadd.s32 $0x10, s5;
	(pc) =	sbr.rel @p0 .LBB2_24-.Ltmp11, $2  }
0xc3: {  	_ =	sdelay $0x2  }
0xc4: {  	s6 =	sadd.s32 $0x200, s6;
	s7 =	sadd.s32 s7, s8  }
0xc5: {  	[tilespmem:s4], [sflag:$0x1] =	stream.linear.gather [hbm4b:s7+s1], $0x80, $0x38;
	[tilespmem:$0x10000] =	vst v63  }
0xc6: {  	_ =	swait.ge [sflag:s9], $0x2000  }
0xc7: {  	s4 =	simm.s32 $0x180;
	s5 =	simm.s32 $0x10;
	[sflag:s9] =	ssyncset.done $0x0  }
0xc8: {  	s7 =	sadd.s32 $0x0, s11;
	s6 =	simm.s32 $0x380;
	[sflag:s9] =	ssyncadd.s32 $0xFFFFE000  }
.LBB2_26:
0xc9: {  	[tilespmem:s4], [sflag:$0x1] =	stream.linear.gather [hbm4b:s7+s1], $0x80, $0x38;
	[tilespmem:$0x10000] =	vst v63  }
0xca: {  	s7 =	smov.u32 s5;
	s4 =	smov.u32 s6;
	p0 =	sne.s32 s5, $0x3F0  }
.Ltmp12:
0xcb: {  	s5 =	sadd.s32 $0x10, s5;
	(pc) =	sbr.rel @p0 .LBB2_26-.Ltmp12, $2  }
0xcc: {  	_ =	sdelay $0x2  }
0xcd: {  	s6 =	sadd.s32 $0x200, s6;
	s7 =	sadd.s32 s7, s11  }
0xce: {  	[tilespmem:s4], [sflag:$0x1] =	stream.linear.gather [hbm4b:s7+s1], $0x80, $0x38;
	[tilespmem:$0x10000] =	vst v63  }
0xcf: {  	s8 =	simm.s32 $0x0;
	_ =	swait.ge [sflag:s9], $0x2000  }
0xd0: {  	s5 =	sand.u32 $0x70, s8;
	s4 =	sand.u32 $0x7E00, s8;
	[sflag:s9] =	ssyncset.done $0x0  }
0xd1: {  	s4 =	sor.u32 s5, s4;
	[sflag:s9] =	ssyncadd.s32 $0xFFFFE000  }
0xd2: {  	v10 =	vld [tilespmem:s4+$0x80]  }
0xd3: {  	v12 =	vld [tilespmem:s4+$0x100];
	_ =	sdelay $0x1  }
0xd4: {  	v11 =	vld [tilespmem:s4+$0x180]  }
0xd5: {  	v13 =	vld [tilespmem:s4+$0x0]  }
0xd6: {  	v14 =	vperm.xlane v10, v0  }
0xd7: {  	vm3 =	veq.s32 v3, $0x0;
	v16 =	vperm.xlane v12, v0  }
0xd8: {  	s10 =	simm.s32 $0x10;
	s6 =	simm.s32 $0x40;
	v14 =	vsel vm3, $0x0, v14  }
0xd9: {  	s6 =	sand.u32 $0x7E00, s6;
	s5 =	sand.u32 $0x70, s10;
	v15 =	vperm.xlane v11, v0;
	v10 =	vadd.f32 v14, v10;
	v14 =	vsel vm3, $0x0, v16  }
0xda: {  	s5 =	sor.u32 s5, s6;
	v12 =	vadd.f32 v14, v12;
	v14 =	vperm.xlane v13, v0  }
0xdb: {  	v20 =	vld [tilespmem:s5+$0x80];
	v15 =	vsel vm3, $0x0, v15;
	v16 =	vperm.xlane v10, v1  }
0xdc: {  	v11 =	vadd.f32 v15, v11;
	v14 =	vsel vm3, $0x0, v14  }
0xdd: {  	v16 =	vsel vm0, $0x0, v16;
	v13 =	vadd.f32 v14, v13  }
0xde: {  	v17 =	vperm.xlane v11, v1;
	v14 =	vld [tilespmem:s5+$0x180];
	v10 =	vadd.f32 v16, v10  }
0xdf: {  	v15 =	vperm.xlane v12, v1;
	v16 =	vld [tilespmem:s5+$0x100];
	v19 =	vperm.xlane v13, v1  }
0xe0: {  	v23 =	vperm.xlane v20, v0;
	v17 =	vsel vm0, $0x0, v17;
	v18 =	vperm.xlane v10, v2  }
0xe1: {  	v15 =	vsel vm0, $0x0, v15;
	v11 =	vadd.f32 v17, v11;
	v17 =	vsel vm0, $0x0, v19  }
0xe2: {  	v12 =	vadd.f32 v15, v12;
	v15 =	vsel vm1, $0x0, v18;
	v17 =	vadd.f32 v17, v13  }
0xe3: {  	v19 =	vperm.xlane v14, v0;
	v18 =	vadd.f32 v15, v10;
	v10 =	vperm.xlane v11, v2  }
0xe4: {  	v15 =	vperm.xlane v12, v2;
	v21 =	vperm.xlane v16, v0  }
0xe5: {  	v24 =	vperm.xlane v17, v2;
	v19 =	vsel vm3, $0x0, v19;
	v13 =	vsel vm1, $0x0, v10  }
0xe6: {  	v22 =	vperm.xlane v18, v4;
	v15 =	vsel vm1, $0x0, v15;
	v13 =	vadd.f32 v13, v11  }
0xe7: {  	v10 =	vld [tilespmem:s5+$0x0];
	v11 =	vsel vm3, $0x0, v21;
	v21 =	vsel vm3, $0x0, v23;
	v15 =	vadd.f32 v15, v12  }
0xe8: {  	v20 =	vadd.f32 v21, v20;
	v21 =	vadd.f32 v19, v14  }
0xe9: {  	v11 =	vadd.f32 v11, v16;
	v14 =	vsel vm1, $0x0, v24;
	v19 =	vsel vm2, $0x0, v22  }
0xea: {  	v23 =	vperm.xlane v13, v4;
	v14 =	vadd.f32 v14, v17;
	v12 =	vperm.xlane v21, v1  }
0xeb: {  	v19 =	vadd.f32 v19, v18;
	v16 =	vperm.xlane v11, v1;
	v63 =	vperm.xlane v20, v1  }
0xec: {  	v22 =	vperm.xlane v10, v0;
	v18 =	vsel vm2, $0x0, v23;
	v12 =	vsel vm0, $0x0, v12  }
0xed: {  	v16 =	vsel vm0, $0x0, v16;
	v17 =	vsel vm0, $0x0, v63;
	v12 =	vadd.f32 v12, v21  }
0xee: {  	s8 =	simm.s32 $0x20;
	s6 =	simm.s32 $0x80;
	v21 =	vsel vm3, $0x0, v22;
	v17 =	vadd.f32 v17, v20;
	v20 =	vperm.xlane v15, v4  }
.LBB2_28:
0xef: {  	s7 =	smov.u32 s8  }
0xf0: {  	s9 =	sand.u32 $0x70, s8;
	s10 =	sand.u32 $0x7E00, s6;
	v21 =	vadd.f32 v21, v10;
	v10 =	vperm.xlane v14, v4;
	v9 =	vadd.f32 v19, v9;
	s7 =	sadd.s32 $0x10, s8  }
0xf1: {  	p0 =	sne.s32 s8, $0x1FF0;
	v13 =	vadd.f32 v18, v13;
	s9 =	sor.u32 s9, s10;
	v19 =	vperm.xlane v17, v2;
	v20 =	vsel vm2, $0x0, v20  }
0xf2: {  	v22 =	vperm.xlane v21, v1;
	v15 =	vadd.f32 v20, v15;
	v18 =	vld [tilespmem:s9+$0x180];
	[tilespmem:s4+$0x8080] =	vst v9;
	v9 =	vperm.xlane v9, v5  }
0xf3: {  	v23 =	vsel vm2, $0x0, v10;
	v7 =	vadd.f32 v13, v7;
	v19 =	vsel vm1, $0x0, v19;
	v20 =	vld [tilespmem:s9+$0x100]  }
0xf4: {  	v16 =	vadd.f32 v16, v11;
	v13 =	vsel vm0, $0x0, v22;
	v17 =	vadd.f32 v19, v17;
	v24 =	vld [tilespmem:s9+$0x80]  }
0xf5: {  	v11 =	vadd.f32 v23, v14;
	v19 =	vadd.f32 v13, v21;
	v10 =	vld [tilespmem:s9+$0x0];
	[tilespmem:s4+$0x8180] =	vst v7;
	v7 =	vperm.xlane v7, v5  }
0xf6: {  	v14 =	vperm.xlane v16, v2;
	v8 =	vadd.f32 v15, v8;
	v13 =	vperm.xlane v12, v2  }
0xf7: {  	v6 =	vadd.f32 v11, v6;
	v21 =	vperm.xlane v17, v4;
	v15 =	vperm.xlane v18, v0  }
0xf8: {  	v22 =	vperm.xlane v19, v2;
	v13 =	vsel vm1, $0x0, v13;
	v11 =	vperm.xlane v20, v0;
	[tilespmem:s4+$0x8100] =	vst v8  }
0xf9: {  	v13 =	vadd.f32 v13, v12;
	v23 =	vperm.xlane v24, v0;
	[tilespmem:s4+$0x8000] =	vst v6;
	v6 =	vperm.xlane v6, v5;
	s4 =	smov.u32 s5;
	s5 =	smov.u32 s9  }
0xfa: {  	v8 =	vperm.xlane v8, v5;
	v12 =	vsel vm3, $0x0, v15;
	v11 =	vsel vm3, $0x0, v11  }
0xfb: {  	v14 =	vsel vm1, $0x0, v14;
	v15 =	vsel vm3, $0x0, v23;
	v11 =	vadd.f32 v11, v20  }
0xfc: {  	v12 =	vadd.f32 v12, v18;
	v18 =	vsel vm1, $0x0, v22;
	v20 =	vadd.f32 v15, v24  }
0xfd: {  	v23 =	vperm.xlane v13, v4;
	v15 =	vadd.f32 v14, v16;
	v22 =	vperm.xlane v11, v1  }
.Ltmp13:
0xfe: {  	v21 =	vsel vm2, $0x0, v21;
	v14 =	vperm.xlane v12, v1;
	(pc) =	sbr.rel @p0 .LBB2_28-.Ltmp13, $4  }
0xff: {  	v24 =	vperm.xlane v10, v0;
	v25 =	vperm.xlane v20, v1;
	v16 =	vsel vm0, $0x0, v22  }
0x100: {  	v22 =	vsel vm0, $0x0, v14;
	v14 =	vadd.f32 v18, v19;
	v19 =	vadd.f32 v21, v17  }
0x101: {  	v18 =	vsel vm2, $0x0, v23;
	v17 =	vsel vm0, $0x0, v25;
	v12 =	vadd.f32 v22, v12  }
0x102: {  	s6 =	sadd.s32 $0x40, s6;
	s8 =	smov.u32 s7;
	v21 =	vsel vm3, $0x0, v24;
	v17 =	vadd.f32 v17, v20;
	v20 =	vperm.xlane v15, v4  }
0x103: {  	v10 =	vadd.f32 v21, v10  }
0x104: {  	v9 =	vadd.f32 v19, v9;
	v13 =	vadd.f32 v18, v13  }
0x105: {  	v47 =	vperm.xlane v14, v4;
	v11 =	vadd.f32 v16, v11;
	v46 =	vperm.xlane v10, v1  }
0x106: {  	v50 =	vperm.xlane v12, v2;
	v45 =	vperm.xlane v17, v2;
	v20 =	vsel vm2, $0x0, v20  }
0x107: {  	v15 =	vadd.f32 v20, v15;
	v48 =	vperm.xlane v9, v5;
	v18 =	vsel vm0, $0x0, v46  }
0x108: {  	v49 =	vsel vm2, $0x0, v47;
	v7 =	vadd.f32 v13, v7;
	v10 =	vadd.f32 v18, v10  }
0x109: {  	v52 =	vperm.xlane v11, v2;
	v19 =	vsel vm1, $0x0, v45;
	v53 =	vadd.f32 v49, v14  }
0x10a: {  	v51 =	vadd.f32 v19, v17;
	v18 =	vsel vm1, $0x0, v50;
	v54 =	vperm.xlane v10, v2  }
0x10b: {  	v55 =	vperm.xlane v7, v5;
	v17 =	vsel vm1, $0x0, v52;
	v56 =	vadd.f32 v18, v12  }
0x10c: {  	v11 =	vadd.f32 v17, v11;
	v57 =	vperm.xlane v51, v4;
	v16 =	vsel vm1, $0x0, v54  }
0x10d: {  	v8 =	vadd.f32 v15, v8;
	v58 =	vperm.xlane v56, v4;
	v10 =	vadd.f32 v16, v10  }
0x10e: {  	v6 =	vadd.f32 v53, v6;
	v60 =	vperm.xlane v11, v4;
	v59 =	vsel vm2, $0x0, v57  }
0x10f: {  	[tilespmem:s4+$0x8080] =	vst v9;
	v9 =	vadd.f32 v59, v51;
	v61 =	vsel vm2, $0x0, v58;
	v62 =	vperm.xlane v10, v4  }
0x110: {  	[tilespmem:s4+$0x8180] =	vst v7;
	v7 =	vperm.xlane v8, v5;
	v63 =	vsel vm2, $0x0, v60;
	v12 =	vadd.f32 v61, v56  }
0x111: {  	[tilespmem:s4+$0x8100] =	vst v8;
	v8 =	vadd.f32 v9, v48;
	v9 =	vadd.f32 v63, v11;
	v11 =	vsel vm2, $0x0, v62  }
0x112: {  	[tilespmem:s4+$0x8000] =	vst v6;
	v6 =	vperm.xlane v6, v5;
	v12 =	vadd.f32 v12, v55;
	v10 =	vadd.f32 v11, v10  }
0x113: {  	[tilespmem:s5+$0x8080] =	vst v8;
	v11 =	vadd.f32 v9, v7  }
0x114: {  	[tilespmem:s5+$0x8180] =	vst v12;
	v6 =	vadd.f32 v10, v6  }
0x115: {  	s7 =	sadd.s32 $0x0, s12;
	v9 =	vperm.xlane v8, v5;
	v7 =	vperm.xlane v12, v5;
	[tilespmem:s5+$0x8100] =	vst v11  }
0x116: {  	s6 =	simm.s32 $0x8200;
	s4 =	simm.s32 $0x8000;
	v8 =	vperm.xlane v11, v5;
	[tilespmem:s5+$0x8000] =	vst v6;
	v6 =	vperm.xlane v6, v5;
	s5 =	simm.s32 $0x10  }
.LBB2_30:
0x117: {  	[hbm4b:s7+s1] =	stream.linear.scatter [tilespmem:s4], [sflag:$0x1], $0x80, $0x38;
	[tilespmem:$0x10000] =	vst v63  }
0x118: {  	s7 =	smov.u32 s5;
	s4 =	smov.u32 s6;
	p0 =	sne.s32 s5, $0x3F0  }
.Ltmp14:
0x119: {  	s5 =	sadd.s32 $0x10, s5;
	(pc) =	sbr.rel @p0 .LBB2_30-.Ltmp14, $2  }
0x11a: {  	_ =	sdelay $0x2  }
0x11b: {  	s6 =	sadd.s32 $0x200, s6;
	s7 =	sadd.s32 s7, s12  }
0x11c: {  	[hbm4b:s7+s1] =	stream.linear.scatter [tilespmem:s4], [sflag:$0x1], $0x80, $0x38;
	[tilespmem:$0x10000] =	vst v63  }
0x11d: {  	s8 =	simm.s32 $0x1  }
0x11e: {  	_ =	swait.ge [sflag:s8], $0x2000  }
0x11f: {  	s4 =	simm.s32 $0x8080;
	s5 =	simm.s32 $0x10;
	[sflag:s8] =	ssyncset.done $0x0  }
0x120: {  	s7 =	sadd.s32 $0x0, s13;
	s6 =	simm.s32 $0x8280;
	[sflag:s8] =	ssyncadd.s32 $0xFFFFE000  }
.LBB2_32:
0x121: {  	[hbm4b:s7+s1] =	stream.linear.scatter [tilespmem:s4], [sflag:$0x1], $0x80, $0x38;
	[tilespmem:$0x10000] =	vst v63  }
0x122: {  	s7 =	smov.u32 s5;
	s4 =	smov.u32 s6;
	p0 =	sne.s32 s5, $0x3F0  }
.Ltmp15:
0x123: {  	s5 =	sadd.s32 $0x10, s5;
	(pc) =	sbr.rel @p0 .LBB2_32-.Ltmp15, $2  }
0x124: {  	_ =	sdelay $0x2  }
0x125: {  	s6 =	sadd.s32 $0x200, s6;
	s7 =	sadd.s32 s7, s13  }
0x126: {  	[hbm4b:s7+s1] =	stream.linear.scatter [tilespmem:s4], [sflag:$0x1], $0x80, $0x38;
	[tilespmem:$0x10000] =	vst v63  }
0x127: {  	_ =	swait.ge [sflag:s8], $0x2000  }
0x128: {  	s4 =	simm.s32 $0x8100;
	s5 =	simm.s32 $0x10;
	[sflag:s8] =	ssyncset.done $0x0  }
0x129: {  	s7 =	sadd.s32 $0x0, s14;
	s6 =	simm.s32 $0x8300;
	[sflag:s8] =	ssyncadd.s32 $0xFFFFE000  }
.LBB2_34:
0x12a: {  	[hbm4b:s7+s1] =	stream.linear.scatter [tilespmem:s4], [sflag:$0x1], $0x80, $0x38;
	[tilespmem:$0x10000] =	vst v63  }
0x12b: {  	s7 =	smov.u32 s5;
	s4 =	smov.u32 s6;
	p0 =	sne.s32 s5, $0x3F0  }
.Ltmp16:
0x12c: {  	s5 =	sadd.s32 $0x10, s5;
	(pc) =	sbr.rel @p0 .LBB2_34-.Ltmp16, $2  }
0x12d: {  	_ =	sdelay $0x2  }
0x12e: {  	s6 =	sadd.s32 $0x200, s6;
	s7 =	sadd.s32 s7, s14  }
0x12f: {  	[hbm4b:s7+s1] =	stream.linear.scatter [tilespmem:s4], [sflag:$0x1], $0x80, $0x38;
	[tilespmem:$0x10000] =	vst v63  }
0x130: {  	_ =	swait.ge [sflag:s8], $0x2000  }
0x131: {  	s4 =	simm.s32 $0x8180;
	s5 =	simm.s32 $0x10;
	[sflag:s8] =	ssyncset.done $0x0  }
0x132: {  	s7 =	sadd.s32 $0x0, s15;
	s6 =	simm.s32 $0x8380;
	[sflag:s8] =	ssyncadd.s32 $0xFFFFE000  }
.LBB2_36:
0x133: {  	[hbm4b:s7+s1] =	stream.linear.scatter [tilespmem:s4], [sflag:$0x1], $0x80, $0x38;
	[tilespmem:$0x10000] =	vst v63  }
0x134: {  	s7 =	smov.u32 s5;
	s4 =	smov.u32 s6;
	p0 =	sne.s32 s5, $0x3F0  }
.Ltmp17:
0x135: {  	s5 =	sadd.s32 $0x10, s5;
	(pc) =	sbr.rel @p0 .LBB2_36-.Ltmp17, $2  }
0x136: {  	_ =	sdelay $0x2  }
0x137: {  	s6 =	sadd.s32 $0x200, s6;
	s7 =	sadd.s32 s7, s15  }
0x138: {  	[hbm4b:s7+s1] =	stream.linear.scatter [tilespmem:s4], [sflag:$0x1], $0x80, $0x38;
	[tilespmem:$0x10000] =	vst v63  }
0x139: {  	_ =	swait.ge [sflag:s8], $0x2000  }
0x13a: {  	s4 =	simm.s32 $0x0;
	s5 =	simm.s32 $0x10;
	[sflag:s8] =	ssyncset.done $0x0  }
0x13b: {  	s7 =	sadd.s32 $0x0, s16;
	s6 =	simm.s32 $0x200;
	[sflag:s8] =	ssyncadd.s32 $0xFFFFE000  }
.LBB2_38:
0x13c: {  	[tilespmem:s4], [sflag:$0x1] =	stream.linear.gather [hbm4b:s7+s1], $0x80, $0x38;
	[tilespmem:$0x10000] =	vst v63  }
0x13d: {  	s7 =	smov.u32 s5;
	s4 =	smov.u32 s6;
	p0 =	sne.s32 s5, $0x3F0  }
.Ltmp18:
0x13e: {  	s5 =	sadd.s32 $0x10, s5;
	(pc) =	sbr.rel @p0 .LBB2_38-.Ltmp18, $2  }
0x13f: {  	_ =	sdelay $0x2  }
0x140: {  	s6 =	sadd.s32 $0x200, s6;
	s7 =	sadd.s32 s7, s16  }
0x141: {  	[tilespmem:s4], [sflag:$0x1] =	stream.linear.gather [hbm4b:s7+s1], $0x80, $0x38;
	[tilespmem:$0x10000] =	vst v63  }
0x142: {  	_ =	swait.ge [sflag:s8], $0x2000  }
0x143: {  	s4 =	simm.s32 $0x80;
	s5 =	simm.s32 $0x10;
	[sflag:s8] =	ssyncset.done $0x0  }
0x144: {  	s7 =	sadd.s32 $0x0, s17;
	s6 =	simm.s32 $0x280;
	[sflag:s8] =	ssyncadd.s32 $0xFFFFE000  }
.LBB2_40:
0x145: {  	[tilespmem:s4], [sflag:$0x1] =	stream.linear.gather [hbm4b:s7+s1], $0x80, $0x38;
	[tilespmem:$0x10000] =	vst v63  }
0x146: {  	s7 =	smov.u32 s5;
	s4 =	smov.u32 s6;
	p0 =	sne.s32 s5, $0x3F0  }
.Ltmp19:
0x147: {  	s5 =	sadd.s32 $0x10, s5;
	(pc) =	sbr.rel @p0 .LBB2_40-.Ltmp19, $2  }
0x148: {  	_ =	sdelay $0x2  }
0x149: {  	s6 =	sadd.s32 $0x200, s6;
	s7 =	sadd.s32 s7, s17  }
0x14a: {  	[tilespmem:s4], [sflag:$0x1] =	stream.linear.gather [hbm4b:s7+s1], $0x80, $0x38;
	[tilespmem:$0x10000] =	vst v63  }
0x14b: {  	_ =	swait.ge [sflag:s8], $0x2000  }
0x14c: {  	s4 =	simm.s32 $0x100;
	s5 =	simm.s32 $0x10;
	[sflag:s8] =	ssyncset.done $0x0  }
0x14d: {  	s7 =	sadd.s32 $0x0, s18;
	s6 =	simm.s32 $0x300;
	[sflag:s8] =	ssyncadd.s32 $0xFFFFE000  }
.LBB2_42:
0x14e: {  	[tilespmem:s4], [sflag:$0x1] =	stream.linear.gather [hbm4b:s7+s1], $0x80, $0x38;
	[tilespmem:$0x10000] =	vst v63  }
0x14f: {  	s7 =	smov.u32 s5;
	s4 =	smov.u32 s6;
	p0 =	sne.s32 s5, $0x3F0  }
.Ltmp20:
0x150: {  	s5 =	sadd.s32 $0x10, s5;
	(pc) =	sbr.rel @p0 .LBB2_42-.Ltmp20, $2  }
0x151: {  	_ =	sdelay $0x2  }
0x152: {  	s6 =	sadd.s32 $0x200, s6;
	s7 =	sadd.s32 s7, s18  }
0x153: {  	[tilespmem:s4], [sflag:$0x1] =	stream.linear.gather [hbm4b:s7+s1], $0x80, $0x38;
	[tilespmem:$0x10000] =	vst v63  }
0x154: {  	_ =	swait.ge [sflag:s8], $0x2000  }
0x155: {  	s4 =	simm.s32 $0x180;
	s5 =	simm.s32 $0x10;
	[sflag:s8] =	ssyncset.done $0x0  }
0x156: {  	s7 =	sadd.s32 $0x0, s22;
	s6 =	simm.s32 $0x380;
	[sflag:s8] =	ssyncadd.s32 $0xFFFFE000  }
.LBB2_44:
0x157: {  	[tilespmem:s4], [sflag:$0x1] =	stream.linear.gather [hbm4b:s7+s1], $0x80, $0x38;
	[tilespmem:$0x10000] =	vst v63  }
0x158: {  	s7 =	smov.u32 s5;
	s4 =	smov.u32 s6;
	p0 =	sne.s32 s5, $0x3F0  }
.Ltmp21:
0x159: {  	s5 =	sadd.s32 $0x10, s5;
	(pc) =	sbr.rel @p0 .LBB2_44-.Ltmp21, $2  }
0x15a: {  	_ =	sdelay $0x2  }
0x15b: {  	s6 =	sadd.s32 $0x200, s6;
	s7 =	sadd.s32 s7, s22  }
0x15c: {  	[tilespmem:s4], [sflag:$0x1] =	stream.linear.gather [hbm4b:s7+s1], $0x80, $0x38;
	[tilespmem:$0x10000] =	vst v63  }
0x15d: {  	s9 =	simm.s32 $0x0;
	_ =	swait.ge [sflag:s8], $0x2000  }
0x15e: {  	s5 =	sand.u32 $0x70, s9;
	s4 =	sand.u32 $0x7E00, s9;
	[sflag:s8] =	ssyncset.done $0x0  }
0x15f: {  	s4 =	sor.u32 s5, s4;
	[sflag:s8] =	ssyncadd.s32 $0xFFFFE000  }
0x160: {  	v10 =	vld [tilespmem:s4+$0x80]  }
0x161: {  	v12 =	vld [tilespmem:s4+$0x100];
	_ =	sdelay $0x1  }
0x162: {  	v11 =	vld [tilespmem:s4+$0x180]  }
0x163: {  	v13 =	vld [tilespmem:s4+$0x0]  }
0x164: {  	v14 =	vperm.xlane v10, v0  }
0x165: {  	vm3 =	veq.s32 v3, $0x0;
	v16 =	vperm.xlane v12, v0  }
0x166: {  	s10 =	simm.s32 $0x10;
	s6 =	simm.s32 $0x40;
	v14 =	vsel vm3, $0x0, v14  }
0x167: {  	s6 =	sand.u32 $0x7E00, s6;
	s5 =	sand.u32 $0x70, s10;
	v15 =	vperm.xlane v11, v0;
	v10 =	vadd.f32 v14, v10;
	v14 =	vsel vm3, $0x0, v16  }
0x168: {  	s5 =	sor.u32 s5, s6;
	v12 =	vadd.f32 v14, v12;
	v14 =	vperm.xlane v13, v0  }
0x169: {  	v20 =	vld [tilespmem:s5+$0x80];
	v15 =	vsel vm3, $0x0, v15;
	v16 =	vperm.xlane v10, v1  }
0x16a: {  	v11 =	vadd.f32 v15, v11;
	v14 =	vsel vm3, $0x0, v14  }
0x16b: {  	v16 =	vsel vm0, $0x0, v16;
	v13 =	vadd.f32 v14, v13  }
0x16c: {  	v17 =	vperm.xlane v11, v1;
	v14 =	vld [tilespmem:s5+$0x180];
	v10 =	vadd.f32 v16, v10  }
0x16d: {  	v15 =	vperm.xlane v12, v1;
	v16 =	vld [tilespmem:s5+$0x100];
	v19 =	vperm.xlane v13, v1  }
0x16e: {  	v23 =	vperm.xlane v20, v0;
	v17 =	vsel vm0, $0x0, v17;
	v18 =	vperm.xlane v10, v2  }
0x16f: {  	v15 =	vsel vm0, $0x0, v15;
	v11 =	vadd.f32 v17, v11;
	v17 =	vsel vm0, $0x0, v19  }
0x170: {  	v12 =	vadd.f32 v15, v12;
	v15 =	vsel vm1, $0x0, v18;
	v17 =	vadd.f32 v17, v13  }
0x171: {  	v19 =	vperm.xlane v14, v0;
	v18 =	vadd.f32 v15, v10;
	v10 =	vperm.xlane v11, v2  }
0x172: {  	v15 =	vperm.xlane v12, v2;
	v21 =	vperm.xlane v16, v0  }
0x173: {  	v24 =	vperm.xlane v17, v2;
	v19 =	vsel vm3, $0x0, v19;
	v13 =	vsel vm1, $0x0, v10  }
0x174: {  	v22 =	vperm.xlane v18, v4;
	v15 =	vsel vm1, $0x0, v15;
	v13 =	vadd.f32 v13, v11  }
0x175: {  	v10 =	vld [tilespmem:s5+$0x0];
	v11 =	vsel vm3, $0x0, v21;
	v21 =	vsel vm3, $0x0, v23;
	v15 =	vadd.f32 v15, v12  }
0x176: {  	v20 =	vadd.f32 v21, v20;
	v21 =	vadd.f32 v19, v14  }
0x177: {  	v11 =	vadd.f32 v11, v16;
	v14 =	vsel vm1, $0x0, v24;
	v19 =	vsel vm2, $0x0, v22  }
0x178: {  	v23 =	vperm.xlane v13, v4;
	v14 =	vadd.f32 v14, v17;
	v12 =	vperm.xlane v21, v1  }
0x179: {  	v19 =	vadd.f32 v19, v18;
	v16 =	vperm.xlane v11, v1;
	v63 =	vperm.xlane v20, v1  }
0x17a: {  	v22 =	vperm.xlane v10, v0;
	v18 =	vsel vm2, $0x0, v23;
	v12 =	vsel vm0, $0x0, v12  }
0x17b: {  	v16 =	vsel vm0, $0x0, v16;
	v17 =	vsel vm0, $0x0, v63;
	v12 =	vadd.f32 v12, v21  }
0x17c: {  	s8 =	simm.s32 $0x20;
	s6 =	simm.s32 $0x80;
	v21 =	vsel vm3, $0x0, v22;
	v17 =	vadd.f32 v17, v20;
	v20 =	vperm.xlane v15, v4  }
.LBB2_46:
0x17d: {  	s7 =	smov.u32 s8  }
0x17e: {  	s9 =	sand.u32 $0x70, s8;
	s10 =	sand.u32 $0x7E00, s6;
	v21 =	vadd.f32 v21, v10;
	v10 =	vperm.xlane v14, v4;
	v9 =	vadd.f32 v19, v9;
	s7 =	sadd.s32 $0x10, s8  }
0x17f: {  	p0 =	sne.s32 s8, $0x1FF0;
	v13 =	vadd.f32 v18, v13;
	s9 =	sor.u32 s9, s10;
	v19 =	vperm.xlane v17, v2;
	v20 =	vsel vm2, $0x0, v20  }
0x180: {  	v22 =	vperm.xlane v21, v1;
	v15 =	vadd.f32 v20, v15;
	v18 =	vld [tilespmem:s9+$0x180];
	[tilespmem:s4+$0x8080] =	vst v9;
	v9 =	vperm.xlane v9, v5  }
0x181: {  	v23 =	vsel vm2, $0x0, v10;
	v7 =	vadd.f32 v13, v7;
	v19 =	vsel vm1, $0x0, v19;
	v20 =	vld [tilespmem:s9+$0x100]  }
0x182: {  	v16 =	vadd.f32 v16, v11;
	v13 =	vsel vm0, $0x0, v22;
	v17 =	vadd.f32 v19, v17;
	v24 =	vld [tilespmem:s9+$0x80]  }
0x183: {  	v11 =	vadd.f32 v23, v14;
	v19 =	vadd.f32 v13, v21;
	v10 =	vld [tilespmem:s9+$0x0];
	[tilespmem:s4+$0x8180] =	vst v7;
	v7 =	vperm.xlane v7, v5  }
0x184: {  	v14 =	vperm.xlane v16, v2;
	v8 =	vadd.f32 v15, v8;
	v13 =	vperm.xlane v12, v2  }
0x185: {  	v6 =	vadd.f32 v11, v6;
	v21 =	vperm.xlane v17, v4;
	v15 =	vperm.xlane v18, v0  }
0x186: {  	v22 =	vperm.xlane v19, v2;
	v13 =	vsel vm1, $0x0, v13;
	v11 =	vperm.xlane v20, v0;
	[tilespmem:s4+$0x8100] =	vst v8  }
0x187: {  	v13 =	vadd.f32 v13, v12;
	v23 =	vperm.xlane v24, v0;
	[tilespmem:s4+$0x8000] =	vst v6;
	v6 =	vperm.xlane v6, v5;
	s4 =	smov.u32 s5;
	s5 =	smov.u32 s9  }
0x188: {  	v8 =	vperm.xlane v8, v5;
	v12 =	vsel vm3, $0x0, v15;
	v11 =	vsel vm3, $0x0, v11  }
0x189: {  	v14 =	vsel vm1, $0x0, v14;
	v15 =	vsel vm3, $0x0, v23;
	v11 =	vadd.f32 v11, v20  }
0x18a: {  	v12 =	vadd.f32 v12, v18;
	v18 =	vsel vm1, $0x0, v22;
	v20 =	vadd.f32 v15, v24  }
0x18b: {  	v23 =	vperm.xlane v13, v4;
	v15 =	vadd.f32 v14, v16;
	v22 =	vperm.xlane v11, v1  }
.Ltmp22:
0x18c: {  	v21 =	vsel vm2, $0x0, v21;
	v14 =	vperm.xlane v12, v1;
	(pc) =	sbr.rel @p0 .LBB2_46-.Ltmp22, $4  }
0x18d: {  	v24 =	vperm.xlane v10, v0;
	v25 =	vperm.xlane v20, v1;
	v16 =	vsel vm0, $0x0, v22  }
0x18e: {  	v22 =	vsel vm0, $0x0, v14;
	v14 =	vadd.f32 v18, v19;
	v19 =	vadd.f32 v21, v17  }
0x18f: {  	v18 =	vsel vm2, $0x0, v23;
	v17 =	vsel vm0, $0x0, v25;
	v12 =	vadd.f32 v22, v12  }
0x190: {  	s6 =	sadd.s32 $0x40, s6;
	s8 =	smov.u32 s7;
	v21 =	vsel vm3, $0x0, v24;
	v17 =	vadd.f32 v17, v20;
	v20 =	vperm.xlane v15, v4  }
0x191: {  	v10 =	vadd.f32 v21, v10  }
0x192: {  	v9 =	vadd.f32 v19, v9;
	v13 =	vadd.f32 v18, v13  }
0x193: {  	v47 =	vperm.xlane v14, v4;
	v11 =	vadd.f32 v16, v11;
	v46 =	vperm.xlane v10, v1  }
0x194: {  	v50 =	vperm.xlane v12, v2;
	v45 =	vperm.xlane v17, v2;
	v20 =	vsel vm2, $0x0, v20  }
0x195: {  	v15 =	vadd.f32 v20, v15;
	v48 =	vperm.xlane v9, v5;
	v18 =	vsel vm0, $0x0, v46  }
0x196: {  	v49 =	vsel vm2, $0x0, v47;
	v7 =	vadd.f32 v13, v7;
	v10 =	vadd.f32 v18, v10  }
0x197: {  	v52 =	vperm.xlane v11, v2;
	v19 =	vsel vm1, $0x0, v45;
	v53 =	vadd.f32 v49, v14  }
0x198: {  	v51 =	vadd.f32 v19, v17;
	v18 =	vsel vm1, $0x0, v50;
	v54 =	vperm.xlane v10, v2  }
0x199: {  	v55 =	vperm.xlane v7, v5;
	v17 =	vsel vm1, $0x0, v52;
	v56 =	vadd.f32 v18, v12  }
0x19a: {  	v11 =	vadd.f32 v17, v11;
	v57 =	vperm.xlane v51, v4;
	v16 =	vsel vm1, $0x0, v54  }
0x19b: {  	v8 =	vadd.f32 v15, v8;
	v58 =	vperm.xlane v56, v4;
	v10 =	vadd.f32 v16, v10  }
0x19c: {  	v6 =	vadd.f32 v53, v6;
	v60 =	vperm.xlane v11, v4;
	v59 =	vsel vm2, $0x0, v57  }
0x19d: {  	[tilespmem:s4+$0x8080] =	vst v9;
	v9 =	vadd.f32 v59, v51;
	v61 =	vsel vm2, $0x0, v58;
	v62 =	vperm.xlane v10, v4  }
0x19e: {  	[tilespmem:s4+$0x8180] =	vst v7;
	v7 =	vperm.xlane v8, v5;
	v63 =	vsel vm2, $0x0, v60;
	v12 =	vadd.f32 v61, v56  }
0x19f: {  	[tilespmem:s4+$0x8100] =	vst v8;
	v8 =	vadd.f32 v9, v48;
	v9 =	vadd.f32 v63, v11;
	v11 =	vsel vm2, $0x0, v62  }
0x1a0: {  	[tilespmem:s4+$0x8000] =	vst v6;
	v6 =	vperm.xlane v6, v5;
	v12 =	vadd.f32 v12, v55;
	v10 =	vadd.f32 v11, v10  }
0x1a1: {  	[tilespmem:s5+$0x8080] =	vst v8;
	v11 =	vadd.f32 v9, v7  }
0x1a2: {  	[tilespmem:s5+$0x8180] =	vst v12;
	v6 =	vadd.f32 v10, v6  }
0x1a3: {  	s7 =	sadd.s32 $0x0, s19;
	v9 =	vperm.xlane v8, v5;
	v7 =	vperm.xlane v12, v5;
	[tilespmem:s5+$0x8100] =	vst v11  }
0x1a4: {  	s6 =	simm.s32 $0x8200;
	s4 =	simm.s32 $0x8000;
	v8 =	vperm.xlane v11, v5;
	[tilespmem:s5+$0x8000] =	vst v6;
	v6 =	vperm.xlane v6, v5;
	s5 =	simm.s32 $0x10  }
.LBB2_48:
0x1a5: {  	[hbm4b:s7+s1] =	stream.linear.scatter [tilespmem:s4], [sflag:$0x1], $0x80, $0x38;
	[tilespmem:$0x10000] =	vst v63  }
0x1a6: {  	s7 =	smov.u32 s5;
	s4 =	smov.u32 s6;
	p0 =	sne.s32 s5, $0x3F0  }
.Ltmp23:
0x1a7: {  	s5 =	sadd.s32 $0x10, s5;
	(pc) =	sbr.rel @p0 .LBB2_48-.Ltmp23, $2  }
0x1a8: {  	_ =	sdelay $0x2  }
0x1a9: {  	s6 =	sadd.s32 $0x200, s6;
	s7 =	sadd.s32 s7, s19  }
0x1aa: {  	[hbm4b:s7+s1] =	stream.linear.scatter [tilespmem:s4], [sflag:$0x1], $0x80, $0x38;
	[tilespmem:$0x10000] =	vst v63  }
0x1ab: {  	s8 =	simm.s32 $0x1  }
0x1ac: {  	_ =	swait.ge [sflag:s8], $0x2000  }
0x1ad: {  	s4 =	simm.s32 $0x8080;
	s5 =	simm.s32 $0x10;
	[sflag:s8] =	ssyncset.done $0x0  }
0x1ae: {  	s7 =	sadd.s32 $0x0, s20;
	s6 =	simm.s32 $0x8280;
	[sflag:s8] =	ssyncadd.s32 $0xFFFFE000  }
.LBB2_50:
0x1af: {  	[hbm4b:s7+s1] =	stream.linear.scatter [tilespmem:s4], [sflag:$0x1], $0x80, $0x38;
	[tilespmem:$0x10000] =	vst v63  }
0x1b0: {  	s7 =	smov.u32 s5;
	s4 =	smov.u32 s6;
	p0 =	sne.s32 s5, $0x3F0  }
.Ltmp24:
0x1b1: {  	s5 =	sadd.s32 $0x10, s5;
	(pc) =	sbr.rel @p0 .LBB2_50-.Ltmp24, $2  }
0x1b2: {  	_ =	sdelay $0x2  }
0x1b3: {  	s6 =	sadd.s32 $0x200, s6;
	s7 =	sadd.s32 s7, s20  }
0x1b4: {  	[hbm4b:s7+s1] =	stream.linear.scatter [tilespmem:s4], [sflag:$0x1], $0x80, $0x38;
	[tilespmem:$0x10000] =	vst v63  }
0x1b5: {  	_ =	swait.ge [sflag:s8], $0x2000  }
0x1b6: {  	s4 =	simm.s32 $0x8100;
	s5 =	simm.s32 $0x10;
	[sflag:s8] =	ssyncset.done $0x0  }
0x1b7: {  	s7 =	sadd.s32 $0x0, s21;
	s6 =	simm.s32 $0x8300;
	[sflag:s8] =	ssyncadd.s32 $0xFFFFE000  }
.LBB2_52:
0x1b8: {  	[hbm4b:s7+s1] =	stream.linear.scatter [tilespmem:s4], [sflag:$0x1], $0x80, $0x38;
	[tilespmem:$0x10000] =	vst v63  }
0x1b9: {  	s7 =	smov.u32 s5;
	s4 =	smov.u32 s6;
	p0 =	sne.s32 s5, $0x3F0  }
.Ltmp25:
0x1ba: {  	s5 =	sadd.s32 $0x10, s5;
	(pc) =	sbr.rel @p0 .LBB2_52-.Ltmp25, $2  }
0x1bb: {  	_ =	sdelay $0x2  }
0x1bc: {  	s6 =	sadd.s32 $0x200, s6;
	s7 =	sadd.s32 s7, s21  }
0x1bd: {  	[hbm4b:s7+s1] =	stream.linear.scatter [tilespmem:s4], [sflag:$0x1], $0x80, $0x38;
	[tilespmem:$0x10000] =	vst v63  }
0x1be: {  	_ =	swait.ge [sflag:s8], $0x2000  }
0x1bf: {  	s4 =	simm.s32 $0x8180;
	s5 =	simm.s32 $0x10;
	[sflag:s8] =	ssyncset.done $0x0  }
0x1c0: {  	s7 =	sadd.s32 $0x0, s23;
	s6 =	simm.s32 $0x8380;
	[sflag:s8] =	ssyncadd.s32 $0xFFFFE000  }
.LBB2_54:
0x1c1: {  	[hbm4b:s7+s1] =	stream.linear.scatter [tilespmem:s4], [sflag:$0x1], $0x80, $0x38;
	[tilespmem:$0x10000] =	vst v63  }
0x1c2: {  	s7 =	smov.u32 s5;
	s4 =	smov.u32 s6;
	p0 =	sne.s32 s5, $0x3F0  }
.Ltmp26:
0x1c3: {  	s5 =	sadd.s32 $0x10, s5;
	(pc) =	sbr.rel @p0 .LBB2_54-.Ltmp26, $2  }
0x1c4: {  	_ =	sdelay $0x2  }
0x1c5: {  	s6 =	sadd.s32 $0x200, s6;
	s7 =	sadd.s32 s7, s23  }
0x1c6: {  	[hbm4b:s7+s1] =	stream.linear.scatter [tilespmem:s4], [sflag:$0x1], $0x80, $0x38;
	[tilespmem:$0x10000] =	vst v63  }
0x1c7: {  	_ =	swait.ge [sflag:s8], $0x2000  }
0x1c8: {  	s4 =	simm.s32 $0x0;
	s5 =	simm.s32 $0x10;
	[sflag:s8] =	ssyncset.done $0x0  }
0x1c9: {  	s7 =	sadd.s32 $0x0, s26;
	s6 =	simm.s32 $0x200;
	[sflag:s8] =	ssyncadd.s32 $0xFFFFE000  }
.LBB2_56:
0x1ca: {  	[tilespmem:s4], [sflag:$0x1] =	stream.linear.gather [hbm4b:s7+s1], $0x80, $0x38;
	[tilespmem:$0x10000] =	vst v63  }
0x1cb: {  	s7 =	smov.u32 s5;
	s4 =	smov.u32 s6;
	p0 =	sne.s32 s5, $0x3F0  }
.Ltmp27:
0x1cc: {  	s5 =	sadd.s32 $0x10, s5;
	(pc) =	sbr.rel @p0 .LBB2_56-.Ltmp27, $2  }
0x1cd: {  	_ =	sdelay $0x2  }
0x1ce: {  	s6 =	sadd.s32 $0x200, s6;
	s7 =	sadd.s32 s7, s26  }
0x1cf: {  	[tilespmem:s4], [sflag:$0x1] =	stream.linear.gather [hbm4b:s7+s1], $0x80, $0x38;
	[tilespmem:$0x10000] =	vst v63  }
0x1d0: {  	_ =	swait.ge [sflag:s8], $0x2000  }
0x1d1: {  	s4 =	simm.s32 $0x80;
	s5 =	simm.s32 $0x10;
	[sflag:s8] =	ssyncset.done $0x0  }
0x1d2: {  	s7 =	sadd.s32 $0x0, s28;
	s6 =	simm.s32 $0x280;
	[sflag:s8] =	ssyncadd.s32 $0xFFFFE000  }
.LBB2_58:
0x1d3: {  	[tilespmem:s4], [sflag:$0x1] =	stream.linear.gather [hbm4b:s7+s1], $0x80, $0x38;
	[tilespmem:$0x10000] =	vst v63  }
0x1d4: {  	s7 =	smov.u32 s5;
	s4 =	smov.u32 s6;
	p0 =	sne.s32 s5, $0x3F0  }
.Ltmp28:
0x1d5: {  	s5 =	sadd.s32 $0x10, s5;
	(pc) =	sbr.rel @p0 .LBB2_58-.Ltmp28, $2  }
0x1d6: {  	_ =	sdelay $0x2  }
0x1d7: {  	s6 =	sadd.s32 $0x200, s6;
	s7 =	sadd.s32 s7, s28  }
0x1d8: {  	[tilespmem:s4], [sflag:$0x1] =	stream.linear.gather [hbm4b:s7+s1], $0x80, $0x38;
	[tilespmem:$0x10000] =	vst v63  }
0x1d9: {  	_ =	swait.ge [sflag:s8], $0x2000  }
0x1da: {  	s4 =	simm.s32 $0x100;
	s5 =	simm.s32 $0x10;
	[sflag:s8] =	ssyncset.done $0x0  }
0x1db: {  	s7 =	sadd.s32 $0x0, s29;
	s6 =	simm.s32 $0x300;
	[sflag:s8] =	ssyncadd.s32 $0xFFFFE000  }
.LBB2_60:
0x1dc: {  	[tilespmem:s4], [sflag:$0x1] =	stream.linear.gather [hbm4b:s7+s1], $0x80, $0x38;
	[tilespmem:$0x10000] =	vst v63  }
0x1dd: {  	s7 =	smov.u32 s5;
	s4 =	smov.u32 s6;
	p0 =	sne.s32 s5, $0x3F0  }
.Ltmp29:
0x1de: {  	s5 =	sadd.s32 $0x10, s5;
	(pc) =	sbr.rel @p0 .LBB2_60-.Ltmp29, $2  }
0x1df: {  	_ =	sdelay $0x2  }
0x1e0: {  	s6 =	sadd.s32 $0x200, s6;
	s7 =	sadd.s32 s7, s29  }
0x1e1: {  	[tilespmem:s4], [sflag:$0x1] =	stream.linear.gather [hbm4b:s7+s1], $0x80, $0x38;
	[tilespmem:$0x10000] =	vst v63  }
0x1e2: {  	_ =	swait.ge [sflag:s8], $0x2000  }
0x1e3: {  	s4 =	simm.s32 $0x180;
	s5 =	simm.s32 $0x10;
	[sflag:s8] =	ssyncset.done $0x0  }
0x1e4: {  	s7 =	sadd.s32 $0x0, s30;
	s6 =	simm.s32 $0x380;
	[sflag:s8] =	ssyncadd.s32 $0xFFFFE000  }
.LBB2_62:
0x1e5: {  	[tilespmem:s4], [sflag:$0x1] =	stream.linear.gather [hbm4b:s7+s1], $0x80, $0x38;
	[tilespmem:$0x10000] =	vst v63  }
0x1e6: {  	s7 =	smov.u32 s5;
	s4 =	smov.u32 s6;
	p0 =	sne.s32 s5, $0x3F0  }
.Ltmp30:
0x1e7: {  	s5 =	sadd.s32 $0x10, s5;
	(pc) =	sbr.rel @p0 .LBB2_62-.Ltmp30, $2  }
0x1e8: {  	_ =	sdelay $0x2  }
0x1e9: {  	s6 =	sadd.s32 $0x200, s6;
	s7 =	sadd.s32 s7, s30  }
0x1ea: {  	[tilespmem:s4], [sflag:$0x1] =	stream.linear.gather [hbm4b:s7+s1], $0x80, $0x38;
	[tilespmem:$0x10000] =	vst v63  }
0x1eb: {  	s9 =	simm.s32 $0x0;
	_ =	swait.ge [sflag:s8], $0x2000  }
0x1ec: {  	s5 =	sand.u32 $0x70, s9;
	s4 =	sand.u32 $0x7E00, s9;
	[sflag:s8] =	ssyncset.done $0x0  }
0x1ed: {  	s4 =	sor.u32 s5, s4;
	[sflag:s8] =	ssyncadd.s32 $0xFFFFE000  }
0x1ee: {  	v10 =	vld [tilespmem:s4+$0x80]  }
0x1ef: {  	v12 =	vld [tilespmem:s4+$0x100];
	_ =	sdelay $0x1  }
0x1f0: {  	v11 =	vld [tilespmem:s4+$0x180]  }
0x1f1: {  	v13 =	vld [tilespmem:s4+$0x0]  }
0x1f2: {  	v14 =	vperm.xlane v10, v0  }
0x1f3: {  	vm3 =	veq.s32 v3, $0x0;
	v16 =	vperm.xlane v12, v0  }
0x1f4: {  	s10 =	simm.s32 $0x10;
	s6 =	simm.s32 $0x40;
	v14 =	vsel vm3, $0x0, v14  }
0x1f5: {  	s6 =	sand.u32 $0x7E00, s6;
	s5 =	sand.u32 $0x70, s10;
	v15 =	vperm.xlane v11, v0;
	v10 =	vadd.f32 v14, v10;
	v14 =	vsel vm3, $0x0, v16  }
0x1f6: {  	s5 =	sor.u32 s5, s6;
	v12 =	vadd.f32 v14, v12;
	v14 =	vperm.xlane v13, v0  }
0x1f7: {  	v20 =	vld [tilespmem:s5+$0x80];
	v15 =	vsel vm3, $0x0, v15;
	v16 =	vperm.xlane v10, v1  }
0x1f8: {  	v11 =	vadd.f32 v15, v11;
	v14 =	vsel vm3, $0x0, v14  }
0x1f9: {  	v16 =	vsel vm0, $0x0, v16;
	v13 =	vadd.f32 v14, v13  }
0x1fa: {  	v17 =	vperm.xlane v11, v1;
	v14 =	vld [tilespmem:s5+$0x180];
	v10 =	vadd.f32 v16, v10  }
0x1fb: {  	v15 =	vperm.xlane v12, v1;
	v16 =	vld [tilespmem:s5+$0x100];
	v19 =	vperm.xlane v13, v1  }
0x1fc: {  	v23 =	vperm.xlane v20, v0;
	v17 =	vsel vm0, $0x0, v17;
	v18 =	vperm.xlane v10, v2  }
0x1fd: {  	v15 =	vsel vm0, $0x0, v15;
	v11 =	vadd.f32 v17, v11;
	v17 =	vsel vm0, $0x0, v19  }
0x1fe: {  	v12 =	vadd.f32 v15, v12;
	v15 =	vsel vm1, $0x0, v18;
	v17 =	vadd.f32 v17, v13  }
0x1ff: {  	v19 =	vperm.xlane v14, v0;
	v18 =	vadd.f32 v15, v10;
	v10 =	vperm.xlane v11, v2  }
0x200: {  	v15 =	vperm.xlane v12, v2;
	v21 =	vperm.xlane v16, v0  }
0x201: {  	v24 =	vperm.xlane v17, v2;
	v19 =	vsel vm3, $0x0, v19;
	v13 =	vsel vm1, $0x0, v10  }
0x202: {  	v22 =	vperm.xlane v18, v4;
	v15 =	vsel vm1, $0x0, v15;
	v13 =	vadd.f32 v13, v11  }
0x203: {  	v10 =	vld [tilespmem:s5+$0x0];
	v11 =	vsel vm3, $0x0, v21;
	v21 =	vsel vm3, $0x0, v23;
	v15 =	vadd.f32 v15, v12  }
0x204: {  	v20 =	vadd.f32 v21, v20;
	v21 =	vadd.f32 v19, v14  }
0x205: {  	v11 =	vadd.f32 v11, v16;
	v14 =	vsel vm1, $0x0, v24;
	v19 =	vsel vm2, $0x0, v22  }
0x206: {  	v23 =	vperm.xlane v13, v4;
	v14 =	vadd.f32 v14, v17;
	v12 =	vperm.xlane v21, v1  }
0x207: {  	v19 =	vadd.f32 v19, v18;
	v16 =	vperm.xlane v11, v1;
	v63 =	vperm.xlane v20, v1  }
0x208: {  	v22 =	vperm.xlane v10, v0;
	v18 =	vsel vm2, $0x0, v23;
	v12 =	vsel vm0, $0x0, v12  }
0x209: {  	v16 =	vsel vm0, $0x0, v16;
	v17 =	vsel vm0, $0x0, v63;
	v12 =	vadd.f32 v12, v21  }
0x20a: {  	s8 =	simm.s32 $0x20;
	s6 =	simm.s32 $0x80;
	v21 =	vsel vm3, $0x0, v22;
	v17 =	vadd.f32 v17, v20;
	v20 =	vperm.xlane v15, v4  }
.LBB2_64:
0x20b: {  	s7 =	smov.u32 s8  }
0x20c: {  	s9 =	sand.u32 $0x70, s8;
	s10 =	sand.u32 $0x7E00, s6;
	v21 =	vadd.f32 v21, v10;
	v10 =	vperm.xlane v14, v4;
	v9 =	vadd.f32 v19, v9;
	s7 =	sadd.s32 $0x10, s8  }
0x20d: {  	p0 =	sne.s32 s8, $0x1FF0;
	v13 =	vadd.f32 v18, v13;
	s9 =	sor.u32 s9, s10;
	v19 =	vperm.xlane v17, v2;
	v20 =	vsel vm2, $0x0, v20  }
0x20e: {  	v22 =	vperm.xlane v21, v1;
	v15 =	vadd.f32 v20, v15;
	v18 =	vld [tilespmem:s9+$0x180];
	[tilespmem:s4+$0x8080] =	vst v9;
	v9 =	vperm.xlane v9, v5  }
0x20f: {  	v23 =	vsel vm2, $0x0, v10;
	v7 =	vadd.f32 v13, v7;
	v19 =	vsel vm1, $0x0, v19;
	v20 =	vld [tilespmem:s9+$0x100]  }
0x210: {  	v16 =	vadd.f32 v16, v11;
	v13 =	vsel vm0, $0x0, v22;
	v17 =	vadd.f32 v19, v17;
	v24 =	vld [tilespmem:s9+$0x80]  }
0x211: {  	v11 =	vadd.f32 v23, v14;
	v19 =	vadd.f32 v13, v21;
	v10 =	vld [tilespmem:s9+$0x0];
	[tilespmem:s4+$0x8180] =	vst v7;
	v7 =	vperm.xlane v7, v5  }
0x212: {  	v14 =	vperm.xlane v16, v2;
	v8 =	vadd.f32 v15, v8;
	v13 =	vperm.xlane v12, v2  }
0x213: {  	v6 =	vadd.f32 v11, v6;
	v21 =	vperm.xlane v17, v4;
	v15 =	vperm.xlane v18, v0  }
0x214: {  	v22 =	vperm.xlane v19, v2;
	v13 =	vsel vm1, $0x0, v13;
	v11 =	vperm.xlane v20, v0;
	[tilespmem:s4+$0x8100] =	vst v8  }
0x215: {  	v13 =	vadd.f32 v13, v12;
	v23 =	vperm.xlane v24, v0;
	[tilespmem:s4+$0x8000] =	vst v6;
	v6 =	vperm.xlane v6, v5;
	s4 =	smov.u32 s5;
	s5 =	smov.u32 s9  }
0x216: {  	v8 =	vperm.xlane v8, v5;
	v12 =	vsel vm3, $0x0, v15;
	v11 =	vsel vm3, $0x0, v11  }
0x217: {  	v14 =	vsel vm1, $0x0, v14;
	v15 =	vsel vm3, $0x0, v23;
	v11 =	vadd.f32 v11, v20  }
0x218: {  	v12 =	vadd.f32 v12, v18;
	v18 =	vsel vm1, $0x0, v22;
	v20 =	vadd.f32 v15, v24  }
0x219: {  	v23 =	vperm.xlane v13, v4;
	v15 =	vadd.f32 v14, v16;
	v22 =	vperm.xlane v11, v1  }
.Ltmp31:
0x21a: {  	v21 =	vsel vm2, $0x0, v21;
	v14 =	vperm.xlane v12, v1;
	(pc) =	sbr.rel @p0 .LBB2_64-.Ltmp31, $4  }
0x21b: {  	v24 =	vperm.xlane v10, v0;
	v25 =	vperm.xlane v20, v1;
	v16 =	vsel vm0, $0x0, v22  }
0x21c: {  	v22 =	vsel vm0, $0x0, v14;
	v14 =	vadd.f32 v18, v19;
	v19 =	vadd.f32 v21, v17  }
0x21d: {  	v18 =	vsel vm2, $0x0, v23;
	v17 =	vsel vm0, $0x0, v25;
	v12 =	vadd.f32 v22, v12  }
0x21e: {  	s6 =	sadd.s32 $0x40, s6;
	s8 =	smov.u32 s7;
	v21 =	vsel vm3, $0x0, v24;
	v17 =	vadd.f32 v17, v20;
	v20 =	vperm.xlane v15, v4  }
0x21f: {  	v10 =	vadd.f32 v21, v10  }
0x220: {  	v9 =	vadd.f32 v19, v9;
	v13 =	vadd.f32 v18, v13  }
0x221: {  	v43 =	vperm.xlane v14, v4;
	v11 =	vadd.f32 v16, v11;
	v42 =	vperm.xlane v10, v1  }
0x222: {  	v46 =	vperm.xlane v12, v2;
	v41 =	vperm.xlane v17, v2;
	v20 =	vsel vm2, $0x0, v20  }
0x223: {  	v15 =	vadd.f32 v20, v15;
	v44 =	vperm.xlane v9, v5;
	v18 =	vsel vm0, $0x0, v42  }
0x224: {  	v45 =	vsel vm2, $0x0, v43;
	v48 =	vperm.xlane v11, v2;
	v10 =	vadd.f32 v18, v10  }
0x225: {  	v7 =	vadd.f32 v13, v7;
	v19 =	vsel vm1, $0x0, v41;
	v49 =	vadd.f32 v45, v14  }
0x226: {  	v47 =	vadd.f32 v19, v17;
	v17 =	vsel vm1, $0x0, v48;
	v50 =	vperm.xlane v10, v2  }
0x227: {  	v51 =	vperm.xlane v7, v5;
	v18 =	vsel vm1, $0x0, v46;
	v11 =	vadd.f32 v17, v11  }
0x228: {  	v52 =	vadd.f32 v18, v12;
	v53 =	vperm.xlane v47, v4;
	v16 =	vsel vm1, $0x0, v50  }
0x229: {  	v8 =	vadd.f32 v15, v8;
	v56 =	vperm.xlane v11, v4;
	v10 =	vadd.f32 v16, v10  }
0x22a: {  	v6 =	vadd.f32 v49, v6;
	v54 =	vperm.xlane v52, v4;
	v55 =	vsel vm2, $0x0, v53  }
0x22b: {  	[tilespmem:s4+$0x8080] =	vst v9;
	v57 =	vadd.f32 v55, v47;
	v60 =	vsel vm2, $0x0, v56;
	v59 =	vperm.xlane v10, v4  }
0x22c: {  	[tilespmem:s4+$0x8180] =	vst v7;
	v7 =	vperm.xlane v8, v5;
	v58 =	vsel vm2, $0x0, v54;
	v62 =	vadd.f32 v60, v11  }
0x22d: {  	[tilespmem:s4+$0x8100] =	vst v8;
	v12 =	vadd.f32 v58, v52;
	v61 =	vadd.f32 v57, v44;
	v63 =	vsel vm2, $0x0, v59  }
0x22e: {  	[tilespmem:s4+$0x8000] =	vst v6;
	v6 =	vperm.xlane v6, v5;
	v7 =	vadd.f32 v62, v7;
	v10 =	vadd.f32 v63, v10  }
0x22f: {  	v12 =	vadd.f32 v12, v51;
	[tilespmem:s5+$0x8080] =	vst v61  }
0x230: {  	[tilespmem:s5+$0x8100] =	vst v7;
	v6 =	vadd.f32 v10, v6  }
0x231: {  	s7 =	sadd.s32 $0x0, s31;
	[tilespmem:s5+$0x8180] =	vst v12  }
0x232: {  	s6 =	simm.s32 $0x8200;
	s4 =	simm.s32 $0x8000;
	[tilespmem:s5+$0x8000] =	vst v6;
	s5 =	simm.s32 $0x10  }
.LBB2_66:
0x233: {  	[hbm4b:s7+s1] =	stream.linear.scatter [tilespmem:s4], [sflag:$0x1], $0x80, $0x38;
	[tilespmem:$0x10000] =	vst v63  }
0x234: {  	s7 =	smov.u32 s5;
	s4 =	smov.u32 s6;
	p0 =	sne.s32 s5, $0x3F0  }
.Ltmp32:
0x235: {  	s5 =	sadd.s32 $0x10, s5;
	(pc) =	sbr.rel @p0 .LBB2_66-.Ltmp32, $2  }
0x236: {  	_ =	sdelay $0x2  }
0x237: {  	s6 =	sadd.s32 $0x200, s6;
	s7 =	sadd.s32 s7, s31  }
0x238: {  	[hbm4b:s7+s1] =	stream.linear.scatter [tilespmem:s4], [sflag:$0x1], $0x80, $0x38;
	[tilespmem:$0x10000] =	vst v63  }
0x239: {  	s10 =	simm.s32 $0x1  }
0x23a: {  	s4 =	simm.s32 $0x8080;
	s5 =	simm.s32 $0x10;
	_ =	swait.ge [sflag:s10], $0x2000  }
0x23b: {  	s7 =	sadd.s32 $0x0, s0;
	[sflag:s10] =	ssyncset.done $0x0;
	s9 =	rddreg [dreg:$0x3]  }
0x23c: {  	s6 =	simm.s32 $0x8280;
	[sflag:s10] =	ssyncadd.s32 $0xFFFFE000;
	s10 =	rddreg [dreg:$0x4]  }
.LBB2_68:
0x23d: {  	[hbm4b:s7+s1] =	stream.linear.scatter [tilespmem:s4], [sflag:$0x1], $0x80, $0x38;
	[tilespmem:$0x10000] =	vst v63  }
0x23e: {  	s7 =	smov.u32 s5;
	s4 =	smov.u32 s6;
	p0 =	sne.s32 s5, $0x3F0  }
.Ltmp33:
0x23f: {  	s5 =	sadd.s32 $0x10, s5;
	(pc) =	sbr.rel @p0 .LBB2_68-.Ltmp33, $2  }
0x240: {  	_ =	sdelay $0x2  }
0x241: {  	s6 =	sadd.s32 $0x200, s6;
	s7 =	sadd.s32 s7, s0  }
0x242: {  	[hbm4b:s7+s1] =	stream.linear.scatter [tilespmem:s4], [sflag:$0x1], $0x80, $0x38;
	[tilespmem:$0x10000] =	vst v63  }
0x243: {  	s8 =	simm.s32 $0x1  }
0x244: {  	_ =	swait.ge [sflag:s8], $0x2000  }
0x245: {  	s4 =	simm.s32 $0x8100;
	s5 =	simm.s32 $0x10;
	[sflag:s8] =	ssyncset.done $0x0  }
0x246: {  	s7 =	sadd.s32 $0x0, s2;
	s6 =	simm.s32 $0x8300;
	[sflag:s8] =	ssyncadd.s32 $0xFFFFE000  }
.LBB2_70:
0x247: {  	[hbm4b:s7+s1] =	stream.linear.scatter [tilespmem:s4], [sflag:$0x1], $0x80, $0x38;
	[tilespmem:$0x10000] =	vst v63  }
0x248: {  	s7 =	smov.u32 s5;
	s4 =	smov.u32 s6;
	p0 =	sne.s32 s5, $0x3F0  }
.Ltmp34:
0x249: {  	s5 =	sadd.s32 $0x10, s5;
	(pc) =	sbr.rel @p0 .LBB2_70-.Ltmp34, $2  }
0x24a: {  	_ =	sdelay $0x2  }
0x24b: {  	s6 =	sadd.s32 $0x200, s6;
	s7 =	sadd.s32 s7, s2  }
0x24c: {  	[hbm4b:s7+s1] =	stream.linear.scatter [tilespmem:s4], [sflag:$0x1], $0x80, $0x38;
	[tilespmem:$0x10000] =	vst v63  }
0x24d: {  	s8 =	simm.s32 $0x1  }
0x24e: {  	_ =	swait.ge [sflag:s8], $0x2000  }
0x24f: {  	s4 =	simm.s32 $0x8180;
	s5 =	simm.s32 $0x10;
	[sflag:s8] =	ssyncset.done $0x0  }
0x250: {  	s7 =	sadd.s32 $0x0, s3;
	s6 =	simm.s32 $0x8380;
	[sflag:s8] =	ssyncadd.s32 $0xFFFFE000  }
.LBB2_72:
0x251: {  	[hbm4b:s7+s1] =	stream.linear.scatter [tilespmem:s4], [sflag:$0x1], $0x80, $0x38;
	[tilespmem:$0x10000] =	vst v63  }
0x252: {  	s7 =	smov.u32 s5;
	s4 =	smov.u32 s6;
	p0 =	sne.s32 s5, $0x3F0  }
.Ltmp35:
0x253: {  	s5 =	sadd.s32 $0x10, s5;
	(pc) =	sbr.rel @p0 .LBB2_72-.Ltmp35, $2  }
0x254: {  	_ =	sdelay $0x2  }
0x255: {  	s6 =	sadd.s32 $0x200, s6;
	s7 =	sadd.s32 s7, s3  }
0x256: {  	[hbm4b:s7+s1] =	stream.linear.scatter [tilespmem:s4], [sflag:$0x1], $0x80, $0x38;
	[tilespmem:$0x10000] =	vst v63  }
0x257: {  	s5 =	simm.s32 $0x1  }
0x258: {  	_ =	swait.ge [sflag:s5], $0x2000  }
0x259: {  	s6 =	rddreg [dreg:$0xd]  }
0x25a: {  	s8 =	rddreg [dreg:$0xc];
	s6 =	sadd.s32 $0x1, s6  }
0x25b: {  	p0 =	sne.s32 s6, s8  }
.Ltmp36:
0x25c: {  	_ = 	snop;
	(pc) =	sbr.rel @p0 .LBB2_1-.Ltmp36, $3  }
0x25d: {  	_ =	sdelay $0x1  }
0x25e: {  	[sflag:s5] =	ssyncset.done $0x0  }
0x25f: {  	[sflag:s5] =	ssyncadd.s32 $0xFFFFE000  }
0x260: {  	_ =	sfence.sel $0x180000  }
0x261: {  	[bflag:$0x0] =	sbarrier.arrive $0xFFFF  }
0x262: {  	_ =	strace $0x90000047  }
0x263: {  	s0 =	stileid.u32;
	[bflag:$0x2] =	sbarrier.arrive $0xFFFF  }
0x264: {  	p0 =	sne.s32 s0, $0x0;
	s0 =	rddreg [dreg:$0x2]  }
0x265: {  	s0 =	sadd.s32 @!p0 $0x100000, s0  }
0x266: {  	[sflag:s0] =	ssyncadd.tile.s32 @!p0 $0x1;
	_ =	shalt  }
.Lfunc_end2:
_tile_overlayer_lowered:
.L_overlay_start_2:
0x267: {  	(tag) =	ssettag $0x2  }
0x268: {  	s0 =	rddreg [dreg:$0x0];
	s2 =	stileid.u32  }
0x269: {  	s1 =	rddreg [dreg:$0x1];
	p0 =	sne.s32 s2, $0x0  }
0x26a: {  	s3 =	rddreg [dreg:$0x2];
	[bflag:$0x3] =	sbarrier.arrive $0xFFFF;
	s2 =	simm.s32 @!p0 $0x1C01  }
0x26b: {  	[timem:s3], [sflag:s2] =	dma.local @!p0 [hbm:s0], s1  }
0x26c: {  	s0 =	simm.s32 @!p0 $0x1  }
0x26d: {  	_ =	swait.ge @!p0 [sflag:s0], s1  }
0x26e: {  	s1 =	ssub.s32 @!p0 $0x0, s1;
	[sflag:s0] =	ssyncset.done @!p0 $0x0  }
0x26f: {  	[sflag:s0] =	ssyncadd.s32 @!p0 s1  }
0x270: {  	[bflag:$0x3] =	sbarrier.arrive $0xFFFF  }
0x271: {  	_ =	shalt  }

</sc_bundles>
